<compile_context>
chip_gen: v7x
topology: tpu7x:2x2x1
jax: 0.10.2.dev20260603
libtpu: 0.0.44.dev20260713+nightly
codegen_flags: <defaults>
</compile_context>

<pallas_src>
import functools
import math

import jax
import jax.numpy as jnp
from jax import lax
from jax.experimental import pallas as pl
from jax.experimental.pallas import tpu as pltpu
from jax.experimental.pallas import tpu_sc as plsc

N = 10000
E = 320000
D = 128
H = 4
DH = 32
PD = 16
R = 16
L = 2
ALPHA = 0.5

NB = 10
BN = N // NB
EB = 160
BE = E // EB
DR = 320

NC = 2
NS = 16
NW = NC * NS
GB = 80

_INV_SQRT_DH = 1.0 / math.sqrt(DH)


def _pack2(a, b):
    ua = lax.bitcast_convert_type(a, jnp.uint32)
    ub = lax.bitcast_convert_type(b, jnp.uint32)
    hi = (ua + jnp.uint32(0x8000)) & jnp.uint32(0xFFFF0000)
    lo = lax.shift_right_logical(ub + jnp.uint32(0x8000), jnp.uint32(16))
    return lax.bitcast_convert_type(hi | lo, jnp.float32)


def _unpack2(w):
    u = lax.bitcast_convert_type(w, jnp.uint32)
    a = lax.bitcast_convert_type(u & jnp.uint32(0xFFFF0000), jnp.float32)
    b = lax.bitcast_convert_type(lax.shift_left(u, jnp.uint32(16)), jnp.float32)
    return a, b


def _qkv_body(hs, hm, wqs, wks, wvs, wqm, wkm, wvm, wes, wem, rel,
              tdst, tsrc, rp):
    a = hs[...]
    b = hm[...]
    dot = functools.partial(jnp.dot, preferred_element_type=jnp.float32)
    tdst[...] = _pack2(dot(a, wqs[...]), dot(b, wqm[...]))
    tsrc[...] = jnp.concatenate(
        [_pack2(dot(a, wks[...]), dot(b, wkm[...])),
         _pack2(dot(a, wvs[...]), dot(b, wvm[...]))], axis=1)
    rp[...] = jnp.concatenate([dot(rel[...], wes[...]), dot(rel[...], wem[...])],
                              axis=1)


def _qkv_call(hs, hm, wqs, wks, wvs, wqm, wkm, wvm, wes, wem, rel):
    w_spec = pl.BlockSpec((D, D), lambda i: (0, 0))
    we_spec = pl.BlockSpec((PD, D), lambda i: (0, 0))
    return pl.pallas_call(
        _qkv_body,
        grid=(NB,),
        in_specs=[
            pl.BlockSpec((BN, D), lambda i: (i, 0)),
            pl.BlockSpec((BN, D), lambda i: (i, 0)),
            w_spec, w_spec, w_spec, w_spec, w_spec, w_spec,
            we_spec, we_spec,
            pl.BlockSpec((R, PD), lambda i: (0, 0)),
        ],
        out_specs=[
            pl.BlockSpec((BN, D), lambda i: (i, 0)),
            pl.BlockSpec((BN, 2 * D), lambda i: (i, 0)),
            pl.BlockSpec((R, 2 * D), lambda i: (0, 0)),
        ],
        out_shape=[
            jax.ShapeDtypeStruct((N, D), jnp.float32),
            jax.ShapeDtypeStruct((N, 2 * D), jnp.float32),
            jax.ShapeDtypeStruct((R, 2 * D), jnp.float32),
        ],
    )(hs, hm, wqs, wks, wvs, wqm, wkm, wvm, wes, wem, rel)


def _gather_call(dst1, src1, tdst, tsrc):
    epw = E // NW
    nch = epw // GB
    mesh = plsc.VectorSubcoreMesh(core_axis_name="c", subcore_axis_name="s")

    @functools.partial(
        pl.kernel,
        mesh=mesh,
        out_type=[
            jax.ShapeDtypeStruct((E, D), jnp.float32),
            jax.ShapeDtypeStruct((E, 2 * D), jnp.float32),
        ],
        scratch_types=[
            pltpu.VMEM((epw,), jnp.int32),
            pltpu.VMEM((epw,), jnp.int32),
            pltpu.VMEM((GB, D), jnp.float32),
            pltpu.VMEM((GB, 2 * D), jnp.float32),
            pltpu.SemaphoreType.DMA,
        ])
    def gk(dst_h, src_h, tdst_h, tsrc_h, qd_h, kv_h, dv, sv, qb, kb, sem):
        wid = lax.axis_index("s") * NC + lax.axis_index("c")
        base = wid * epw
        pltpu.sync_copy(dst_h.at[pl.ds(base, epw)], dv)
        pltpu.sync_copy(src_h.at[pl.ds(base, epw)], sv)

        def body(ci, carry):
            off = pl.multiple_of(ci * GB, GB)
            c1 = pltpu.async_copy(tdst_h.at[dv.at[pl.ds(off, GB)]], qb, sem)
            c2 = pltpu.async_copy(tsrc_h.at[sv.at[pl.ds(off, GB)]], kb, sem)
            c1.wait()
            c2.wait()
            pltpu.sync_copy(qb, qd_h.at[pl.ds(base + off, GB)])
            pltpu.sync_copy(kb, kv_h.at[pl.ds(base + off, GB)])
            return carry

        lax.fori_loop(0, nch, body, 0)

    return gk(dst1, src1, tdst, tsrc)


NHI = 80


def _edge_body(qd, kv, rp, et, dt, vs_out, vm_out, as_out, am_out):
    t = et[0, 0, :]
    oh = (t[:, None] == lax.broadcasted_iota(jnp.int32, (BE, R), 1)
          ).astype(jnp.float32)
    e2 = jnp.dot(oh, rp[...], preferred_element_type=jnp.float32)
    q_s, q_m = _unpack2(qd[...])
    kv_all = kv[...]
    k_s, k_m = _unpack2(kv_all[:, :D])
    v_s, v_m = _unpack2(kv_all[:, D:])
    d = dt[0, 0, :]
    lo = d & (D - 1)
    hi = lax.shift_right_logical(d, 7)
    a_t = (lo[None, :] == lax.broadcasted_iota(jnp.int32, (D, BE), 0)
           ).astype(jnp.bfloat16)
    b = (hi[:, None] == lax.broadcasted_iota(jnp.int32, (BE, NHI), 1)
         ).astype(jnp.float32)

    @pl.when(pl.program_id(0) == 0)
    def _():
        as_out[...] = jnp.zeros((D, H * NHI), jnp.float32)
        am_out[...] = jnp.zeros((D, H * NHI), jnp.float32)

    def stream(q, k0, v0, eoff, out_ref, acc_ref):
        e = e2[:, eoff:eoff + D]
        k = k0 + e
        v = v0 + e
        prod = q * k
        wcols = []
        bcols = []
        for h in range(H):
            sl = slice(h * DH, (h + 1) * DH)
            sh = jnp.sum(prod[:, sl], axis=1, keepdims=True) * _INV_SQRT_DH
            eh = jnp.exp(sh)
            wcols.append(eh * v[:, sl])
            bcols.append(eh * b)
        out_ref[...] = jnp.concatenate(wcols, axis=1)
        bex = jnp.concatenate(bcols, axis=1).astype(jnp.bfloat16)
        acc_ref[...] += jnp.dot(a_t, bex, preferred_element_type=jnp.float32)

    stream(q_s, k_s, v_s, 0, vs_out, as_out)
    stream(q_m, k_m, v_m, D, vm_out, am_out)


def _edge_call(qd, kv, rp, et3, dt3):
    return pl.pallas_call(
        _edge_body,
        grid=(EB,),
        in_specs=[
            pl.BlockSpec((BE, D), lambda i: (i, 0)),
            pl.BlockSpec((BE, 2 * D), lambda i: (i, 0)),
            pl.BlockSpec((R, 2 * D), lambda i: (0, 0)),
            pl.BlockSpec((1, 1, BE), lambda i: (i, 0, 0)),
            pl.BlockSpec((1, 1, BE), lambda i: (i, 0, 0)),
        ],
        out_specs=[
            pl.BlockSpec((BE, D), lambda i: (i, 0)),
            pl.BlockSpec((BE, D), lambda i: (i, 0)),
            pl.BlockSpec((D, H * NHI), lambda i: (0, 0)),
            pl.BlockSpec((D, H * NHI), lambda i: (0, 0)),
        ],
        out_shape=[
            jax.ShapeDtypeStruct((E, D), jnp.float32),
            jax.ShapeDtypeStruct((E, D), jnp.float32),
            jax.ShapeDtypeStruct((D, H * NHI), jnp.float32),
            jax.ShapeDtypeStruct((D, H * NHI), jnp.float32),
        ],
    )(qd, kv, rp, et3, dt3)


_SC_NCH = 256
_SC_CHUNKS = E // GB
_SC_PAD = NS * _SC_NCH


def _scatter_call(dst2, vals_s, vals_m, zeros_n):
    mesh = plsc.VectorSubcoreMesh(core_axis_name="c", subcore_axis_name="s")

    @functools.partial(
        pl.kernel,
        mesh=mesh,
        out_type=jax.ShapeDtypeStruct((2 * N, D), jnp.float32),
        scratch_types=[
            pltpu.VMEM((_SC_NCH, GB), jnp.int32),
            pltpu.VMEM((GB, D), jnp.float32),
            pltpu.VMEM_SHARED((N, D), jnp.float32),
        ])
    def sk(dst_h, vs_h, vm_h, z_h, outp_h, dv, vb, pay):
        c = lax.axis_index("c")
        s = lax.axis_index("s")

        @pl.when(s == 0)
        def _():
            pltpu.sync_copy(z_h, pay)

        plsc.subcore_barrier()
        row0 = s * _SC_NCH
        pltpu.sync_copy(dst_h.at[pl.ds(row0, _SC_NCH)], dv)
        nch_here = jnp.minimum(_SC_NCH, jnp.maximum(_SC_CHUNKS - row0, 0))

        def make_body(v_h):
            def body(ci, carry):
                off = pl.multiple_of((row0 + ci) * GB, GB)
                pltpu.sync_copy(v_h.at[pl.ds(off, GB)], vb)
                pltpu.sync_copy(vb, pay.at[dv.at[ci]], add=True)
                return carry
            return body

        @pl.when(c == 0)
        def _():
            lax.fori_loop(0, nch_here, make_body(vs_h), 0)

        @pl.when(c == 1)
        def _():
            lax.fori_loop(0, nch_here, make_body(vm_h), 0)

        plsc.subcore_barrier()

        @pl.when(s == 0)
        def _():
            pltpu.sync_copy(pay, outp_h.at[pl.ds(c * N, N)])

    return sk(dst2, vals_s, vals_m, zeros_n)


def _combine_stream(o, d, h_prev, wo):
    cols = []
    for h in range(H):
        dh = d[:, h:h + 1]
        cols.append(o[:, h * DH:(h + 1) * DH] / (dh + 1e-9))
    agg = jnp.concatenate(cols, axis=1)
    return jnp.dot(agg, wo, preferred_element_type=jnp.float32) + h_prev


def _layer_body(os_ref, om_ref, ds_ref, dm_ref, hs_ref, hm_ref, wos, wom,
                wqs, wks, wvs, wqm, wkm, wvm, wes, wem, rel,
                hs_out, hm_out, tdst, tsrc, rp):
    a = _combine_stream(os_ref[...], ds_ref[...], hs_ref[...], wos[...])
    b = _combine_stream(om_ref[...], dm_ref[...], hm_ref[...], wom[...])
    hs_out[...] = a
    hm_out[...] = b
    dot = functools.partial(jnp.dot, preferred_element_type=jnp.float32)
    tdst[...] = _pack2(dot(a, wqs[...]), dot(b, wqm[...]))
    tsrc[...] = jnp.concatenate(
        [_pack2(dot(a, wks[...]), dot(b, wkm[...])),
         _pack2(dot(a, wvs[...]), dot(b, wvm[...]))], axis=1)
    rp[...] = jnp.concatenate([dot(rel[...], wes[...]), dot(rel[...], wem[...])],
                              axis=1)


def _layer_call(outp, den_s, den_m, hs, hm, wos, wom,
                wqs, wks, wvs, wqm, wkm, wvm, wes, wem, rel):
    blk = pl.BlockSpec((BN, D), lambda i: (i, 0))
    blk_hi = pl.BlockSpec((BN, D), lambda i: (i + NB, 0))
    dblk = pl.BlockSpec((BN, H), lambda i: (i, 0))
    wblk = pl.BlockSpec((D, D), lambda i: (0, 0))
    we_spec = pl.BlockSpec((PD, D), lambda i: (0, 0))
    return pl.pallas_call(
        _layer_body,
        grid=(NB,),
        in_specs=[blk, blk_hi, dblk, dblk, blk, blk, wblk, wblk,
                  wblk, wblk, wblk, wblk, wblk, wblk,
                  we_spec, we_spec, pl.BlockSpec((R, PD), lambda i: (0, 0))],
        out_specs=[
            blk, blk,
            pl.BlockSpec((BN, D), lambda i: (i, 0)),
            pl.BlockSpec((BN, 2 * D), lambda i: (i, 0)),
            pl.BlockSpec((R, 2 * D), lambda i: (0, 0)),
        ],
        out_shape=[
            jax.ShapeDtypeStruct((N, D), jnp.float32),
            jax.ShapeDtypeStruct((N, D), jnp.float32),
            jax.ShapeDtypeStruct((N, D), jnp.float32),
            jax.ShapeDtypeStruct((N, 2 * D), jnp.float32),
            jax.ShapeDtypeStruct((R, 2 * D), jnp.float32),
        ],
    )(outp, outp, den_s, den_m, hs, hm, wos, wom,
      wqs, wks, wvs, wqm, wkm, wvm, wes, wem, rel)


def _tail_body(os_ref, om_ref, ds_ref, dm_ref, hs_ref, hm_ref, wos, wom,
               cent_ref, wout, params, out_ref):
    a = _combine_stream(os_ref[...], ds_ref[...], hs_ref[...], wos[...])
    b = _combine_stream(om_ref[...], dm_ref[...], hm_ref[...], wom[...])
    bias = params[0]
    gamma = params[1]
    beta = params[2]
    ls = jnp.dot(a, wout[...], preferred_element_type=jnp.float32) + bias
    lm = jnp.dot(b, wout[...], preferred_element_type=jnp.float32) + bias
    lg = ALPHA * ls + (1.0 - ALPHA) * lm
    scale = cent_ref[...] * gamma + beta
    out_ref[...] = jnp.maximum(scale * lg, 0.0)


def _tail_call(outp, den_s, den_m, hs, hm, wos, wom, cent2, wout, params):
    blk = pl.BlockSpec((BN, D), lambda i: (i, 0))
    blk_hi = pl.BlockSpec((BN, D), lambda i: (i + NB, 0))
    dblk = pl.BlockSpec((BN, H), lambda i: (i, 0))
    wblk = pl.BlockSpec((D, D), lambda i: (0, 0))
    return pl.pallas_call(
        _tail_body,
        grid=(NB,),
        in_specs=[
            blk, blk_hi, dblk, dblk, blk, blk, wblk, wblk,
            pl.BlockSpec((BN, 1), lambda i: (i, 0)),
            pl.BlockSpec((D, 1), lambda i: (0, 0)),
            pl.BlockSpec(memory_space=pltpu.SMEM),
        ],
        out_specs=pl.BlockSpec((BN, 1), lambda i: (i, 0)),
        out_shape=jax.ShapeDtypeStruct((N, 1), jnp.float32),
    )(outp, outp, den_s, den_m, hs, hm, wos, wom, cent2, wout, params)


def kernel(feats_struct, feats_semantic, edge_types, edge_index, centrality,
           rel_emb, Wq_s, Wk_s, Wv_s, We_s, Wo_s, Wq_m, Wk_m, Wv_m, We_m,
           Wo_m, W_out, b_out, gamma, beta):
    dst1 = edge_index[1]
    src1 = edge_index[0]
    dst2 = jnp.pad(dst1, (0, _SC_PAD * GB - E)).reshape(_SC_PAD, GB)
    et3 = edge_types.reshape(EB, 1, BE)
    dt3 = dst1.reshape(EB, 1, BE)
    zeros_n = jnp.zeros((N, D), jnp.float32)
    params = jnp.concatenate([b_out, gamma, beta]).astype(jnp.float32)
    cent2 = centrality.reshape(N, 1)

    def unpack_den(acc):
        a = acc.reshape(D, H, NHI)
        return a.transpose(2, 0, 1).reshape(NHI * D, H)[:N]

    hs, hm = feats_struct, feats_semantic
    tdst, tsrc, rp = _qkv_call(hs, hm, Wq_s[0], Wk_s[0], Wv_s[0],
                               Wq_m[0], Wk_m[0], Wv_m[0],
                               We_s[0], We_m[0], rel_emb)
    for l in range(L):
        qd, kv = _gather_call(dst1, src1, tdst, tsrc)
        vals_s, vals_m, acc_s, acc_m = _edge_call(qd, kv, rp, et3, dt3)
        outp = _scatter_call(dst2, vals_s, vals_m, zeros_n)
        den_s = unpack_den(acc_s)
        den_m = unpack_den(acc_m)
        if l + 1 < L:
            hs, hm, tdst, tsrc, rp = _layer_call(
                outp, den_s, den_m, hs, hm, Wo_s[l], Wo_m[l],
                Wq_s[l + 1], Wk_s[l + 1], Wv_s[l + 1],
                Wq_m[l + 1], Wk_m[l + 1], Wv_m[l + 1],
                We_s[l + 1], We_m[l + 1], rel_emb)
        else:
            return _tail_call(outp, den_s, den_m, hs, hm, Wo_s[l], Wo_m[l],
                              cent2, W_out, params)

# --- scband reference (transcript-rebuilt; emitter-appended) ---
"""Pipeline reference for scband-dual-gt-29643864277633 (READ-ONLY COPY).

The authoritative reference and input builder live on the scoring server;
editing this copy changes nothing except your own understanding.
"""

import jax, jax.numpy as jnp
import numpy as np

N = 10000
E = 320000
D = 128
H = 4
DH = 32
PD = 16
R = 16
L = 2
ALPHA = 0.5


def setup_inputs(seed: int = 0) -> dict:
    key = jax.random.key(seed)
    ks = jax.random.split(key, 24)
    s = 0.05
    inp = {}
    inp["feats_struct"] = jax.random.normal(ks[0], (N, D), dtype=jnp.float32)
    inp["feats_semantic"] = jax.random.normal(ks[1], (N, D), dtype=jnp.float32)
    inp["edge_types"] = jax.random.randint(ks[2], (E,), 0, R, dtype=jnp.int32)
    inp["edge_index"] = jax.random.randint(ks[3], (2, E), 0, N, dtype=jnp.int32)
    inp["centrality"] = jax.random.uniform(ks[4], (N,), dtype=jnp.float32)
    inp["rel_emb"] = jax.random.normal(ks[5], (R, PD), dtype=jnp.float32) * s
    inp["Wq_s"] = jax.random.normal(ks[6], (L, D, D), dtype=jnp.float32) * s
    inp["Wk_s"] = jax.random.normal(ks[7], (L, D, D), dtype=jnp.float32) * s
    inp["Wv_s"] = jax.random.normal(ks[8], (L, D, D), dtype=jnp.float32) * s
    inp["We_s"] = jax.random.normal(ks[9], (L, PD, D), dtype=jnp.float32) * s
    inp["Wo_s"] = jax.random.normal(ks[10], (L, D, D), dtype=jnp.float32) * s
    inp["Wq_m"] = jax.random.normal(ks[11], (L, D, D), dtype=jnp.float32) * s
    inp["Wk_m"] = jax.random.normal(ks[12], (L, D, D), dtype=jnp.float32) * s
    inp["Wv_m"] = jax.random.normal(ks[13], (L, D, D), dtype=jnp.float32) * s
    inp["We_m"] = jax.random.normal(ks[14], (L, PD, D), dtype=jnp.float32) * s
    inp["Wo_m"] = jax.random.normal(ks[15], (L, D, D), dtype=jnp.float32) * s
    inp["W_out"] = jax.random.normal(ks[16], (D, 1), dtype=jnp.float32) * s
    inp["b_out"] = jnp.zeros((1,), dtype=jnp.float32)
    inp["gamma"] = jnp.ones((1,), dtype=jnp.float32)
    inp["beta"] = jnp.zeros((1,), dtype=jnp.float32)
    return inp


def _segment_softmax(scores, dst, n):
    m = jax.ops.segment_max(scores, dst, num_segments=n)
    ex = jnp.exp(scores - m[dst])
    denom = jax.ops.segment_sum(ex, dst, num_segments=n)
    return ex / (denom[dst] + 1e-9)


def _gt_layer(h, ef, src, dst, Wq, Wk, Wv, We, Wo):
    q = h @ Wq
    k = h @ Wk
    v = h @ Wv
    e = ef @ We
    ne = src.shape[0]
    qd = q[dst].reshape(ne, H, DH)
    ks_ = k[src].reshape(ne, H, DH) + e.reshape(ne, H, DH)
    vs = v[src].reshape(ne, H, DH) + e.reshape(ne, H, DH)
    scores = (qd * ks_).sum(-1) / jnp.sqrt(jnp.float32(DH))
    attn = _segment_softmax(scores, dst, N)
    agg = jax.ops.segment_sum((attn[..., None] * vs).reshape(ne, H * DH), dst, num_segments=N)
    return agg @ Wo + h


def reference(feats_struct, feats_semantic, edge_types, edge_index, centrality, rel_emb, Wq_s, Wk_s, Wv_s, We_s, Wo_s, Wq_m, Wk_m, Wv_m, We_m, Wo_m, W_out, b_out, gamma, beta):
    src = edge_index[0]
    dst = edge_index[1]
    ef = rel_emb[edge_types]
    h_s = feats_struct
    h_m = feats_semantic
    for l in range(L):
        h_s = _gt_layer(h_s, ef, src, dst, Wq_s[l], Wk_s[l], Wv_s[l], We_s[l], Wo_s[l])
        h_m = _gt_layer(h_m, ef, src, dst, Wq_m[l], Wk_m[l], Wv_m[l], We_m[l], Wo_m[l])
    logits_struct = h_s @ W_out + b_out
    logits_semantic = h_m @ W_out + b_out
    logits = ALPHA * logits_struct + (1.0 - ALPHA) * logits_semantic
    scale = centrality * gamma[0] + beta[0]
    logits = jax.nn.relu(scale[:, None] * logits)
    return logits

if __name__ == "__main__":
    import jax
    _d = setup_inputs()
    print(jax.jit(kernel)(*tuple(_d.values())))

</pallas_src>

<mosaic_0001>
#map = affine_map<(d0, d1) -> (0, 0)>
module attributes {stable_mosaic.version = 14 : i64} {
  func.func @sk(%arg0: i32, %arg1: i32, %arg2: memref<4096x80xi32, #tpu.memory_space<hbm>>, %arg3: memref<320000x128xf32, #tpu.memory_space<hbm>>, %arg4: memref<320000x128xf32, #tpu.memory_space<hbm>>, %arg5: memref<10000x128xf32, #tpu.memory_space<hbm>>, %arg6: memref<20000x128xf32, #tpu.memory_space<hbm>>, %arg7: memref<256x80xi32, #tpu.memory_space<vmem>>, %arg8: memref<80x128xf32, #tpu.memory_space<vmem>>, %arg9: memref<10000x128xf32, #tpu.memory_space<vmem_shared>>) attributes {dimension_semantics = [#tpu.dimension_semantics<core_parallel>, #tpu.dimension_semantics<subcore_parallel>], iteration_bounds = array<i64: 2, 16>, scalar_prefetch = 0 : i64, scratch_operands = 3 : i64, tpu.core_type = #tpu.core_type<sc_vector_subcore>, window_params = [{transform_indices = #map}, {transform_indices = #map}, {transform_indices = #map}, {transform_indices = #map}, {transform_indices = #map}]} {
    %eq3A = arith.constant 0 : i32
    %eq3A_0 = arith.cmpi eq, %arg1, %eq3A : i32
    %convert_element_type3A = arith.extui %eq3A_0 : i1 to i32
    %cond3A = arith.constant 0 : i32
    %cond3A_1 = arith.cmpi ne, %convert_element_type3A, %cond3A : i32
    scf.if %cond3A_1 {
      "tpu.region"() ({
        %run_scoped3A = tpu.sem_alloc : memref<!tpu.dma_semaphore, #tpu.memory_space<semaphore_mem>>
        tpu.enqueue_dma source(%arg5 : memref<10000x128xf32, #tpu.memory_space<hbm>>) target(%arg9 : memref<10000x128xf32, #tpu.memory_space<vmem_shared>>) target_semaphore(%run_scoped3A : memref<!tpu.dma_semaphore, #tpu.memory_space<semaphore_mem>>)
        tpu.wait_dma2 semaphore(%run_scoped3A : memref<!tpu.dma_semaphore, #tpu.memory_space<semaphore_mem>>) src(%arg5 : memref<10000x128xf32, #tpu.memory_space<hbm>>) dst(%arg9 : memref<10000x128xf32, #tpu.memory_space<vmem_shared>>)
        tpu.yield
      }) : () -> ()
    } else {
    }
    %barrier3A = arith.constant 0 : index
    tpu.barrier barrier_id(%barrier3A)
    %mul3A = arith.constant 256 : i32
    %mul3A_2 = arith.muli %arg1, %mul3A : i32
    "tpu.region"() ({
      %run_scoped3A = tpu.sem_alloc : memref<!tpu.dma_semaphore, #tpu.memory_space<semaphore_mem>>
      %dma_start3A = arith.constant 0 : i32
      %dma_start3A_22 = tpu.memref_slice %arg2[%mul3A_2, %dma_start3A] : memref<4096x80xi32, #tpu.memory_space<hbm>> -> memref<256x80xi32, #tpu.memory_space<hbm>>
      %dma_start3A_23 = arith.constant 0 : i32
      %dma_start3A_24 = tpu.memref_slice %arg2[%mul3A_2, %dma_start3A_23] : memref<4096x80xi32, #tpu.memory_space<hbm>> -> memref<256x80xi32, #tpu.memory_space<hbm>>
      tpu.enqueue_dma source(%dma_start3A_24 : memref<256x80xi32, #tpu.memory_space<hbm>>) target(%arg7 : memref<256x80xi32, #tpu.memory_space<vmem>>) target_semaphore(%run_scoped3A : memref<!tpu.dma_semaphore, #tpu.memory_space<semaphore_mem>>)
      %dma_wait3A = arith.constant 0 : i32
      %dma_wait3A_25 = tpu.memref_slice %arg2[%mul3A_2, %dma_wait3A] : memref<4096x80xi32, #tpu.memory_space<hbm>> -> memref<256x80xi32, #tpu.memory_space<hbm>>
      %dma_wait3A_26 = arith.constant 0 : i32
      %dma_wait3A_27 = tpu.memref_slice %arg2[%mul3A_2, %dma_wait3A_26] : memref<4096x80xi32, #tpu.memory_space<hbm>> -> memref<256x80xi32, #tpu.memory_space<hbm>>
      tpu.wait_dma2 semaphore(%run_scoped3A : memref<!tpu.dma_semaphore, #tpu.memory_space<semaphore_mem>>) src(%dma_wait3A_27 : memref<256x80xi32, #tpu.memory_space<hbm>>) dst(%arg7 : memref<256x80xi32, #tpu.memory_space<vmem>>)
      tpu.yield
    }) : () -> ()
    %sub3A = arith.constant 4000 : i32
    %sub3A_3 = arith.subi %sub3A, %mul3A_2 : i32
    %max3A = arith.constant 0 : i32
    %max3A_4 = arith.maxsi %sub3A_3, %max3A : i32
    %min3A = arith.constant 256 : i32
    %min3A_5 = arith.minsi %min3A, %max3A_4 : i32
    %eq3A_6 = arith.constant 0 : i32
    %eq3A_7 = arith.cmpi eq, %arg0, %eq3A_6 : i32
    %convert_element_type3A_8 = arith.extui %eq3A_7 : i1 to i32
    %cond3A_9 = arith.constant 0 : i32
    %cond3A_10 = arith.cmpi ne, %convert_element_type3A_8, %cond3A_9 : i32
    scf.if %cond3A_10 {
      %while3A = arith.constant 0 : i32
      %while3A_22 = arith.constant 0 : i32
      %while3A_23 = arith.subi %min3A_5, %while3A_22 : i32
      %while3A_24 = arith.addi %while3A_22, %while3A_23 : i32
      %while3A_25 = arith.constant 1 : i32
      %while3A_26 = arith.divsi %while3A_23, %while3A_25 : i32
      %while3A_27 = arith.muli %while3A_26, %while3A_25 : i32
      %while3A_28 = arith.addi %while3A_22, %while3A_27 : i32
      %while3A_29 = arith.constant 1 : i32
      scf.for %while3A_31 = %while3A_22 to %while3A_28 step %while3A_29  : i32 {
        %add3A = arith.addi %mul3A_2, %while3A_31 : i32
        %mul3A_32 = arith.constant 80 : i32
        %mul3A_33 = arith.muli %add3A, %mul3A_32 : i32
        %multiple_of3A = tpu.assume_multiple %mul3A_33, 80 : i32
        "tpu.region"() ({
          %run_scoped3A = tpu.sem_alloc : memref<!tpu.dma_semaphore, #tpu.memory_space<semaphore_mem>>
          %dma_start3A = arith.constant 0 : i32
          %dma_start3A_34 = tpu.memref_slice %arg3[%multiple_of3A, %dma_start3A] : memref<320000x128xf32, #tpu.memory_space<hbm>> -> memref<80x128xf32, #tpu.memory_space<hbm>>
          %dma_start3A_35 = arith.constant 0 : i32
          %dma_start3A_36 = tpu.memref_slice %arg3[%multiple_of3A, %dma_start3A_35] : memref<320000x128xf32, #tpu.memory_space<hbm>> -> memref<80x128xf32, #tpu.memory_space<hbm>>
          tpu.enqueue_dma source(%dma_start3A_36 : memref<80x128xf32, #tpu.memory_space<hbm>>) target(%arg8 : memref<80x128xf32, #tpu.memory_space<vmem>>) target_semaphore(%run_scoped3A : memref<!tpu.dma_semaphore, #tpu.memory_space<semaphore_mem>>)
          %dma_wait3A = arith.constant 0 : i32
          %dma_wait3A_37 = tpu.memref_slice %arg3[%multiple_of3A, %dma_wait3A] : memref<320000x128xf32, #tpu.memory_space<hbm>> -> memref<80x128xf32, #tpu.memory_space<hbm>>
          %dma_wait3A_38 = arith.constant 0 : i32
          %dma_wait3A_39 = tpu.memref_slice %arg3[%multiple_of3A, %dma_wait3A_38] : memref<320000x128xf32, #tpu.memory_space<hbm>> -> memref<80x128xf32, #tpu.memory_space<hbm>>
          tpu.wait_dma2 semaphore(%run_scoped3A : memref<!tpu.dma_semaphore, #tpu.memory_space<semaphore_mem>>) src(%dma_wait3A_39 : memref<80x128xf32, #tpu.memory_space<hbm>>) dst(%arg8 : memref<80x128xf32, #tpu.memory_space<vmem>>)
          tpu.yield
        }) : () -> ()
        "tpu.region"() ({
          %run_scoped3A = tpu.sem_alloc : memref<!tpu.dma_semaphore, #tpu.memory_space<semaphore_mem>>
          %dma_start3A = arith.constant 0 : i32
          %dma_start3A_34 = tpu.memref_slice %arg7[%while3A_31, %dma_start3A] : memref<256x80xi32, #tpu.memory_space<vmem>> -> memref<1x80xi32, #tpu.memory_space<vmem>>
          %dma_start3A_35 = tpu.memref_squeeze %dma_start3A_34 : memref<1x80xi32, #tpu.memory_space<vmem>> -> memref<80xi32, #tpu.memory_space<vmem>>
          %dma_start3A_36 = arith.constant 0 : i32
          %dma_start3A_37 = arith.constant 0 : i32
          %dma_start3A_38 = tpu.memref_slice %arg9[%dma_start3A_36, %dma_start3A_37] : memref<10000x128xf32, #tpu.memory_space<vmem_shared>> -> memref<10000x128xf32, #tpu.memory_space<vmem_shared>>
          tpu.enqueue_indirect_dma source(%arg8 : memref<80x128xf32, #tpu.memory_space<vmem>>) target(%dma_start3A_38 : memref<10000x128xf32, #tpu.memory_space<vmem_shared>>) offsets(%dma_start3A_35 : memref<80xi32, #tpu.memory_space<vmem>>) semaphore(%run_scoped3A : memref<!tpu.dma_semaphore, #tpu.memory_space<semaphore_mem>>) {add = true}
          %dma_wait3A = arith.constant 0 : i32
          %dma_wait3A_39 = tpu.memref_slice %arg7[%while3A_31, %dma_wait3A] : memref<256x80xi32, #tpu.memory_space<vmem>> -> memref<1x80xi32, #tpu.memory_space<vmem>>
          %dma_wait3A_40 = tpu.memref_squeeze %dma_wait3A_39 : memref<1x80xi32, #tpu.memory_space<vmem>> -> memref<80xi32, #tpu.memory_space<vmem>>
          %dma_wait3A_41 = arith.constant 0 : i32
          %dma_wait3A_42 = arith.constant 0 : i32
          %dma_wait3A_43 = tpu.memref_slice %arg9[%dma_wait3A_41, %dma_wait3A_42] : memref<10000x128xf32, #tpu.memory_space<vmem_shared>> -> memref<10000x128xf32, #tpu.memory_space<vmem_shared>>
          tpu.wait_indirect_dma semaphore(%run_scoped3A : memref<!tpu.dma_semaphore, #tpu.memory_space<semaphore_mem>>) src(%arg8 : memref<80x128xf32, #tpu.memory_space<vmem>>) dst(%dma_wait3A_43 : memref<10000x128xf32, #tpu.memory_space<vmem_shared>>)
          tpu.yield
        }) : () -> ()
      }
      %while3A_30 = arith.constant 1 : i32
      scf.for %while3A_31 = %while3A_28 to %while3A_24 step %while3A_30  : i32 {
        %add3A = arith.addi %mul3A_2, %while3A_31 : i32
        %mul3A_32 = arith.constant 80 : i32
        %mul3A_33 = arith.muli %add3A, %mul3A_32 : i32
        %multiple_of3A = tpu.assume_multiple %mul3A_33, 80 : i32
        "tpu.region"() ({
          %run_scoped3A = tpu.sem_alloc : memref<!tpu.dma_semaphore, #tpu.memory_space<semaphore_mem>>
          %dma_start3A = arith.constant 0 : i32
          %dma_start3A_34 = tpu.memref_slice %arg3[%multiple_of3A, %dma_start3A] : memref<320000x128xf32, #tpu.memory_space<hbm>> -> memref<80x128xf32, #tpu.memory_space<hbm>>
          %dma_start3A_35 = arith.constant 0 : i32
          %dma_start3A_36 = tpu.memref_slice %arg3[%multiple_of3A, %dma_start3A_35] : memref<320000x128xf32, #tpu.memory_space<hbm>> -> memref<80x128xf32, #tpu.memory_space<hbm>>
          tpu.enqueue_dma source(%dma_start3A_36 : memref<80x128xf32, #tpu.memory_space<hbm>>) target(%arg8 : memref<80x128xf32, #tpu.memory_space<vmem>>) target_semaphore(%run_scoped3A : memref<!tpu.dma_semaphore, #tpu.memory_space<semaphore_mem>>)
          %dma_wait3A = arith.constant 0 : i32
          %dma_wait3A_37 = tpu.memref_slice %arg3[%multiple_of3A, %dma_wait3A] : memref<320000x128xf32, #tpu.memory_space<hbm>> -> memref<80x128xf32, #tpu.memory_space<hbm>>
          %dma_wait3A_38 = arith.constant 0 : i32
          %dma_wait3A_39 = tpu.memref_slice %arg3[%multiple_of3A, %dma_wait3A_38] : memref<320000x128xf32, #tpu.memory_space<hbm>> -> memref<80x128xf32, #tpu.memory_space<hbm>>
          tpu.wait_dma2 semaphore(%run_scoped3A : memref<!tpu.dma_semaphore, #tpu.memory_space<semaphore_mem>>) src(%dma_wait3A_39 : memref<80x128xf32, #tpu.memory_space<hbm>>) dst(%arg8 : memref<80x128xf32, #tpu.memory_space<vmem>>)
          tpu.yield
        }) : () -> ()
        "tpu.region"() ({
          %run_scoped3A = tpu.sem_alloc : memref<!tpu.dma_semaphore, #tpu.memory_space<semaphore_mem>>
          %dma_start3A = arith.constant 0 : i32
          %dma_start3A_34 = tpu.memref_slice %arg7[%while3A_31, %dma_start3A] : memref<256x80xi32, #tpu.memory_space<vmem>> -> memref<1x80xi32, #tpu.memory_space<vmem>>
          %dma_start3A_35 = tpu.memref_squeeze %dma_start3A_34 : memref<1x80xi32, #tpu.memory_space<vmem>> -> memref<80xi32, #tpu.memory_space<vmem>>
          %dma_start3A_36 = arith.constant 0 : i32
          %dma_start3A_37 = arith.constant 0 : i32
          %dma_start3A_38 = tpu.memref_slice %arg9[%dma_start3A_36, %dma_start3A_37] : memref<10000x128xf32, #tpu.memory_space<vmem_shared>> -> memref<10000x128xf32, #tpu.memory_space<vmem_shared>>
          tpu.enqueue_indirect_dma source(%arg8 : memref<80x128xf32, #tpu.memory_space<vmem>>) target(%dma_start3A_38 : memref<10000x128xf32, #tpu.memory_space<vmem_shared>>) offsets(%dma_start3A_35 : memref<80xi32, #tpu.memory_space<vmem>>) semaphore(%run_scoped3A : memref<!tpu.dma_semaphore, #tpu.memory_space<semaphore_mem>>) {add = true}
          %dma_wait3A = arith.constant 0 : i32
          %dma_wait3A_39 = tpu.memref_slice %arg7[%while3A_31, %dma_wait3A] : memref<256x80xi32, #tpu.memory_space<vmem>> -> memref<1x80xi32, #tpu.memory_space<vmem>>
          %dma_wait3A_40 = tpu.memref_squeeze %dma_wait3A_39 : memref<1x80xi32, #tpu.memory_space<vmem>> -> memref<80xi32, #tpu.memory_space<vmem>>
          %dma_wait3A_41 = arith.constant 0 : i32
          %dma_wait3A_42 = arith.constant 0 : i32
          %dma_wait3A_43 = tpu.memref_slice %arg9[%dma_wait3A_41, %dma_wait3A_42] : memref<10000x128xf32, #tpu.memory_space<vmem_shared>> -> memref<10000x128xf32, #tpu.memory_space<vmem_shared>>
          tpu.wait_indirect_dma semaphore(%run_scoped3A : memref<!tpu.dma_semaphore, #tpu.memory_space<semaphore_mem>>) src(%arg8 : memref<80x128xf32, #tpu.memory_space<vmem>>) dst(%dma_wait3A_43 : memref<10000x128xf32, #tpu.memory_space<vmem_shared>>)
          tpu.yield
        }) : () -> ()
      }
    } else {
    }
    %eq3A_11 = arith.constant 1 : i32
    %eq3A_12 = arith.cmpi eq, %arg0, %eq3A_11 : i32
    %convert_element_type3A_13 = arith.extui %eq3A_12 : i1 to i32
    %cond3A_14 = arith.constant 0 : i32
    %cond3A_15 = arith.cmpi ne, %convert_element_type3A_13, %cond3A_14 : i32
    scf.if %cond3A_15 {
      %while3A = arith.constant 0 : i32
      %while3A_22 = arith.constant 0 : i32
      %while3A_23 = arith.subi %min3A_5, %while3A_22 : i32
      %while3A_24 = arith.addi %while3A_22, %while3A_23 : i32
      %while3A_25 = arith.constant 1 : i32
      %while3A_26 = arith.divsi %while3A_23, %while3A_25 : i32
      %while3A_27 = arith.muli %while3A_26, %while3A_25 : i32
      %while3A_28 = arith.addi %while3A_22, %while3A_27 : i32
      %while3A_29 = arith.constant 1 : i32
      scf.for %while3A_31 = %while3A_22 to %while3A_28 step %while3A_29  : i32 {
        %add3A = arith.addi %mul3A_2, %while3A_31 : i32
        %mul3A_32 = arith.constant 80 : i32
        %mul3A_33 = arith.muli %add3A, %mul3A_32 : i32
        %multiple_of3A = tpu.assume_multiple %mul3A_33, 80 : i32
        "tpu.region"() ({
          %run_scoped3A = tpu.sem_alloc : memref<!tpu.dma_semaphore, #tpu.memory_space<semaphore_mem>>
          %dma_start3A = arith.constant 0 : i32
          %dma_start3A_34 = tpu.memref_slice %arg4[%multiple_of3A, %dma_start3A] : memref<320000x128xf32, #tpu.memory_space<hbm>> -> memref<80x128xf32, #tpu.memory_space<hbm>>
          %dma_start3A_35 = arith.constant 0 : i32
          %dma_start3A_36 = tpu.memref_slice %arg4[%multiple_of3A, %dma_start3A_35] : memref<320000x128xf32, #tpu.memory_space<hbm>> -> memref<80x128xf32, #tpu.memory_space<hbm>>
          tpu.enqueue_dma source(%dma_start3A_36 : memref<80x128xf32, #tpu.memory_space<hbm>>) target(%arg8 : memref<80x128xf32, #tpu.memory_space<vmem>>) target_semaphore(%run_scoped3A : memref<!tpu.dma_semaphore, #tpu.memory_space<semaphore_mem>>)
          %dma_wait3A = arith.constant 0 : i32
          %dma_wait3A_37 = tpu.memref_slice %arg4[%multiple_of3A, %dma_wait3A] : memref<320000x128xf32, #tpu.memory_space<hbm>> -> memref<80x128xf32, #tpu.memory_space<hbm>>
          %dma_wait3A_38 = arith.constant 0 : i32
          %dma_wait3A_39 = tpu.memref_slice %arg4[%multiple_of3A, %dma_wait3A_38] : memref<320000x128xf32, #tpu.memory_space<hbm>> -> memref<80x128xf32, #tpu.memory_space<hbm>>
          tpu.wait_dma2 semaphore(%run_scoped3A : memref<!tpu.dma_semaphore, #tpu.memory_space<semaphore_mem>>) src(%dma_wait3A_39 : memref<80x128xf32, #tpu.memory_space<hbm>>) dst(%arg8 : memref<80x128xf32, #tpu.memory_space<vmem>>)
          tpu.yield
        }) : () -> ()
        "tpu.region"() ({
          %run_scoped3A = tpu.sem_alloc : memref<!tpu.dma_semaphore, #tpu.memory_space<semaphore_mem>>
          %dma_start3A = arith.constant 0 : i32
          %dma_start3A_34 = tpu.memref_slice %arg7[%while3A_31, %dma_start3A] : memref<256x80xi32, #tpu.memory_space<vmem>> -> memref<1x80xi32, #tpu.memory_space<vmem>>
          %dma_start3A_35 = tpu.memref_squeeze %dma_start3A_34 : memref<1x80xi32, #tpu.memory_space<vmem>> -> memref<80xi32, #tpu.memory_space<vmem>>
          %dma_start3A_36 = arith.constant 0 : i32
          %dma_start3A_37 = arith.constant 0 : i32
          %dma_start3A_38 = tpu.memref_slice %arg9[%dma_start3A_36, %dma_start3A_37] : memref<10000x128xf32, #tpu.memory_space<vmem_shared>> -> memref<10000x128xf32, #tpu.memory_space<vmem_shared>>
          tpu.enqueue_indirect_dma source(%arg8 : memref<80x128xf32, #tpu.memory_space<vmem>>) target(%dma_start3A_38 : memref<10000x128xf32, #tpu.memory_space<vmem_shared>>) offsets(%dma_start3A_35 : memref<80xi32, #tpu.memory_space<vmem>>) semaphore(%run_scoped3A : memref<!tpu.dma_semaphore, #tpu.memory_space<semaphore_mem>>) {add = true}
          %dma_wait3A = arith.constant 0 : i32
          %dma_wait3A_39 = tpu.memref_slice %arg7[%while3A_31, %dma_wait3A] : memref<256x80xi32, #tpu.memory_space<vmem>> -> memref<1x80xi32, #tpu.memory_space<vmem>>
          %dma_wait3A_40 = tpu.memref_squeeze %dma_wait3A_39 : memref<1x80xi32, #tpu.memory_space<vmem>> -> memref<80xi32, #tpu.memory_space<vmem>>
          %dma_wait3A_41 = arith.constant 0 : i32
          %dma_wait3A_42 = arith.constant 0 : i32
          %dma_wait3A_43 = tpu.memref_slice %arg9[%dma_wait3A_41, %dma_wait3A_42] : memref<10000x128xf32, #tpu.memory_space<vmem_shared>> -> memref<10000x128xf32, #tpu.memory_space<vmem_shared>>
          tpu.wait_indirect_dma semaphore(%run_scoped3A : memref<!tpu.dma_semaphore, #tpu.memory_space<semaphore_mem>>) src(%arg8 : memref<80x128xf32, #tpu.memory_space<vmem>>) dst(%dma_wait3A_43 : memref<10000x128xf32, #tpu.memory_space<vmem_shared>>)
          tpu.yield
        }) : () -> ()
      }
      %while3A_30 = arith.constant 1 : i32
      scf.for %while3A_31 = %while3A_28 to %while3A_24 step %while3A_30  : i32 {
        %add3A = arith.addi %mul3A_2, %while3A_31 : i32
        %mul3A_32 = arith.constant 80 : i32
        %mul3A_33 = arith.muli %add3A, %mul3A_32 : i32
        %multiple_of3A = tpu.assume_multiple %mul3A_33, 80 : i32
        "tpu.region"() ({
          %run_scoped3A = tpu.sem_alloc : memref<!tpu.dma_semaphore, #tpu.memory_space<semaphore_mem>>
          %dma_start3A = arith.constant 0 : i32
          %dma_start3A_34 = tpu.memref_slice %arg4[%multiple_of3A, %dma_start3A] : memref<320000x128xf32, #tpu.memory_space<hbm>> -> memref<80x128xf32, #tpu.memory_space<hbm>>
          %dma_start3A_35 = arith.constant 0 : i32
          %dma_start3A_36 = tpu.memref_slice %arg4[%multiple_of3A, %dma_start3A_35] : memref<320000x128xf32, #tpu.memory_space<hbm>> -> memref<80x128xf32, #tpu.memory_space<hbm>>
          tpu.enqueue_dma source(%dma_start3A_36 : memref<80x128xf32, #tpu.memory_space<hbm>>) target(%arg8 : memref<80x128xf32, #tpu.memory_space<vmem>>) target_semaphore(%run_scoped3A : memref<!tpu.dma_semaphore, #tpu.memory_space<semaphore_mem>>)
          %dma_wait3A = arith.constant 0 : i32
          %dma_wait3A_37 = tpu.memref_slice %arg4[%multiple_of3A, %dma_wait3A] : memref<320000x128xf32, #tpu.memory_space<hbm>> -> memref<80x128xf32, #tpu.memory_space<hbm>>
          %dma_wait3A_38 = arith.constant 0 : i32
          %dma_wait3A_39 = tpu.memref_slice %arg4[%multiple_of3A, %dma_wait3A_38] : memref<320000x128xf32, #tpu.memory_space<hbm>> -> memref<80x128xf32, #tpu.memory_space<hbm>>
          tpu.wait_dma2 semaphore(%run_scoped3A : memref<!tpu.dma_semaphore, #tpu.memory_space<semaphore_mem>>) src(%dma_wait3A_39 : memref<80x128xf32, #tpu.memory_space<hbm>>) dst(%arg8 : memref<80x128xf32, #tpu.memory_space<vmem>>)
          tpu.yield
        }) : () -> ()
        "tpu.region"() ({
          %run_scoped3A = tpu.sem_alloc : memref<!tpu.dma_semaphore, #tpu.memory_space<semaphore_mem>>
          %dma_start3A = arith.constant 0 : i32
          %dma_start3A_34 = tpu.memref_slice %arg7[%while3A_31, %dma_start3A] : memref<256x80xi32, #tpu.memory_space<vmem>> -> memref<1x80xi32, #tpu.memory_space<vmem>>
          %dma_start3A_35 = tpu.memref_squeeze %dma_start3A_34 : memref<1x80xi32, #tpu.memory_space<vmem>> -> memref<80xi32, #tpu.memory_space<vmem>>
          %dma_start3A_36 = arith.constant 0 : i32
          %dma_start3A_37 = arith.constant 0 : i32
          %dma_start3A_38 = tpu.memref_slice %arg9[%dma_start3A_36, %dma_start3A_37] : memref<10000x128xf32, #tpu.memory_space<vmem_shared>> -> memref<10000x128xf32, #tpu.memory_space<vmem_shared>>
          tpu.enqueue_indirect_dma source(%arg8 : memref<80x128xf32, #tpu.memory_space<vmem>>) target(%dma_start3A_38 : memref<10000x128xf32, #tpu.memory_space<vmem_shared>>) offsets(%dma_start3A_35 : memref<80xi32, #tpu.memory_space<vmem>>) semaphore(%run_scoped3A : memref<!tpu.dma_semaphore, #tpu.memory_space<semaphore_mem>>) {add = true}
          %dma_wait3A = arith.constant 0 : i32
          %dma_wait3A_39 = tpu.memref_slice %arg7[%while3A_31, %dma_wait3A] : memref<256x80xi32, #tpu.memory_space<vmem>> -> memref<1x80xi32, #tpu.memory_space<vmem>>
          %dma_wait3A_40 = tpu.memref_squeeze %dma_wait3A_39 : memref<1x80xi32, #tpu.memory_space<vmem>> -> memref<80xi32, #tpu.memory_space<vmem>>
          %dma_wait3A_41 = arith.constant 0 : i32
          %dma_wait3A_42 = arith.constant 0 : i32
          %dma_wait3A_43 = tpu.memref_slice %arg9[%dma_wait3A_41, %dma_wait3A_42] : memref<10000x128xf32, #tpu.memory_space<vmem_shared>> -> memref<10000x128xf32, #tpu.memory_space<vmem_shared>>
          tpu.wait_indirect_dma semaphore(%run_scoped3A : memref<!tpu.dma_semaphore, #tpu.memory_space<semaphore_mem>>) src(%arg8 : memref<80x128xf32, #tpu.memory_space<vmem>>) dst(%dma_wait3A_43 : memref<10000x128xf32, #tpu.memory_space<vmem_shared>>)
          tpu.yield
        }) : () -> ()
      }
    } else {
    }
    %barrier3A_16 = arith.constant 0 : index
    tpu.barrier barrier_id(%barrier3A_16)
    %eq3A_17 = arith.constant 0 : i32
    %eq3A_18 = arith.cmpi eq, %arg1, %eq3A_17 : i32
    %convert_element_type3A_19 = arith.extui %eq3A_18 : i1 to i32
    %cond3A_20 = arith.constant 0 : i32
    %cond3A_21 = arith.cmpi ne, %convert_element_type3A_19, %cond3A_20 : i32
    scf.if %cond3A_21 {
      %mul3A_22 = arith.constant 10000 : i32
      %mul3A_23 = arith.muli %arg0, %mul3A_22 : i32
      "tpu.region"() ({
        %run_scoped3A = tpu.sem_alloc : memref<!tpu.dma_semaphore, #tpu.memory_space<semaphore_mem>>
        %dma_start3A = arith.constant 0 : i32
        %dma_start3A_24 = tpu.memref_slice %arg6[%mul3A_23, %dma_start3A] : memref<20000x128xf32, #tpu.memory_space<hbm>> -> memref<10000x128xf32, #tpu.memory_space<hbm>>
        tpu.enqueue_dma source(%arg9 : memref<10000x128xf32, #tpu.memory_space<vmem_shared>>) target(%dma_start3A_24 : memref<10000x128xf32, #tpu.memory_space<hbm>>) target_semaphore(%run_scoped3A : memref<!tpu.dma_semaphore, #tpu.memory_space<semaphore_mem>>)
        %dma_wait3A = arith.constant 0 : i32
        %dma_wait3A_25 = tpu.memref_slice %arg6[%mul3A_23, %dma_wait3A] : memref<20000x128xf32, #tpu.memory_space<hbm>> -> memref<10000x128xf32, #tpu.memory_space<hbm>>
        tpu.wait_dma2 semaphore(%run_scoped3A : memref<!tpu.dma_semaphore, #tpu.memory_space<semaphore_mem>>) src(%arg9 : memref<10000x128xf32, #tpu.memory_space<vmem_shared>>) dst(%dma_wait3A_25 : memref<10000x128xf32, #tpu.memory_space<hbm>>)
        tpu.yield
      }) : () -> ()
    } else {
    }
    return
  }
}

#map = affine_map<(d0, d1) -> (0)>
#map1 = affine_map<(d0, d1) -> (0, 0)>
module attributes {stable_mosaic.version = 14 : i64} {
  func.func @gk(%arg0: i32, %arg1: i32, %arg2: memref<320000xi32, #tpu.memory_space<hbm>>, %arg3: memref<320000xi32, #tpu.memory_space<hbm>>, %arg4: memref<10000x128xf32, #tpu.memory_space<hbm>>, %arg5: memref<10000x256xf32, #tpu.memory_space<hbm>>, %arg6: memref<320000x128xf32, #tpu.memory_space<hbm>>, %arg7: memref<320000x256xf32, #tpu.memory_space<hbm>>, %arg8: memref<10000xi32, #tpu.memory_space<vmem>>, %arg9: memref<10000xi32, #tpu.memory_space<vmem>>, %arg10: memref<80x128xf32, #tpu.memory_space<vmem>>, %arg11: memref<80x256xf32, #tpu.memory_space<vmem>>, %arg12: memref<!tpu.dma_semaphore, #tpu.memory_space<semaphore_mem>>) attributes {dimension_semantics = [#tpu.dimension_semantics<core_parallel>, #tpu.dimension_semantics<subcore_parallel>], iteration_bounds = array<i64: 2, 16>, scalar_prefetch = 0 : i64, scratch_operands = 5 : i64, tpu.core_type = #tpu.core_type<sc_vector_subcore>, window_params = [{transform_indices = #map}, {transform_indices = #map}, {transform_indices = #map1}, {transform_indices = #map1}, {transform_indices = #map1}, {transform_indices = #map1}]} {
    %mul3A = arith.constant 2 : i32
    %mul3A_0 = arith.muli %arg1, %mul3A : i32
    %add3A = arith.addi %mul3A_0, %arg0 : i32
    %mul3A_1 = arith.constant 10000 : i32
    %mul3A_2 = arith.muli %add3A, %mul3A_1 : i32
    "tpu.region"() ({
      %run_scoped3A = tpu.sem_alloc : memref<!tpu.dma_semaphore, #tpu.memory_space<semaphore_mem>>
      %dma_start3A = tpu.memref_slice %arg2[%mul3A_2] : memref<320000xi32, #tpu.memory_space<hbm>> -> memref<10000xi32, #tpu.memory_space<hbm>>
      %dma_start3A_8 = tpu.memref_slice %arg2[%mul3A_2] : memref<320000xi32, #tpu.memory_space<hbm>> -> memref<10000xi32, #tpu.memory_space<hbm>>
      tpu.enqueue_dma source(%dma_start3A_8 : memref<10000xi32, #tpu.memory_space<hbm>>) target(%arg8 : memref<10000xi32, #tpu.memory_space<vmem>>) target_semaphore(%run_scoped3A : memref<!tpu.dma_semaphore, #tpu.memory_space<semaphore_mem>>)
      %dma_wait3A = tpu.memref_slice %arg2[%mul3A_2] : memref<320000xi32, #tpu.memory_space<hbm>> -> memref<10000xi32, #tpu.memory_space<hbm>>
      %dma_wait3A_9 = tpu.memref_slice %arg2[%mul3A_2] : memref<320000xi32, #tpu.memory_space<hbm>> -> memref<10000xi32, #tpu.memory_space<hbm>>
      tpu.wait_dma2 semaphore(%run_scoped3A : memref<!tpu.dma_semaphore, #tpu.memory_space<semaphore_mem>>) src(%dma_wait3A_9 : memref<10000xi32, #tpu.memory_space<hbm>>) dst(%arg8 : memref<10000xi32, #tpu.memory_space<vmem>>)
      tpu.yield
    }) : () -> ()
    "tpu.region"() ({
      %run_scoped3A = tpu.sem_alloc : memref<!tpu.dma_semaphore, #tpu.memory_space<semaphore_mem>>
      %dma_start3A = tpu.memref_slice %arg3[%mul3A_2] : memref<320000xi32, #tpu.memory_space<hbm>> -> memref<10000xi32, #tpu.memory_space<hbm>>
      %dma_start3A_8 = tpu.memref_slice %arg3[%mul3A_2] : memref<320000xi32, #tpu.memory_space<hbm>> -> memref<10000xi32, #tpu.memory_space<hbm>>
      tpu.enqueue_dma source(%dma_start3A_8 : memref<10000xi32, #tpu.memory_space<hbm>>) target(%arg9 : memref<10000xi32, #tpu.memory_space<vmem>>) target_semaphore(%run_scoped3A : memref<!tpu.dma_semaphore, #tpu.memory_space<semaphore_mem>>)
      %dma_wait3A = tpu.memref_slice %arg3[%mul3A_2] : memref<320000xi32, #tpu.memory_space<hbm>> -> memref<10000xi32, #tpu.memory_space<hbm>>
      %dma_wait3A_9 = tpu.memref_slice %arg3[%mul3A_2] : memref<320000xi32, #tpu.memory_space<hbm>> -> memref<10000xi32, #tpu.memory_space<hbm>>
      tpu.wait_dma2 semaphore(%run_scoped3A : memref<!tpu.dma_semaphore, #tpu.memory_space<semaphore_mem>>) src(%dma_wait3A_9 : memref<10000xi32, #tpu.memory_space<hbm>>) dst(%arg9 : memref<10000xi32, #tpu.memory_space<vmem>>)
      tpu.yield
    }) : () -> ()
    %scan3A = arith.constant 0 : i32
    %scan3A_3 = arith.constant 0 : i32
    %scan3A_4 = arith.constant 125 : i32
    %scan3A_5 = arith.addi %scan3A_3, %scan3A_4 : i32
    %scan3A_6 = arith.constant 1 : i32
    scf.for %scan3A_8 = %scan3A_3 to %scan3A_5 step %scan3A_6  : i32 {
      %mul3A_9 = arith.constant 80 : i32
      %mul3A_10 = arith.muli %scan3A_8, %mul3A_9 : i32
      %multiple_of3A = tpu.assume_multiple %mul3A_10, 80 : i32
      %dma_start3A = tpu.memref_slice %arg8[%multiple_of3A] : memref<10000xi32, #tpu.memory_space<vmem>> -> memref<80xi32, #tpu.memory_space<vmem>>
      %dma_start3A_11 = arith.constant 0 : i32
      %dma_start3A_12 = arith.constant 0 : i32
      %dma_start3A_13 = tpu.memref_slice %arg4[%dma_start3A_11, %dma_start3A_12] : memref<10000x128xf32, #tpu.memory_space<hbm>> -> memref<10000x128xf32, #tpu.memory_space<hbm>>
      tpu.enqueue_indirect_dma source(%dma_start3A_13 : memref<10000x128xf32, #tpu.memory_space<hbm>>) target(%arg10 : memref<80x128xf32, #tpu.memory_space<vmem>>) offsets(%dma_start3A : memref<80xi32, #tpu.memory_space<vmem>>) semaphore(%arg12 : memref<!tpu.dma_semaphore, #tpu.memory_space<semaphore_mem>>)
      %dma_start3A_14 = tpu.memref_slice %arg9[%multiple_of3A] : memref<10000xi32, #tpu.memory_space<vmem>> -> memref<80xi32, #tpu.memory_space<vmem>>
      %dma_start3A_15 = arith.constant 0 : i32
      %dma_start3A_16 = arith.constant 0 : i32
      %dma_start3A_17 = tpu.memref_slice %arg5[%dma_start3A_15, %dma_start3A_16] : memref<10000x256xf32, #tpu.memory_space<hbm>> -> memref<10000x256xf32, #tpu.memory_space<hbm>>
      tpu.enqueue_indirect_dma source(%dma_start3A_17 : memref<10000x256xf32, #tpu.memory_space<hbm>>) target(%arg11 : memref<80x256xf32, #tpu.memory_space<vmem>>) offsets(%dma_start3A_14 : memref<80xi32, #tpu.memory_space<vmem>>) semaphore(%arg12 : memref<!tpu.dma_semaphore, #tpu.memory_space<semaphore_mem>>)
      %dma_wait3A = tpu.memref_slice %arg8[%multiple_of3A] : memref<10000xi32, #tpu.memory_space<vmem>> -> memref<80xi32, #tpu.memory_space<vmem>>
      %dma_wait3A_18 = arith.constant 0 : i32
      %dma_wait3A_19 = arith.constant 0 : i32
      %dma_wait3A_20 = tpu.memref_slice %arg4[%dma_wait3A_18, %dma_wait3A_19] : memref<10000x128xf32, #tpu.memory_space<hbm>> -> memref<10000x128xf32, #tpu.memory_space<hbm>>
      tpu.wait_indirect_dma semaphore(%arg12 : memref<!tpu.dma_semaphore, #tpu.memory_space<semaphore_mem>>) src(%dma_wait3A_20 : memref<10000x128xf32, #tpu.memory_space<hbm>>) dst(%arg10 : memref<80x128xf32, #tpu.memory_space<vmem>>)
      %dma_wait3A_21 = tpu.memref_slice %arg9[%multiple_of3A] : memref<10000xi32, #tpu.memory_space<vmem>> -> memref<80xi32, #tpu.memory_space<vmem>>
      %dma_wait3A_22 = arith.constant 0 : i32
      %dma_wait3A_23 = arith.constant 0 : i32
      %dma_wait3A_24 = tpu.memref_slice %arg5[%dma_wait3A_22, %dma_wait3A_23] : memref<10000x256xf32, #tpu.memory_space<hbm>> -> memref<10000x256xf32, #tpu.memory_space<hbm>>
      tpu.wait_indirect_dma semaphore(%arg12 : memref<!tpu.dma_semaphore, #tpu.memory_space<semaphore_mem>>) src(%dma_wait3A_24 : memref<10000x256xf32, #tpu.memory_space<hbm>>) dst(%arg11 : memref<80x256xf32, #tpu.memory_space<vmem>>)
      %add3A_25 = arith.addi %mul3A_2, %multiple_of3A : i32
      "tpu.region"() ({
        %run_scoped3A = tpu.sem_alloc : memref<!tpu.dma_semaphore, #tpu.memory_space<semaphore_mem>>
        %dma_start3A_27 = arith.constant 0 : i32
        %dma_start3A_28 = tpu.memref_slice %arg6[%add3A_25, %dma_start3A_27] : memref<320000x128xf32, #tpu.memory_space<hbm>> -> memref<80x128xf32, #tpu.memory_space<hbm>>
        %dma_start3A_29 = arith.constant 0 : i32
        %dma_start3A_30 = tpu.memref_slice %arg6[%add3A_25, %dma_start3A_29] : memref<320000x128xf32, #tpu.memory_space<hbm>> -> memref<80x128xf32, #tpu.memory_space<hbm>>
        tpu.enqueue_dma source(%arg10 : memref<80x128xf32, #tpu.memory_space<vmem>>) target(%dma_start3A_30 : memref<80x128xf32, #tpu.memory_space<hbm>>) target_semaphore(%run_scoped3A : memref<!tpu.dma_semaphore, #tpu.memory_space<semaphore_mem>>)
        %dma_wait3A_31 = arith.constant 0 : i32
        %dma_wait3A_32 = tpu.memref_slice %arg6[%add3A_25, %dma_wait3A_31] : memref<320000x128xf32, #tpu.memory_space<hbm>> -> memref<80x128xf32, #tpu.memory_space<hbm>>
        %dma_wait3A_33 = arith.constant 0 : i32
        %dma_wait3A_34 = tpu.memref_slice %arg6[%add3A_25, %dma_wait3A_33] : memref<320000x128xf32, #tpu.memory_space<hbm>> -> memref<80x128xf32, #tpu.memory_space<hbm>>
        tpu.wait_dma2 semaphore(%run_scoped3A : memref<!tpu.dma_semaphore, #tpu.memory_space<semaphore_mem>>) src(%arg10 : memref<80x128xf32, #tpu.memory_space<vmem>>) dst(%dma_wait3A_34 : memref<80x128xf32, #tpu.memory_space<hbm>>)
        tpu.yield
      }) : () -> ()
      %add3A_26 = arith.addi %mul3A_2, %multiple_of3A : i32
      "tpu.region"() ({
        %run_scoped3A = tpu.sem_alloc : memref<!tpu.dma_semaphore, #tpu.memory_space<semaphore_mem>>
        %dma_start3A_27 = arith.constant 0 : i32
        %dma_start3A_28 = tpu.memref_slice %arg7[%add3A_26, %dma_start3A_27] : memref<320000x256xf32, #tpu.memory_space<hbm>> -> memref<80x256xf32, #tpu.memory_space<hbm>>
        %dma_start3A_29 = arith.constant 0 : i32
        %dma_start3A_30 = tpu.memref_slice %arg7[%add3A_26, %dma_start3A_29] : memref<320000x256xf32, #tpu.memory_space<hbm>> -> memref<80x256xf32, #tpu.memory_space<hbm>>
        tpu.enqueue_dma source(%arg11 : memref<80x256xf32, #tpu.memory_space<vmem>>) target(%dma_start3A_30 : memref<80x256xf32, #tpu.memory_space<hbm>>) target_semaphore(%run_scoped3A : memref<!tpu.dma_semaphore, #tpu.memory_space<semaphore_mem>>)
        %dma_wait3A_31 = arith.constant 0 : i32
        %dma_wait3A_32 = tpu.memref_slice %arg7[%add3A_26, %dma_wait3A_31] : memref<320000x256xf32, #tpu.memory_space<hbm>> -> memref<80x256xf32, #tpu.memory_space<hbm>>
        %dma_wait3A_33 = arith.constant 0 : i32
        %dma_wait3A_34 = tpu.memref_slice %arg7[%add3A_26, %dma_wait3A_33] : memref<320000x256xf32, #tpu.memory_space<hbm>> -> memref<80x256xf32, #tpu.memory_space<hbm>>
        tpu.wait_dma2 semaphore(%run_scoped3A : memref<!tpu.dma_semaphore, #tpu.memory_space<semaphore_mem>>) src(%arg11 : memref<80x256xf32, #tpu.memory_space<vmem>>) dst(%dma_wait3A_34 : memref<80x256xf32, #tpu.memory_space<hbm>>)
        tpu.yield
      }) : () -> ()
    }
    %scan3A_7 = arith.constant 125 : i32
    return
  }
}

#map = affine_map<(d0, d1) -> (0, 0)>
module attributes {stable_mosaic.version = 14 : i64} {
  func.func @sk(%arg0: i32, %arg1: i32, %arg2: memref<4096x80xi32, #tpu.memory_space<hbm>>, %arg3: memref<320000x128xf32, #tpu.memory_space<hbm>>, %arg4: memref<320000x128xf32, #tpu.memory_space<hbm>>, %arg5: memref<10000x128xf32, #tpu.memory_space<hbm>>, %arg6: memref<20000x128xf32, #tpu.memory_space<hbm>>, %arg7: memref<256x80xi32, #tpu.memory_space<vmem>>, %arg8: memref<80x128xf32, #tpu.memory_space<vmem>>, %arg9: memref<10000x128xf32, #tpu.memory_space<vmem_shared>>) attributes {dimension_semantics = [#tpu.dimension_semantics<core_parallel>, #tpu.dimension_semantics<subcore_parallel>], iteration_bounds = array<i64: 2, 16>, scalar_prefetch = 0 : i64, scratch_operands = 3 : i64, tpu.core_type = #tpu.core_type<sc_vector_subcore>, window_params = [{transform_indices = #map}, {transform_indices = #map}, {transform_indices = #map}, {transform_indices = #map}, {transform_indices = #map}]} {
    %eq3A = arith.constant 0 : i32
    %eq3A_0 = arith.cmpi eq, %arg1, %eq3A : i32
    %convert_element_type3A = arith.extui %eq3A_0 : i1 to i32
    %cond3A = arith.constant 0 : i32
    %cond3A_1 = arith.cmpi ne, %convert_element_type3A, %cond3A : i32
    scf.if %cond3A_1 {
      "tpu.region"() ({
        %run_scoped3A = tpu.sem_alloc : memref<!tpu.dma_semaphore, #tpu.memory_space<semaphore_mem>>
        tpu.enqueue_dma source(%arg5 : memref<10000x128xf32, #tpu.memory_space<hbm>>) target(%arg9 : memref<10000x128xf32, #tpu.memory_space<vmem_shared>>) target_semaphore(%run_scoped3A : memref<!tpu.dma_semaphore, #tpu.memory_space<semaphore_mem>>)
        tpu.wait_dma2 semaphore(%run_scoped3A : memref<!tpu.dma_semaphore, #tpu.memory_space<semaphore_mem>>) src(%arg5 : memref<10000x128xf32, #tpu.memory_space<hbm>>) dst(%arg9 : memref<10000x128xf32, #tpu.memory_space<vmem_shared>>)
        tpu.yield
      }) : () -> ()
    } else {
    }
    %barrier3A = arith.constant 0 : index
    tpu.barrier barrier_id(%barrier3A)
    %mul3A = arith.constant 256 : i32
    %mul3A_2 = arith.muli %arg1, %mul3A : i32
    "tpu.region"() ({
      %run_scoped3A = tpu.sem_alloc : memref<!tpu.dma_semaphore, #tpu.memory_space<semaphore_mem>>
      %dma_start3A = arith.constant 0 : i32
      %dma_start3A_22 = tpu.memref_slice %arg2[%mul3A_2, %dma_start3A] : memref<4096x80xi32, #tpu.memory_space<hbm>> -> memref<256x80xi32, #tpu.memory_space<hbm>>
      %dma_start3A_23 = arith.constant 0 : i32
      %dma_start3A_24 = tpu.memref_slice %arg2[%mul3A_2, %dma_start3A_23] : memref<4096x80xi32, #tpu.memory_space<hbm>> -> memref<256x80xi32, #tpu.memory_space<hbm>>
      tpu.enqueue_dma source(%dma_start3A_24 : memref<256x80xi32, #tpu.memory_space<hbm>>) target(%arg7 : memref<256x80xi32, #tpu.memory_space<vmem>>) target_semaphore(%run_scoped3A : memref<!tpu.dma_semaphore, #tpu.memory_space<semaphore_mem>>)
      %dma_wait3A = arith.constant 0 : i32
      %dma_wait3A_25 = tpu.memref_slice %arg2[%mul3A_2, %dma_wait3A] : memref<4096x80xi32, #tpu.memory_space<hbm>> -> memref<256x80xi32, #tpu.memory_space<hbm>>
      %dma_wait3A_26 = arith.constant 0 : i32
      %dma_wait3A_27 = tpu.memref_slice %arg2[%mul3A_2, %dma_wait3A_26] : memref<4096x80xi32, #tpu.memory_space<hbm>> -> memref<256x80xi32, #tpu.memory_space<hbm>>
      tpu.wait_dma2 semaphore(%run_scoped3A : memref<!tpu.dma_semaphore, #tpu.memory_space<semaphore_mem>>) src(%dma_wait3A_27 : memref<256x80xi32, #tpu.memory_space<hbm>>) dst(%arg7 : memref<256x80xi32, #tpu.memory_space<vmem>>)
      tpu.yield
    }) : () -> ()
    %sub3A = arith.constant 4000 : i32
    %sub3A_3 = arith.subi %sub3A, %mul3A_2 : i32
    %max3A = arith.constant 0 : i32
    %max3A_4 = arith.maxsi %sub3A_3, %max3A : i32
    %min3A = arith.constant 256 : i32
    %min3A_5 = arith.minsi %min3A, %max3A_4 : i32
    %eq3A_6 = arith.constant 0 : i32
    %eq3A_7 = arith.cmpi eq, %arg0, %eq3A_6 : i32
    %convert_element_type3A_8 = arith.extui %eq3A_7 : i1 to i32
    %cond3A_9 = arith.constant 0 : i32
    %cond3A_10 = arith.cmpi ne, %convert_element_type3A_8, %cond3A_9 : i32
    scf.if %cond3A_10 {
      %while3A = arith.constant 0 : i32
      %while3A_22 = arith.constant 0 : i32
      %while3A_23 = arith.subi %min3A_5, %while3A_22 : i32
      %while3A_24 = arith.addi %while3A_22, %while3A_23 : i32
      %while3A_25 = arith.constant 1 : i32
      %while3A_26 = arith.divsi %while3A_23, %while3A_25 : i32
      %while3A_27 = arith.muli %while3A_26, %while3A_25 : i32
      %while3A_28 = arith.addi %while3A_22, %while3A_27 : i32
      %while3A_29 = arith.constant 1 : i32
      scf.for %while3A_31 = %while3A_22 to %while3A_28 step %while3A_29  : i32 {
        %add3A = arith.addi %mul3A_2, %while3A_31 : i32
        %mul3A_32 = arith.constant 80 : i32
        %mul3A_33 = arith.muli %add3A, %mul3A_32 : i32
        %multiple_of3A = tpu.assume_multiple %mul3A_33, 80 : i32
        "tpu.region"() ({
          %run_scoped3A = tpu.sem_alloc : memref<!tpu.dma_semaphore, #tpu.memory_space<semaphore_mem>>
          %dma_start3A = arith.constant 0 : i32
          %dma_start3A_34 = tpu.memref_slice %arg3[%multiple_of3A, %dma_start3A] : memref<320000x128xf32, #tpu.memory_space<hbm>> -> memref<80x128xf32, #tpu.memory_space<hbm>>
          %dma_start3A_35 = arith.constant 0 : i32
          %dma_start3A_36 = tpu.memref_slice %arg3[%multiple_of3A, %dma_start3A_35] : memref<320000x128xf32, #tpu.memory_space<hbm>> -> memref<80x128xf32, #tpu.memory_space<hbm>>
          tpu.enqueue_dma source(%dma_start3A_36 : memref<80x128xf32, #tpu.memory_space<hbm>>) target(%arg8 : memref<80x128xf32, #tpu.memory_space<vmem>>) target_semaphore(%run_scoped3A : memref<!tpu.dma_semaphore, #tpu.memory_space<semaphore_mem>>)
          %dma_wait3A = arith.constant 0 : i32
          %dma_wait3A_37 = tpu.memref_slice %arg3[%multiple_of3A, %dma_wait3A] : memref<320000x128xf32, #tpu.memory_space<hbm>> -> memref<80x128xf32, #tpu.memory_space<hbm>>
          %dma_wait3A_38 = arith.constant 0 : i32
          %dma_wait3A_39 = tpu.memref_slice %arg3[%multiple_of3A, %dma_wait3A_38] : memref<320000x128xf32, #tpu.memory_space<hbm>> -> memref<80x128xf32, #tpu.memory_space<hbm>>
          tpu.wait_dma2 semaphore(%run_scoped3A : memref<!tpu.dma_semaphore, #tpu.memory_space<semaphore_mem>>) src(%dma_wait3A_39 : memref<80x128xf32, #tpu.memory_space<hbm>>) dst(%arg8 : memref<80x128xf32, #tpu.memory_space<vmem>>)
          tpu.yield
        }) : () -> ()
        "tpu.region"() ({
          %run_scoped3A = tpu.sem_alloc : memref<!tpu.dma_semaphore, #tpu.memory_space<semaphore_mem>>
          %dma_start3A = arith.constant 0 : i32
          %dma_start3A_34 = tpu.memref_slice %arg7[%while3A_31, %dma_start3A] : memref<256x80xi32, #tpu.memory_space<vmem>> -> memref<1x80xi32, #tpu.memory_space<vmem>>
          %dma_start3A_35 = tpu.memref_squeeze %dma_start3A_34 : memref<1x80xi32, #tpu.memory_space<vmem>> -> memref<80xi32, #tpu.memory_space<vmem>>
          %dma_start3A_36 = arith.constant 0 : i32
          %dma_start3A_37 = arith.constant 0 : i32
          %dma_start3A_38 = tpu.memref_slice %arg9[%dma_start3A_36, %dma_start3A_37] : memref<10000x128xf32, #tpu.memory_space<vmem_shared>> -> memref<10000x128xf32, #tpu.memory_space<vmem_shared>>
          tpu.enqueue_indirect_dma source(%arg8 : memref<80x128xf32, #tpu.memory_space<vmem>>) target(%dma_start3A_38 : memref<10000x128xf32, #tpu.memory_space<vmem_shared>>) offsets(%dma_start3A_35 : memref<80xi32, #tpu.memory_space<vmem>>) semaphore(%run_scoped3A : memref<!tpu.dma_semaphore, #tpu.memory_space<semaphore_mem>>) {add = true}
          %dma_wait3A = arith.constant 0 : i32
          %dma_wait3A_39 = tpu.memref_slice %arg7[%while3A_31, %dma_wait3A] : memref<256x80xi32, #tpu.memory_space<vmem>> -> memref<1x80xi32, #tpu.memory_space<vmem>>
          %dma_wait3A_40 = tpu.memref_squeeze %dma_wait3A_39 : memref<1x80xi32, #tpu.memory_space<vmem>> -> memref<80xi32, #tpu.memory_space<vmem>>
          %dma_wait3A_41 = arith.constant 0 : i32
          %dma_wait3A_42 = arith.constant 0 : i32
          %dma_wait3A_43 = tpu.memref_slice %arg9[%dma_wait3A_41, %dma_wait3A_42] : memref<10000x128xf32, #tpu.memory_space<vmem_shared>> -> memref<10000x128xf32, #tpu.memory_space<vmem_shared>>
          tpu.wait_indirect_dma semaphore(%run_scoped3A : memref<!tpu.dma_semaphore, #tpu.memory_space<semaphore_mem>>) src(%arg8 : memref<80x128xf32, #tpu.memory_space<vmem>>) dst(%dma_wait3A_43 : memref<10000x128xf32, #tpu.memory_space<vmem_shared>>)
          tpu.yield
        }) : () -> ()
      }
      %while3A_30 = arith.constant 1 : i32
      scf.for %while3A_31 = %while3A_28 to %while3A_24 step %while3A_30  : i32 {
        %add3A = arith.addi %mul3A_2, %while3A_31 : i32
        %mul3A_32 = arith.constant 80 : i32
        %mul3A_33 = arith.muli %add3A, %mul3A_32 : i32
        %multiple_of3A = tpu.assume_multiple %mul3A_33, 80 : i32
        "tpu.region"() ({
          %run_scoped3A = tpu.sem_alloc : memref<!tpu.dma_semaphore, #tpu.memory_space<semaphore_mem>>
          %dma_start3A = arith.constant 0 : i32
          %dma_start3A_34 = tpu.memref_slice %arg3[%multiple_of3A, %dma_start3A] : memref<320000x128xf32, #tpu.memory_space<hbm>> -> memref<80x128xf32, #tpu.memory_space<hbm>>
          %dma_start3A_35 = arith.constant 0 : i32
          %dma_start3A_36 = tpu.memref_slice %arg3[%multiple_of3A, %dma_start3A_35] : memref<320000x128xf32, #tpu.memory_space<hbm>> -> memref<80x128xf32, #tpu.memory_space<hbm>>
          tpu.enqueue_dma source(%dma_start3A_36 : memref<80x128xf32, #tpu.memory_space<hbm>>) target(%arg8 : memref<80x128xf32, #tpu.memory_space<vmem>>) target_semaphore(%run_scoped3A : memref<!tpu.dma_semaphore, #tpu.memory_space<semaphore_mem>>)
          %dma_wait3A = arith.constant 0 : i32
          %dma_wait3A_37 = tpu.memref_slice %arg3[%multiple_of3A, %dma_wait3A] : memref<320000x128xf32, #tpu.memory_space<hbm>> -> memref<80x128xf32, #tpu.memory_space<hbm>>
          %dma_wait3A_38 = arith.constant 0 : i32
          %dma_wait3A_39 = tpu.memref_slice %arg3[%multiple_of3A, %dma_wait3A_38] : memref<320000x128xf32, #tpu.memory_space<hbm>> -> memref<80x128xf32, #tpu.memory_space<hbm>>
          tpu.wait_dma2 semaphore(%run_scoped3A : memref<!tpu.dma_semaphore, #tpu.memory_space<semaphore_mem>>) src(%dma_wait3A_39 : memref<80x128xf32, #tpu.memory_space<hbm>>) dst(%arg8 : memref<80x128xf32, #tpu.memory_space<vmem>>)
          tpu.yield
        }) : () -> ()
        "tpu.region"() ({
          %run_scoped3A = tpu.sem_alloc : memref<!tpu.dma_semaphore, #tpu.memory_space<semaphore_mem>>
          %dma_start3A = arith.constant 0 : i32
          %dma_start3A_34 = tpu.memref_slice %arg7[%while3A_31, %dma_start3A] : memref<256x80xi32, #tpu.memory_space<vmem>> -> memref<1x80xi32, #tpu.memory_space<vmem>>
          %dma_start3A_35 = tpu.memref_squeeze %dma_start3A_34 : memref<1x80xi32, #tpu.memory_space<vmem>> -> memref<80xi32, #tpu.memory_space<vmem>>
          %dma_start3A_36 = arith.constant 0 : i32
          %dma_start3A_37 = arith.constant 0 : i32
          %dma_start3A_38 = tpu.memref_slice %arg9[%dma_start3A_36, %dma_start3A_37] : memref<10000x128xf32, #tpu.memory_space<vmem_shared>> -> memref<10000x128xf32, #tpu.memory_space<vmem_shared>>
          tpu.enqueue_indirect_dma source(%arg8 : memref<80x128xf32, #tpu.memory_space<vmem>>) target(%dma_start3A_38 : memref<10000x128xf32, #tpu.memory_space<vmem_shared>>) offsets(%dma_start3A_35 : memref<80xi32, #tpu.memory_space<vmem>>) semaphore(%run_scoped3A : memref<!tpu.dma_semaphore, #tpu.memory_space<semaphore_mem>>) {add = true}
          %dma_wait3A = arith.constant 0 : i32
          %dma_wait3A_39 = tpu.memref_slice %arg7[%while3A_31, %dma_wait3A] : memref<256x80xi32, #tpu.memory_space<vmem>> -> memref<1x80xi32, #tpu.memory_space<vmem>>
          %dma_wait3A_40 = tpu.memref_squeeze %dma_wait3A_39 : memref<1x80xi32, #tpu.memory_space<vmem>> -> memref<80xi32, #tpu.memory_space<vmem>>
          %dma_wait3A_41 = arith.constant 0 : i32
          %dma_wait3A_42 = arith.constant 0 : i32
          %dma_wait3A_43 = tpu.memref_slice %arg9[%dma_wait3A_41, %dma_wait3A_42] : memref<10000x128xf32, #tpu.memory_space<vmem_shared>> -> memref<10000x128xf32, #tpu.memory_space<vmem_shared>>
          tpu.wait_indirect_dma semaphore(%run_scoped3A : memref<!tpu.dma_semaphore, #tpu.memory_space<semaphore_mem>>) src(%arg8 : memref<80x128xf32, #tpu.memory_space<vmem>>) dst(%dma_wait3A_43 : memref<10000x128xf32, #tpu.memory_space<vmem_shared>>)
          tpu.yield
        }) : () -> ()
      }
    } else {
    }
    %eq3A_11 = arith.constant 1 : i32
    %eq3A_12 = arith.cmpi eq, %arg0, %eq3A_11 : i32
    %convert_element_type3A_13 = arith.extui %eq3A_12 : i1 to i32
    %cond3A_14 = arith.constant 0 : i32
    %cond3A_15 = arith.cmpi ne, %convert_element_type3A_13, %cond3A_14 : i32
    scf.if %cond3A_15 {
      %while3A = arith.constant 0 : i32
      %while3A_22 = arith.constant 0 : i32
      %while3A_23 = arith.subi %min3A_5, %while3A_22 : i32
      %while3A_24 = arith.addi %while3A_22, %while3A_23 : i32
      %while3A_25 = arith.constant 1 : i32
      %while3A_26 = arith.divsi %while3A_23, %while3A_25 : i32
      %while3A_27 = arith.muli %while3A_26, %while3A_25 : i32
      %while3A_28 = arith.addi %while3A_22, %while3A_27 : i32
      %while3A_29 = arith.constant 1 : i32
      scf.for %while3A_31 = %while3A_22 to %while3A_28 step %while3A_29  : i32 {
        %add3A = arith.addi %mul3A_2, %while3A_31 : i32
        %mul3A_32 = arith.constant 80 : i32
        %mul3A_33 = arith.muli %add3A, %mul3A_32 : i32
        %multiple_of3A = tpu.assume_multiple %mul3A_33, 80 : i32
        "tpu.region"() ({
          %run_scoped3A = tpu.sem_alloc : memref<!tpu.dma_semaphore, #tpu.memory_space<semaphore_mem>>
          %dma_start3A = arith.constant 0 : i32
          %dma_start3A_34 = tpu.memref_slice %arg4[%multiple_of3A, %dma_start3A] : memref<320000x128xf32, #tpu.memory_space<hbm>> -> memref<80x128xf32, #tpu.memory_space<hbm>>
          %dma_start3A_35 = arith.constant 0 : i32
          %dma_start3A_36 = tpu.memref_slice %arg4[%multiple_of3A, %dma_start3A_35] : memref<320000x128xf32, #tpu.memory_space<hbm>> -> memref<80x128xf32, #tpu.memory_space<hbm>>
          tpu.enqueue_dma source(%dma_start3A_36 : memref<80x128xf32, #tpu.memory_space<hbm>>) target(%arg8 : memref<80x128xf32, #tpu.memory_space<vmem>>) target_semaphore(%run_scoped3A : memref<!tpu.dma_semaphore, #tpu.memory_space<semaphore_mem>>)
          %dma_wait3A = arith.constant 0 : i32
          %dma_wait3A_37 = tpu.memref_slice %arg4[%multiple_of3A, %dma_wait3A] : memref<320000x128xf32, #tpu.memory_space<hbm>> -> memref<80x128xf32, #tpu.memory_space<hbm>>
          %dma_wait3A_38 = arith.constant 0 : i32
          %dma_wait3A_39 = tpu.memref_slice %arg4[%multiple_of3A, %dma_wait3A_38] : memref<320000x128xf32, #tpu.memory_space<hbm>> -> memref<80x128xf32, #tpu.memory_space<hbm>>
          tpu.wait_dma2 semaphore(%run_scoped3A : memref<!tpu.dma_semaphore, #tpu.memory_space<semaphore_mem>>) src(%dma_wait3A_39 : memref<80x128xf32, #tpu.memory_space<hbm>>) dst(%arg8 : memref<80x128xf32, #tpu.memory_space<vmem>>)
          tpu.yield
        }) : () -> ()
        "tpu.region"() ({
          %run_scoped3A = tpu.sem_alloc : memref<!tpu.dma_semaphore, #tpu.memory_space<semaphore_mem>>
          %dma_start3A = arith.constant 0 : i32
          %dma_start3A_34 = tpu.memref_slice %arg7[%while3A_31, %dma_start3A] : memref<256x80xi32, #tpu.memory_space<vmem>> -> memref<1x80xi32, #tpu.memory_space<vmem>>
          %dma_start3A_35 = tpu.memref_squeeze %dma_start3A_34 : memref<1x80xi32, #tpu.memory_space<vmem>> -> memref<80xi32, #tpu.memory_space<vmem>>
          %dma_start3A_36 = arith.constant 0 : i32
          %dma_start3A_37 = arith.constant 0 : i32
          %dma_start3A_38 = tpu.memref_slice %arg9[%dma_start3A_36, %dma_start3A_37] : memref<10000x128xf32, #tpu.memory_space<vmem_shared>> -> memref<10000x128xf32, #tpu.memory_space<vmem_shared>>
          tpu.enqueue_indirect_dma source(%arg8 : memref<80x128xf32, #tpu.memory_space<vmem>>) target(%dma_start3A_38 : memref<10000x128xf32, #tpu.memory_space<vmem_shared>>) offsets(%dma_start3A_35 : memref<80xi32, #tpu.memory_space<vmem>>) semaphore(%run_scoped3A : memref<!tpu.dma_semaphore, #tpu.memory_space<semaphore_mem>>) {add = true}
          %dma_wait3A = arith.constant 0 : i32
          %dma_wait3A_39 = tpu.memref_slice %arg7[%while3A_31, %dma_wait3A] : memref<256x80xi32, #tpu.memory_space<vmem>> -> memref<1x80xi32, #tpu.memory_space<vmem>>
          %dma_wait3A_40 = tpu.memref_squeeze %dma_wait3A_39 : memref<1x80xi32, #tpu.memory_space<vmem>> -> memref<80xi32, #tpu.memory_space<vmem>>
          %dma_wait3A_41 = arith.constant 0 : i32
          %dma_wait3A_42 = arith.constant 0 : i32
          %dma_wait3A_43 = tpu.memref_slice %arg9[%dma_wait3A_41, %dma_wait3A_42] : memref<10000x128xf32, #tpu.memory_space<vmem_shared>> -> memref<10000x128xf32, #tpu.memory_space<vmem_shared>>
          tpu.wait_indirect_dma semaphore(%run_scoped3A : memref<!tpu.dma_semaphore, #tpu.memory_space<semaphore_mem>>) src(%arg8 : memref<80x128xf32, #tpu.memory_space<vmem>>) dst(%dma_wait3A_43 : memref<10000x128xf32, #tpu.memory_space<vmem_shared>>)
          tpu.yield
        }) : () -> ()
      }
      %while3A_30 = arith.constant 1 : i32
      scf.for %while3A_31 = %while3A_28 to %while3A_24 step %while3A_30  : i32 {
        %add3A = arith.addi %mul3A_2, %while3A_31 : i32
        %mul3A_32 = arith.constant 80 : i32
        %mul3A_33 = arith.muli %add3A, %mul3A_32 : i32
        %multiple_of3A = tpu.assume_multiple %mul3A_33, 80 : i32
        "tpu.region"() ({
          %run_scoped3A = tpu.sem_alloc : memref<!tpu.dma_semaphore, #tpu.memory_space<semaphore_mem>>
          %dma_start3A = arith.constant 0 : i32
          %dma_start3A_34 = tpu.memref_slice %arg4[%multiple_of3A, %dma_start3A] : memref<320000x128xf32, #tpu.memory_space<hbm>> -> memref<80x128xf32, #tpu.memory_space<hbm>>
          %dma_start3A_35 = arith.constant 0 : i32
          %dma_start3A_36 = tpu.memref_slice %arg4[%multiple_of3A, %dma_start3A_35] : memref<320000x128xf32, #tpu.memory_space<hbm>> -> memref<80x128xf32, #tpu.memory_space<hbm>>
          tpu.enqueue_dma source(%dma_start3A_36 : memref<80x128xf32, #tpu.memory_space<hbm>>) target(%arg8 : memref<80x128xf32, #tpu.memory_space<vmem>>) target_semaphore(%run_scoped3A : memref<!tpu.dma_semaphore, #tpu.memory_space<semaphore_mem>>)
          %dma_wait3A = arith.constant 0 : i32
          %dma_wait3A_37 = tpu.memref_slice %arg4[%multiple_of3A, %dma_wait3A] : memref<320000x128xf32, #tpu.memory_space<hbm>> -> memref<80x128xf32, #tpu.memory_space<hbm>>
          %dma_wait3A_38 = arith.constant 0 : i32
          %dma_wait3A_39 = tpu.memref_slice %arg4[%multiple_of3A, %dma_wait3A_38] : memref<320000x128xf32, #tpu.memory_space<hbm>> -> memref<80x128xf32, #tpu.memory_space<hbm>>
          tpu.wait_dma2 semaphore(%run_scoped3A : memref<!tpu.dma_semaphore, #tpu.memory_space<semaphore_mem>>) src(%dma_wait3A_39 : memref<80x128xf32, #tpu.memory_space<hbm>>) dst(%arg8 : memref<80x128xf32, #tpu.memory_space<vmem>>)
          tpu.yield
        }) : () -> ()
        "tpu.region"() ({
          %run_scoped3A = tpu.sem_alloc : memref<!tpu.dma_semaphore, #tpu.memory_space<semaphore_mem>>
          %dma_start3A = arith.constant 0 : i32
          %dma_start3A_34 = tpu.memref_slice %arg7[%while3A_31, %dma_start3A] : memref<256x80xi32, #tpu.memory_space<vmem>> -> memref<1x80xi32, #tpu.memory_space<vmem>>
          %dma_start3A_35 = tpu.memref_squeeze %dma_start3A_34 : memref<1x80xi32, #tpu.memory_space<vmem>> -> memref<80xi32, #tpu.memory_space<vmem>>
          %dma_start3A_36 = arith.constant 0 : i32
          %dma_start3A_37 = arith.constant 0 : i32
          %dma_start3A_38 = tpu.memref_slice %arg9[%dma_start3A_36, %dma_start3A_37] : memref<10000x128xf32, #tpu.memory_space<vmem_shared>> -> memref<10000x128xf32, #tpu.memory_space<vmem_shared>>
          tpu.enqueue_indirect_dma source(%arg8 : memref<80x128xf32, #tpu.memory_space<vmem>>) target(%dma_start3A_38 : memref<10000x128xf32, #tpu.memory_space<vmem_shared>>) offsets(%dma_start3A_35 : memref<80xi32, #tpu.memory_space<vmem>>) semaphore(%run_scoped3A : memref<!tpu.dma_semaphore, #tpu.memory_space<semaphore_mem>>) {add = true}
          %dma_wait3A = arith.constant 0 : i32
          %dma_wait3A_39 = tpu.memref_slice %arg7[%while3A_31, %dma_wait3A] : memref<256x80xi32, #tpu.memory_space<vmem>> -> memref<1x80xi32, #tpu.memory_space<vmem>>
          %dma_wait3A_40 = tpu.memref_squeeze %dma_wait3A_39 : memref<1x80xi32, #tpu.memory_space<vmem>> -> memref<80xi32, #tpu.memory_space<vmem>>
          %dma_wait3A_41 = arith.constant 0 : i32
          %dma_wait3A_42 = arith.constant 0 : i32
          %dma_wait3A_43 = tpu.memref_slice %arg9[%dma_wait3A_41, %dma_wait3A_42] : memref<10000x128xf32, #tpu.memory_space<vmem_shared>> -> memref<10000x128xf32, #tpu.memory_space<vmem_shared>>
          tpu.wait_indirect_dma semaphore(%run_scoped3A : memref<!tpu.dma_semaphore, #tpu.memory_space<semaphore_mem>>) src(%arg8 : memref<80x128xf32, #tpu.memory_space<vmem>>) dst(%dma_wait3A_43 : memref<10000x128xf32, #tpu.memory_space<vmem_shared>>)
          tpu.yield
        }) : () -> ()
      }
    } else {
    }
    %barrier3A_16 = arith.constant 0 : index
    tpu.barrier barrier_id(%barrier3A_16)
    %eq3A_17 = arith.constant 0 : i32
    %eq3A_18 = arith.cmpi eq, %arg1, %eq3A_17 : i32
    %convert_element_type3A_19 = arith.extui %eq3A_18 : i1 to i32
    %cond3A_20 = arith.constant 0 : i32
    %cond3A_21 = arith.cmpi ne, %convert_element_type3A_19, %cond3A_20 : i32
    scf.if %cond3A_21 {
      %mul3A_22 = arith.constant 10000 : i32
      %mul3A_23 = arith.muli %arg0, %mul3A_22 : i32
      "tpu.region"() ({
        %run_scoped3A = tpu.sem_alloc : memref<!tpu.dma_semaphore, #tpu.memory_space<semaphore_mem>>
        %dma_start3A = arith.constant 0 : i32
        %dma_start3A_24 = tpu.memref_slice %arg6[%mul3A_23, %dma_start3A] : memref<20000x128xf32, #tpu.memory_space<hbm>> -> memref<10000x128xf32, #tpu.memory_space<hbm>>
        tpu.enqueue_dma source(%arg9 : memref<10000x128xf32, #tpu.memory_space<vmem_shared>>) target(%dma_start3A_24 : memref<10000x128xf32, #tpu.memory_space<hbm>>) target_semaphore(%run_scoped3A : memref<!tpu.dma_semaphore, #tpu.memory_space<semaphore_mem>>)
        %dma_wait3A = arith.constant 0 : i32
        %dma_wait3A_25 = tpu.memref_slice %arg6[%mul3A_23, %dma_wait3A] : memref<20000x128xf32, #tpu.memory_space<hbm>> -> memref<10000x128xf32, #tpu.memory_space<hbm>>
        tpu.wait_dma2 semaphore(%run_scoped3A : memref<!tpu.dma_semaphore, #tpu.memory_space<semaphore_mem>>) src(%arg9 : memref<10000x128xf32, #tpu.memory_space<vmem_shared>>) dst(%dma_wait3A_25 : memref<10000x128xf32, #tpu.memory_space<hbm>>)
        tpu.yield
      }) : () -> ()
    } else {
    }
    return
  }
}

#map = affine_map<(d0, d1) -> (0)>
#map1 = affine_map<(d0, d1) -> (0, 0)>
module attributes {stable_mosaic.version = 14 : i64} {
  func.func @gk(%arg0: i32, %arg1: i32, %arg2: memref<320000xi32, #tpu.memory_space<hbm>>, %arg3: memref<320000xi32, #tpu.memory_space<hbm>>, %arg4: memref<10000x128xf32, #tpu.memory_space<hbm>>, %arg5: memref<10000x256xf32, #tpu.memory_space<hbm>>, %arg6: memref<320000x128xf32, #tpu.memory_space<hbm>>, %arg7: memref<320000x256xf32, #tpu.memory_space<hbm>>, %arg8: memref<10000xi32, #tpu.memory_space<vmem>>, %arg9: memref<10000xi32, #tpu.memory_space<vmem>>, %arg10: memref<80x128xf32, #tpu.memory_space<vmem>>, %arg11: memref<80x256xf32, #tpu.memory_space<vmem>>, %arg12: memref<!tpu.dma_semaphore, #tpu.memory_space<semaphore_mem>>) attributes {dimension_semantics = [#tpu.dimension_semantics<core_parallel>, #tpu.dimension_semantics<subcore_parallel>], iteration_bounds = array<i64: 2, 16>, scalar_prefetch = 0 : i64, scratch_operands = 5 : i64, tpu.core_type = #tpu.core_type<sc_vector_subcore>, window_params = [{transform_indices = #map}, {transform_indices = #map}, {transform_indices = #map1}, {transform_indices = #map1}, {transform_indices = #map1}, {transform_indices = #map1}]} {
    %mul3A = arith.constant 2 : i32
    %mul3A_0 = arith.muli %arg1, %mul3A : i32
    %add3A = arith.addi %mul3A_0, %arg0 : i32
    %mul3A_1 = arith.constant 10000 : i32
    %mul3A_2 = arith.muli %add3A, %mul3A_1 : i32
    "tpu.region"() ({
      %run_scoped3A = tpu.sem_alloc : memref<!tpu.dma_semaphore, #tpu.memory_space<semaphore_mem>>
      %dma_start3A = tpu.memref_slice %arg2[%mul3A_2] : memref<320000xi32, #tpu.memory_space<hbm>> -> memref<10000xi32, #tpu.memory_space<hbm>>
      %dma_start3A_8 = tpu.memref_slice %arg2[%mul3A_2] : memref<320000xi32, #tpu.memory_space<hbm>> -> memref<10000xi32, #tpu.memory_space<hbm>>
      tpu.enqueue_dma source(%dma_start3A_8 : memref<10000xi32, #tpu.memory_space<hbm>>) target(%arg8 : memref<10000xi32, #tpu.memory_space<vmem>>) target_semaphore(%run_scoped3A : memref<!tpu.dma_semaphore, #tpu.memory_space<semaphore_mem>>)
      %dma_wait3A = tpu.memref_slice %arg2[%mul3A_2] : memref<320000xi32, #tpu.memory_space<hbm>> -> memref<10000xi32, #tpu.memory_space<hbm>>
      %dma_wait3A_9 = tpu.memref_slice %arg2[%mul3A_2] : memref<320000xi32, #tpu.memory_space<hbm>> -> memref<10000xi32, #tpu.memory_space<hbm>>
      tpu.wait_dma2 semaphore(%run_scoped3A : memref<!tpu.dma_semaphore, #tpu.memory_space<semaphore_mem>>) src(%dma_wait3A_9 : memref<10000xi32, #tpu.memory_space<hbm>>) dst(%arg8 : memref<10000xi32, #tpu.memory_space<vmem>>)
      tpu.yield
    }) : () -> ()
    "tpu.region"() ({
      %run_scoped3A = tpu.sem_alloc : memref<!tpu.dma_semaphore, #tpu.memory_space<semaphore_mem>>
      %dma_start3A = tpu.memref_slice %arg3[%mul3A_2] : memref<320000xi32, #tpu.memory_space<hbm>> -> memref<10000xi32, #tpu.memory_space<hbm>>
      %dma_start3A_8 = tpu.memref_slice %arg3[%mul3A_2] : memref<320000xi32, #tpu.memory_space<hbm>> -> memref<10000xi32, #tpu.memory_space<hbm>>
      tpu.enqueue_dma source(%dma_start3A_8 : memref<10000xi32, #tpu.memory_space<hbm>>) target(%arg9 : memref<10000xi32, #tpu.memory_space<vmem>>) target_semaphore(%run_scoped3A : memref<!tpu.dma_semaphore, #tpu.memory_space<semaphore_mem>>)
      %dma_wait3A = tpu.memref_slice %arg3[%mul3A_2] : memref<320000xi32, #tpu.memory_space<hbm>> -> memref<10000xi32, #tpu.memory_space<hbm>>
      %dma_wait3A_9 = tpu.memref_slice %arg3[%mul3A_2] : memref<320000xi32, #tpu.memory_space<hbm>> -> memref<10000xi32, #tpu.memory_space<hbm>>
      tpu.wait_dma2 semaphore(%run_scoped3A : memref<!tpu.dma_semaphore, #tpu.memory_space<semaphore_mem>>) src(%dma_wait3A_9 : memref<10000xi32, #tpu.memory_space<hbm>>) dst(%arg9 : memref<10000xi32, #tpu.memory_space<vmem>>)
      tpu.yield
    }) : () -> ()
    %scan3A = arith.constant 0 : i32
    %scan3A_3 = arith.constant 0 : i32
    %scan3A_4 = arith.constant 125 : i32
    %scan3A_5 = arith.addi %scan3A_3, %scan3A_4 : i32
    %scan3A_6 = arith.constant 1 : i32
    scf.for %scan3A_8 = %scan3A_3 to %scan3A_5 step %scan3A_6  : i32 {
      %mul3A_9 = arith.constant 80 : i32
      %mul3A_10 = arith.muli %scan3A_8, %mul3A_9 : i32
      %multiple_of3A = tpu.assume_multiple %mul3A_10, 80 : i32
      %dma_start3A = tpu.memref_slice %arg8[%multiple_of3A] : memref<10000xi32, #tpu.memory_space<vmem>> -> memref<80xi32, #tpu.memory_space<vmem>>
      %dma_start3A_11 = arith.constant 0 : i32
      %dma_start3A_12 = arith.constant 0 : i32
      %dma_start3A_13 = tpu.memref_slice %arg4[%dma_start3A_11, %dma_start3A_12] : memref<10000x128xf32, #tpu.memory_space<hbm>> -> memref<10000x128xf32, #tpu.memory_space<hbm>>
      tpu.enqueue_indirect_dma source(%dma_start3A_13 : memref<10000x128xf32, #tpu.memory_space<hbm>>) target(%arg10 : memref<80x128xf32, #tpu.memory_space<vmem>>) offsets(%dma_start3A : memref<80xi32, #tpu.memory_space<vmem>>) semaphore(%arg12 : memref<!tpu.dma_semaphore, #tpu.memory_space<semaphore_mem>>)
      %dma_start3A_14 = tpu.memref_slice %arg9[%multiple_of3A] : memref<10000xi32, #tpu.memory_space<vmem>> -> memref<80xi32, #tpu.memory_space<vmem>>
      %dma_start3A_15 = arith.constant 0 : i32
      %dma_start3A_16 = arith.constant 0 : i32
      %dma_start3A_17 = tpu.memref_slice %arg5[%dma_start3A_15, %dma_start3A_16] : memref<10000x256xf32, #tpu.memory_space<hbm>> -> memref<10000x256xf32, #tpu.memory_space<hbm>>
      tpu.enqueue_indirect_dma source(%dma_start3A_17 : memref<10000x256xf32, #tpu.memory_space<hbm>>) target(%arg11 : memref<80x256xf32, #tpu.memory_space<vmem>>) offsets(%dma_start3A_14 : memref<80xi32, #tpu.memory_space<vmem>>) semaphore(%arg12 : memref<!tpu.dma_semaphore, #tpu.memory_space<semaphore_mem>>)
      %dma_wait3A = tpu.memref_slice %arg8[%multiple_of3A] : memref<10000xi32, #tpu.memory_space<vmem>> -> memref<80xi32, #tpu.memory_space<vmem>>
      %dma_wait3A_18 = arith.constant 0 : i32
      %dma_wait3A_19 = arith.constant 0 : i32
      %dma_wait3A_20 = tpu.memref_slice %arg4[%dma_wait3A_18, %dma_wait3A_19] : memref<10000x128xf32, #tpu.memory_space<hbm>> -> memref<10000x128xf32, #tpu.memory_space<hbm>>
      tpu.wait_indirect_dma semaphore(%arg12 : memref<!tpu.dma_semaphore, #tpu.memory_space<semaphore_mem>>) src(%dma_wait3A_20 : memref<10000x128xf32, #tpu.memory_space<hbm>>) dst(%arg10 : memref<80x128xf32, #tpu.memory_space<vmem>>)
      %dma_wait3A_21 = tpu.memref_slice %arg9[%multiple_of3A] : memref<10000xi32, #tpu.memory_space<vmem>> -> memref<80xi32, #tpu.memory_space<vmem>>
      %dma_wait3A_22 = arith.constant 0 : i32
      %dma_wait3A_23 = arith.constant 0 : i32
      %dma_wait3A_24 = tpu.memref_slice %arg5[%dma_wait3A_22, %dma_wait3A_23] : memref<10000x256xf32, #tpu.memory_space<hbm>> -> memref<10000x256xf32, #tpu.memory_space<hbm>>
      tpu.wait_indirect_dma semaphore(%arg12 : memref<!tpu.dma_semaphore, #tpu.memory_space<semaphore_mem>>) src(%dma_wait3A_24 : memref<10000x256xf32, #tpu.memory_space<hbm>>) dst(%arg11 : memref<80x256xf32, #tpu.memory_space<vmem>>)
      %add3A_25 = arith.addi %mul3A_2, %multiple_of3A : i32
      "tpu.region"() ({
        %run_scoped3A = tpu.sem_alloc : memref<!tpu.dma_semaphore, #tpu.memory_space<semaphore_mem>>
        %dma_start3A_27 = arith.constant 0 : i32
        %dma_start3A_28 = tpu.memref_slice %arg6[%add3A_25, %dma_start3A_27] : memref<320000x128xf32, #tpu.memory_space<hbm>> -> memref<80x128xf32, #tpu.memory_space<hbm>>
        %dma_start3A_29 = arith.constant 0 : i32
        %dma_start3A_30 = tpu.memref_slice %arg6[%add3A_25, %dma_start3A_29] : memref<320000x128xf32, #tpu.memory_space<hbm>> -> memref<80x128xf32, #tpu.memory_space<hbm>>
        tpu.enqueue_dma source(%arg10 : memref<80x128xf32, #tpu.memory_space<vmem>>) target(%dma_start3A_30 : memref<80x128xf32, #tpu.memory_space<hbm>>) target_semaphore(%run_scoped3A : memref<!tpu.dma_semaphore, #tpu.memory_space<semaphore_mem>>)
        %dma_wait3A_31 = arith.constant 0 : i32
        %dma_wait3A_32 = tpu.memref_slice %arg6[%add3A_25, %dma_wait3A_31] : memref<320000x128xf32, #tpu.memory_space<hbm>> -> memref<80x128xf32, #tpu.memory_space<hbm>>
        %dma_wait3A_33 = arith.constant 0 : i32
        %dma_wait3A_34 = tpu.memref_slice %arg6[%add3A_25, %dma_wait3A_33] : memref<320000x128xf32, #tpu.memory_space<hbm>> -> memref<80x128xf32, #tpu.memory_space<hbm>>
        tpu.wait_dma2 semaphore(%run_scoped3A : memref<!tpu.dma_semaphore, #tpu.memory_space<semaphore_mem>>) src(%arg10 : memref<80x128xf32, #tpu.memory_space<vmem>>) dst(%dma_wait3A_34 : memref<80x128xf32, #tpu.memory_space<hbm>>)
        tpu.yield
      }) : () -> ()
      %add3A_26 = arith.addi %mul3A_2, %multiple_of3A : i32
      "tpu.region"() ({
        %run_scoped3A = tpu.sem_alloc : memref<!tpu.dma_semaphore, #tpu.memory_space<semaphore_mem>>
        %dma_start3A_27 = arith.constant 0 : i32
        %dma_start3A_28 = tpu.memref_slice %arg7[%add3A_26, %dma_start3A_27] : memref<320000x256xf32, #tpu.memory_space<hbm>> -> memref<80x256xf32, #tpu.memory_space<hbm>>
        %dma_start3A_29 = arith.constant 0 : i32
        %dma_start3A_30 = tpu.memref_slice %arg7[%add3A_26, %dma_start3A_29] : memref<320000x256xf32, #tpu.memory_space<hbm>> -> memref<80x256xf32, #tpu.memory_space<hbm>>
        tpu.enqueue_dma source(%arg11 : memref<80x256xf32, #tpu.memory_space<vmem>>) target(%dma_start3A_30 : memref<80x256xf32, #tpu.memory_space<hbm>>) target_semaphore(%run_scoped3A : memref<!tpu.dma_semaphore, #tpu.memory_space<semaphore_mem>>)
        %dma_wait3A_31 = arith.constant 0 : i32
        %dma_wait3A_32 = tpu.memref_slice %arg7[%add3A_26, %dma_wait3A_31] : memref<320000x256xf32, #tpu.memory_space<hbm>> -> memref<80x256xf32, #tpu.memory_space<hbm>>
        %dma_wait3A_33 = arith.constant 0 : i32
        %dma_wait3A_34 = tpu.memref_slice %arg7[%add3A_26, %dma_wait3A_33] : memref<320000x256xf32, #tpu.memory_space<hbm>> -> memref<80x256xf32, #tpu.memory_space<hbm>>
        tpu.wait_dma2 semaphore(%run_scoped3A : memref<!tpu.dma_semaphore, #tpu.memory_space<semaphore_mem>>) src(%arg11 : memref<80x256xf32, #tpu.memory_space<vmem>>) dst(%dma_wait3A_34 : memref<80x256xf32, #tpu.memory_space<hbm>>)
        tpu.yield
      }) : () -> ()
    }
    %scan3A_7 = arith.constant 125 : i32
    return
  }
}

module attributes {stable_mosaic.version = 14 : i64} {
  func.func @_qkv_body(%arg0: i32, %arg1: memref<1000x128xf32, #tpu.memory_space<vmem>>, %arg2: memref<1000x128xf32, #tpu.memory_space<vmem>>, %arg3: memref<128x128xf32, #tpu.memory_space<vmem>>, %arg4: memref<128x128xf32, #tpu.memory_space<vmem>>, %arg5: memref<128x128xf32, #tpu.memory_space<vmem>>, %arg6: memref<128x128xf32, #tpu.memory_space<vmem>>, %arg7: memref<128x128xf32, #tpu.memory_space<vmem>>, %arg8: memref<128x128xf32, #tpu.memory_space<vmem>>, %arg9: memref<16x128xf32, #tpu.memory_space<vmem>>, %arg10: memref<16x128xf32, #tpu.memory_space<vmem>>, %arg11: memref<16x16xf32, #tpu.memory_space<vmem>>, %arg12: memref<1000x128xf32, #tpu.memory_space<vmem>>, %arg13: memref<1000x256xf32, #tpu.memory_space<vmem>>, %arg14: memref<16x256xf32, #tpu.memory_space<vmem>>) attributes {dimension_semantics = [#tpu.dimension_semantics<arbitrary>], iteration_bounds = array<i64: 10>, scalar_prefetch = 0 : i64, scratch_operands = 0 : i64, tpu.core_type = #tpu.core_type<tc>, window_params = [{transform_indices = @transform_0, window_bounds = array<i64: 1000, 128>}, {transform_indices = @transform_1, window_bounds = array<i64: 1000, 128>}, {pipeline_mode = #tpu.pipeline_mode<synchronous>, transform_indices = @transform_2, window_bounds = array<i64: 128, 128>}, {pipeline_mode = #tpu.pipeline_mode<synchronous>, transform_indices = @transform_3, window_bounds = array<i64: 128, 128>}, {pipeline_mode = #tpu.pipeline_mode<synchronous>, transform_indices = @transform_4, window_bounds = array<i64: 128, 128>}, {pipeline_mode = #tpu.pipeline_mode<synchronous>, transform_indices = @transform_5, window_bounds = array<i64: 128, 128>}, {pipeline_mode = #tpu.pipeline_mode<synchronous>, transform_indices = @transform_6, window_bounds = array<i64: 128, 128>}, {pipeline_mode = #tpu.pipeline_mode<synchronous>, transform_indices = @transform_7, window_bounds = array<i64: 128, 128>}, {pipeline_mode = #tpu.pipeline_mode<synchronous>, transform_indices = @transform_8, window_bounds = array<i64: 16, 128>}, {pipeline_mode = #tpu.pipeline_mode<synchronous>, transform_indices = @transform_9, window_bounds = array<i64: 16, 128>}, {pipeline_mode = #tpu.pipeline_mode<synchronous>, transform_indices = @transform_10, window_bounds = array<i64: 16, 16>}, {transform_indices = @transform_11, window_bounds = array<i64: 1000, 128>}, {transform_indices = @transform_12, window_bounds = array<i64: 1000, 256>}, {pipeline_mode = #tpu.pipeline_mode<synchronous>, transform_indices = @transform_13, window_bounds = array<i64: 16, 256>}]} {
    %get3A = arith.constant 0 : index
    %get3A_0 = arith.constant 0 : index
    %get3A_1 = vector.load %arg1[%get3A, %get3A_0] : memref<1000x128xf32, #tpu.memory_space<vmem>>, vector<1000x128xf32>
    %get3A_2 = arith.constant 0 : index
    %get3A_3 = arith.constant 0 : index
    %get3A_4 = vector.load %arg2[%get3A_2, %get3A_3] : memref<1000x128xf32, #tpu.memory_space<vmem>>, vector<1000x128xf32>
    %get3A_5 = arith.constant 0 : index
    %get3A_6 = arith.constant 0 : index
    %get3A_7 = vector.load %arg3[%get3A_5, %get3A_6] : memref<128x128xf32, #tpu.memory_space<vmem>>, vector<128x128xf32>
    %dot_general3A = arith.constant dense<0.000000e+00> : vector<1000x128xf32>
    %dot_general3A_8 = tpu.matmul %get3A_1, %get3A_7, %dot_general3A {dimension_numbers = #tpu.dot_dimension_numbers<[1], [0], [0], [1], [0, 0, 1, 1], [], []>, transpose_lhs_hint = false} : vector<1000x128xf32>, vector<128x128xf32>, vector<1000x128xf32> -> vector<1000x128xf32>
    %get3A_9 = arith.constant 0 : index
    %get3A_10 = arith.constant 0 : index
    %get3A_11 = vector.load %arg6[%get3A_9, %get3A_10] : memref<128x128xf32, #tpu.memory_space<vmem>>, vector<128x128xf32>
    %dot_general3A_12 = arith.constant dense<0.000000e+00> : vector<1000x128xf32>
    %dot_general3A_13 = tpu.matmul %get3A_4, %get3A_11, %dot_general3A_12 {dimension_numbers = #tpu.dot_dimension_numbers<[1], [0], [0], [1], [0, 0, 1, 1], [], []>, transpose_lhs_hint = false} : vector<1000x128xf32>, vector<128x128xf32>, vector<1000x128xf32> -> vector<1000x128xf32>
    %bitcast_convert_type3A = tpu.bitcast %dot_general3A_8 : vector<1000x128xf32> -> vector<1000x128xi32>
    %bitcast_convert_type3A_14 = tpu.bitcast %dot_general3A_13 : vector<1000x128xf32> -> vector<1000x128xi32>
    %add3A = arith.constant 32768 : i32
    %add3A_15 = vector.broadcast %add3A : i32 to vector<1000x128xi32>
    %add3A_16 = arith.addi %bitcast_convert_type3A, %add3A_15 : vector<1000x128xi32>
    %and3A = arith.constant -65536 : i32
    %and3A_17 = vector.broadcast %and3A : i32 to vector<1000x128xi32>
    %and3A_18 = arith.andi %add3A_16, %and3A_17 : vector<1000x128xi32>
    %add3A_19 = arith.constant 32768 : i32
    %add3A_20 = vector.broadcast %add3A_19 : i32 to vector<1000x128xi32>
    %add3A_21 = arith.addi %bitcast_convert_type3A_14, %add3A_20 : vector<1000x128xi32>
    %shift_right_logical3A = arith.constant 16 : i32
    %shift_right_logical3A_22 = vector.broadcast %shift_right_logical3A : i32 to vector<1000x128xi32>
    %shift_right_logical3A_23 = arith.shrui %add3A_21, %shift_right_logical3A_22 : vector<1000x128xi32>
    %or3A = arith.ori %and3A_18, %shift_right_logical3A_23 : vector<1000x128xi32>
    %bitcast_convert_type3A_24 = tpu.bitcast %or3A : vector<1000x128xi32> -> vector<1000x128xf32>
    %swap3A = arith.constant 0 : index
    %swap3A_25 = arith.constant 0 : index
    %swap3A_26 = vector.load %arg12[%swap3A, %swap3A_25] : memref<1000x128xf32, #tpu.memory_space<vmem>>, vector<1000x128xf32>
    tpu.vector_store %arg12[%swap3A, %swap3A_25], %bitcast_convert_type3A_24 {strides = array<i32>} : memref<1000x128xf32, #tpu.memory_space<vmem>>, vector<1000x128xf32>,
    %get3A_27 = arith.constant 0 : index
    %get3A_28 = arith.constant 0 : index
    %get3A_29 = vector.load %arg4[%get3A_27, %get3A_28] : memref<128x128xf32, #tpu.memory_space<vmem>>, vector<128x128xf32>
    %dot_general3A_30 = arith.constant dense<0.000000e+00> : vector<1000x128xf32>
    %dot_general3A_31 = tpu.matmul %get3A_1, %get3A_29, %dot_general3A_30 {dimension_numbers = #tpu.dot_dimension_numbers<[1], [0], [0], [1], [0, 0, 1, 1], [], []>, transpose_lhs_hint = false} : vector<1000x128xf32>, vector<128x128xf32>, vector<1000x128xf32> -> vector<1000x128xf32>
    %get3A_32 = arith.constant 0 : index
    %get3A_33 = arith.constant 0 : index
    %get3A_34 = vector.load %arg7[%get3A_32, %get3A_33] : memref<128x128xf32, #tpu.memory_space<vmem>>, vector<128x128xf32>
    %dot_general3A_35 = arith.constant dense<0.000000e+00> : vector<1000x128xf32>
    %dot_general3A_36 = tpu.matmul %get3A_4, %get3A_34, %dot_general3A_35 {dimension_numbers = #tpu.dot_dimension_numbers<[1], [0], [0], [1], [0, 0, 1, 1], [], []>, transpose_lhs_hint = false} : vector<1000x128xf32>, vector<128x128xf32>, vector<1000x128xf32> -> vector<1000x128xf32>
    %bitcast_convert_type3A_37 = tpu.bitcast %dot_general3A_31 : vector<1000x128xf32> -> vector<1000x128xi32>
    %bitcast_convert_type3A_38 = tpu.bitcast %dot_general3A_36 : vector<1000x128xf32> -> vector<1000x128xi32>
    %add3A_39 = arith.constant 32768 : i32
    %add3A_40 = vector.broadcast %add3A_39 : i32 to vector<1000x128xi32>
    %add3A_41 = arith.addi %bitcast_convert_type3A_37, %add3A_40 : vector<1000x128xi32>
    %and3A_42 = arith.constant -65536 : i32
    %and3A_43 = vector.broadcast %and3A_42 : i32 to vector<1000x128xi32>
    %and3A_44 = arith.andi %add3A_41, %and3A_43 : vector<1000x128xi32>
    %add3A_45 = arith.constant 32768 : i32
    %add3A_46 = vector.broadcast %add3A_45 : i32 to vector<1000x128xi32>
    %add3A_47 = arith.addi %bitcast_convert_type3A_38, %add3A_46 : vector<1000x128xi32>
    %shift_right_logical3A_48 = arith.constant 16 : i32
    %shift_right_logical3A_49 = vector.broadcast %shift_right_logical3A_48 : i32 to vector<1000x128xi32>
    %shift_right_logical3A_50 = arith.shrui %add3A_47, %shift_right_logical3A_49 : vector<1000x128xi32>
    %or3A_51 = arith.ori %and3A_44, %shift_right_logical3A_50 : vector<1000x128xi32>
    %bitcast_convert_type3A_52 = tpu.bitcast %or3A_51 : vector<1000x128xi32> -> vector<1000x128xf32>
    %get3A_53 = arith.constant 0 : index
    %get3A_54 = arith.constant 0 : index
    %get3A_55 = vector.load %arg5[%get3A_53, %get3A_54] : memref<128x128xf32, #tpu.memory_space<vmem>>, vector<128x128xf32>
    %dot_general3A_56 = arith.constant dense<0.000000e+00> : vector<1000x128xf32>
    %dot_general3A_57 = tpu.matmul %get3A_1, %get3A_55, %dot_general3A_56 {dimension_numbers = #tpu.dot_dimension_numbers<[1], [0], [0], [1], [0, 0, 1, 1], [], []>, transpose_lhs_hint = false} : vector<1000x128xf32>, vector<128x128xf32>, vector<1000x128xf32> -> vector<1000x128xf32>
    %get3A_58 = arith.constant 0 : index
    %get3A_59 = arith.constant 0 : index
    %get3A_60 = vector.load %arg8[%get3A_58, %get3A_59] : memref<128x128xf32, #tpu.memory_space<vmem>>, vector<128x128xf32>
    %dot_general3A_61 = arith.constant dense<0.000000e+00> : vector<1000x128xf32>
    %dot_general3A_62 = tpu.matmul %get3A_4, %get3A_60, %dot_general3A_61 {dimension_numbers = #tpu.dot_dimension_numbers<[1], [0], [0], [1], [0, 0, 1, 1], [], []>, transpose_lhs_hint = false} : vector<1000x128xf32>, vector<128x128xf32>, vector<1000x128xf32> -> vector<1000x128xf32>
    %bitcast_convert_type3A_63 = tpu.bitcast %dot_general3A_57 : vector<1000x128xf32> -> vector<1000x128xi32>
    %bitcast_convert_type3A_64 = tpu.bitcast %dot_general3A_62 : vector<1000x128xf32> -> vector<1000x128xi32>
    %add3A_65 = arith.constant 32768 : i32
    %add3A_66 = vector.broadcast %add3A_65 : i32 to vector<1000x128xi32>
    %add3A_67 = arith.addi %bitcast_convert_type3A_63, %add3A_66 : vector<1000x128xi32>
    %and3A_68 = arith.constant -65536 : i32
    %and3A_69 = vector.broadcast %and3A_68 : i32 to vector<1000x128xi32>
    %and3A_70 = arith.andi %add3A_67, %and3A_69 : vector<1000x128xi32>
    %add3A_71 = arith.constant 32768 : i32
    %add3A_72 = vector.broadcast %add3A_71 : i32 to vector<1000x128xi32>
    %add3A_73 = arith.addi %bitcast_convert_type3A_64, %add3A_72 : vector<1000x128xi32>
    %shift_right_logical3A_74 = arith.constant 16 : i32
    %shift_right_logical3A_75 = vector.broadcast %shift_right_logical3A_74 : i32 to vector<1000x128xi32>
    %shift_right_logical3A_76 = arith.shrui %add3A_73, %shift_right_logical3A_75 : vector<1000x128xi32>
    %or3A_77 = arith.ori %and3A_70, %shift_right_logical3A_76 : vector<1000x128xi32>
    %bitcast_convert_type3A_78 = tpu.bitcast %or3A_77 : vector<1000x128xi32> -> vector<1000x128xf32>
    %concatenate3A = tpu.concatenate %bitcast_convert_type3A_52, %bitcast_convert_type3A_78 in 1 : vector<1000x128xf32>, vector<1000x128xf32> -> vector<1000x256xf32>
    %swap3A_79 = arith.constant 0 : index
    %swap3A_80 = arith.constant 0 : index
    %swap3A_81 = vector.load %arg13[%swap3A_79, %swap3A_80] : memref<1000x256xf32, #tpu.memory_space<vmem>>, vector<1000x256xf32>
    tpu.vector_store %arg13[%swap3A_79, %swap3A_80], %concatenate3A {strides = array<i32>} : memref<1000x256xf32, #tpu.memory_space<vmem>>, vector<1000x256xf32>,
    %get3A_82 = arith.constant 0 : index
    %get3A_83 = arith.constant 0 : index
    %get3A_84 = vector.load %arg11[%get3A_82, %get3A_83] : memref<16x16xf32, #tpu.memory_space<vmem>>, vector<16x16xf32>
    %get3A_85 = arith.constant 0 : index
    %get3A_86 = arith.constant 0 : index
    %get3A_87 = vector.load %arg9[%get3A_85, %get3A_86] : memref<16x128xf32, #tpu.memory_space<vmem>>, vector<16x128xf32>
    %dot_general3A_88 = arith.constant dense<0.000000e+00> : vector<16x128xf32>
    %dot_general3A_89 = tpu.matmul %get3A_84, %get3A_87, %dot_general3A_88 {dimension_numbers = #tpu.dot_dimension_numbers<[1], [0], [0], [1], [0, 0, 1, 1], [], []>, transpose_lhs_hint = false} : vector<16x16xf32>, vector<16x128xf32>, vector<16x128xf32> -> vector<16x128xf32>
    %get3A_90 = arith.constant 0 : index
    %get3A_91 = arith.constant 0 : index
    %get3A_92 = vector.load %arg11[%get3A_90, %get3A_91] : memref<16x16xf32, #tpu.memory_space<vmem>>, vector<16x16xf32>
    %get3A_93 = arith.constant 0 : index
    %get3A_94 = arith.constant 0 : index
    %get3A_95 = vector.load %arg10[%get3A_93, %get3A_94] : memref<16x128xf32, #tpu.memory_space<vmem>>, vector<16x128xf32>
    %dot_general3A_96 = arith.constant dense<0.000000e+00> : vector<16x128xf32>
    %dot_general3A_97 = tpu.matmul %get3A_92, %get3A_95, %dot_general3A_96 {dimension_numbers = #tpu.dot_dimension_numbers<[1], [0], [0], [1], [0, 0, 1, 1], [], []>, transpose_lhs_hint = false} : vector<16x16xf32>, vector<16x128xf32>, vector<16x128xf32> -> vector<16x128xf32>
    %concatenate3A_98 = tpu.concatenate %dot_general3A_89, %dot_general3A_97 in 1 : vector<16x128xf32>, vector<16x128xf32> -> vector<16x256xf32>
    %swap3A_99 = arith.constant 0 : index
    %swap3A_100 = arith.constant 0 : index
    %swap3A_101 = vector.load %arg14[%swap3A_99, %swap3A_100] : memref<16x256xf32, #tpu.memory_space<vmem>>, vector<16x256xf32>
    tpu.vector_store %arg14[%swap3A_99, %swap3A_100], %concatenate3A_98 {strides = array<i32>} : memref<16x256xf32, #tpu.memory_space<vmem>>, vector<16x256xf32>,
    return
  }
  func.func @transform_0(%arg0: i32) -> (i32, i32) {
    %c0_i32 = arith.constant 0 : i32
    %c0_i32_0 = arith.constant 0 : i32
    return %arg0, %c0_i32 : i32, i32
  }
  func.func @transform_1(%arg0: i32) -> (i32, i32) {
    %c0_i32 = arith.constant 0 : i32
    %c0_i32_0 = arith.constant 0 : i32
    return %arg0, %c0_i32 : i32, i32
  }
  func.func @transform_2(%arg0: i32) -> (i32, i32) {
    %c0_i32 = arith.constant 0 : i32
    %c0_i32_0 = arith.constant 0 : i32
    %c0_i32_1 = arith.constant 0 : i32
    return %c0_i32, %c0_i32_0 : i32, i32
  }
  func.func @transform_3(%arg0: i32) -> (i32, i32) {
    %c0_i32 = arith.constant 0 : i32
    %c0_i32_0 = arith.constant 0 : i32
    %c0_i32_1 = arith.constant 0 : i32
    return %c0_i32, %c0_i32_0 : i32, i32
  }
  func.func @transform_4(%arg0: i32) -> (i32, i32) {
    %c0_i32 = arith.constant 0 : i32
    %c0_i32_0 = arith.constant 0 : i32
    %c0_i32_1 = arith.constant 0 : i32
    return %c0_i32, %c0_i32_0 : i32, i32
  }
  func.func @transform_5(%arg0: i32) -> (i32, i32) {
    %c0_i32 = arith.constant 0 : i32
    %c0_i32_0 = arith.constant 0 : i32
    %c0_i32_1 = arith.constant 0 : i32
    return %c0_i32, %c0_i32_0 : i32, i32
  }
  func.func @transform_6(%arg0: i32) -> (i32, i32) {
    %c0_i32 = arith.constant 0 : i32
    %c0_i32_0 = arith.constant 0 : i32
    %c0_i32_1 = arith.constant 0 : i32
    return %c0_i32, %c0_i32_0 : i32, i32
  }
  func.func @transform_7(%arg0: i32) -> (i32, i32) {
    %c0_i32 = arith.constant 0 : i32
    %c0_i32_0 = arith.constant 0 : i32
    %c0_i32_1 = arith.constant 0 : i32
    return %c0_i32, %c0_i32_0 : i32, i32
  }
  func.func @transform_8(%arg0: i32) -> (i32, i32) {
    %c0_i32 = arith.constant 0 : i32
    %c0_i32_0 = arith.constant 0 : i32
    %c0_i32_1 = arith.constant 0 : i32
    return %c0_i32, %c0_i32_0 : i32, i32
  }
  func.func @transform_9(%arg0: i32) -> (i32, i32) {
    %c0_i32 = arith.constant 0 : i32
    %c0_i32_0 = arith.constant 0 : i32
    %c0_i32_1 = arith.constant 0 : i32
    return %c0_i32, %c0_i32_0 : i32, i32
  }
  func.func @transform_10(%arg0: i32) -> (i32, i32) {
    %c0_i32 = arith.constant 0 : i32
    %c0_i32_0 = arith.constant 0 : i32
    %c0_i32_1 = arith.constant 0 : i32
    return %c0_i32, %c0_i32_0 : i32, i32
  }
  func.func @transform_11(%arg0: i32) -> (i32, i32) {
    %c0_i32 = arith.constant 0 : i32
    %c0_i32_0 = arith.constant 0 : i32
    return %arg0, %c0_i32 : i32, i32
  }
  func.func @transform_12(%arg0: i32) -> (i32, i32) {
    %c0_i32 = arith.constant 0 : i32
    %c0_i32_0 = arith.constant 0 : i32
    return %arg0, %c0_i32 : i32, i32
  }
  func.func @transform_13(%arg0: i32) -> (i32, i32) {
    %c0_i32 = arith.constant 0 : i32
    %c0_i32_0 = arith.constant 0 : i32
    %c0_i32_1 = arith.constant 0 : i32
    return %c0_i32, %c0_i32_0 : i32, i32
  }
}

module attributes {stable_mosaic.version = 14 : i64} {
  func.func @_edge_body(%arg0: i32, %arg1: memref<2000x128xf32, #tpu.memory_space<vmem>>, %arg2: memref<2000x256xf32, #tpu.memory_space<vmem>>, %arg3: memref<16x256xf32, #tpu.memory_space<vmem>>, %arg4: memref<1x1x2000xi32, #tpu.memory_space<vmem>>, %arg5: memref<1x1x2000xi32, #tpu.memory_space<vmem>>, %arg6: memref<2000x128xf32, #tpu.memory_space<vmem>>, %arg7: memref<2000x128xf32, #tpu.memory_space<vmem>>, %arg8: memref<128x320xf32, #tpu.memory_space<vmem>>, %arg9: memref<128x320xf32, #tpu.memory_space<vmem>>) attributes {dimension_semantics = [#tpu.dimension_semantics<arbitrary>], iteration_bounds = array<i64: 160>, scalar_prefetch = 0 : i64, scratch_operands = 0 : i64, tpu.core_type = #tpu.core_type<tc>, window_params = [{transform_indices = @transform_0, window_bounds = array<i64: 2000, 128>}, {transform_indices = @transform_1, window_bounds = array<i64: 2000, 256>}, {pipeline_mode = #tpu.pipeline_mode<synchronous>, transform_indices = @transform_2, window_bounds = array<i64: 16, 256>}, {transform_indices = @transform_3, window_bounds = array<i64: 1, 1, 2000>}, {transform_indices = @transform_4, window_bounds = array<i64: 1, 1, 2000>}, {transform_indices = @transform_5, window_bounds = array<i64: 2000, 128>}, {transform_indices = @transform_6, window_bounds = array<i64: 2000, 128>}, {pipeline_mode = #tpu.pipeline_mode<synchronous>, transform_indices = @transform_7, window_bounds = array<i64: 128, 320>}, {pipeline_mode = #tpu.pipeline_mode<synchronous>, transform_indices = @transform_8, window_bounds = array<i64: 128, 320>}]} {
    %get3A = arith.constant 0 : index
    %get3A_0 = arith.constant 0 : index
    %get3A_1 = arith.constant 0 : index
    %get3A_2 = vector.load %arg4[%get3A, %get3A_0, %get3A_1] : memref<1x1x2000xi32, #tpu.memory_space<vmem>>, vector<1x1x2000xi32>
    %get3A_3 = vector.shape_cast %get3A_2 : vector<1x1x2000xi32> to vector<2000xi32>
    %broadcast_in_dim3A = vector.shape_cast %get3A_3 : vector<2000xi32> to vector<2000x1xi32>
    %iota3A = tpu.iota {dimensions = array<i32: 1>} : vector<2000x16xi32>
    %eq3A = vector.broadcast %broadcast_in_dim3A : vector<2000x1xi32> to vector<2000x16xi32>
    %eq3A_4 = arith.cmpi eq, %eq3A, %iota3A : vector<2000x16xi32>
    %convert_element_type3A = arith.extui %eq3A_4 : vector<2000x16xi1> to vector<2000x16xi32>
    %convert_element_type3A_5 = arith.sitofp %convert_element_type3A : vector<2000x16xi32> to vector<2000x16xf32>
    %get3A_6 = arith.constant 0 : index
    %get3A_7 = arith.constant 0 : index
    %get3A_8 = vector.load %arg3[%get3A_6, %get3A_7] : memref<16x256xf32, #tpu.memory_space<vmem>>, vector<16x256xf32>
    %dot_general3A = arith.constant dense<0.000000e+00> : vector<2000x256xf32>
    %dot_general3A_9 = tpu.matmul %convert_element_type3A_5, %get3A_8, %dot_general3A {dimension_numbers = #tpu.dot_dimension_numbers<[1], [0], [0], [1], [0, 0, 1, 1], [], []>, transpose_lhs_hint = false} : vector<2000x16xf32>, vector<16x256xf32>, vector<2000x256xf32> -> vector<2000x256xf32>
    %get3A_10 = arith.constant 0 : index
    %get3A_11 = arith.constant 0 : index
    %get3A_12 = vector.load %arg1[%get3A_10, %get3A_11] : memref<2000x128xf32, #tpu.memory_space<vmem>>, vector<2000x128xf32>
    %bitcast_convert_type3A = tpu.bitcast %get3A_12 : vector<2000x128xf32> -> vector<2000x128xi32>
    %and3A = arith.constant -65536 : i32
    %and3A_13 = vector.broadcast %and3A : i32 to vector<2000x128xi32>
    %and3A_14 = arith.andi %bitcast_convert_type3A, %and3A_13 : vector<2000x128xi32>
    %bitcast_convert_type3A_15 = tpu.bitcast %and3A_14 : vector<2000x128xi32> -> vector<2000x128xf32>
    %shift_left3A = arith.constant 16 : i32
    %shift_left3A_16 = vector.broadcast %shift_left3A : i32 to vector<2000x128xi32>
    %shift_left3A_17 = arith.shli %bitcast_convert_type3A, %shift_left3A_16 : vector<2000x128xi32>
    %bitcast_convert_type3A_18 = tpu.bitcast %shift_left3A_17 : vector<2000x128xi32> -> vector<2000x128xf32>
    %get3A_19 = arith.constant 0 : index
    %get3A_20 = arith.constant 0 : index
    %get3A_21 = vector.load %arg2[%get3A_19, %get3A_20] : memref<2000x256xf32, #tpu.memory_space<vmem>>, vector<2000x256xf32>
    %slice3A = vector.extract_strided_slice %get3A_21 {offsets = [0, 0], sizes = [2000, 128], strides = [1, 1]} : vector<2000x256xf32> to vector<2000x128xf32>
    %bitcast_convert_type3A_22 = tpu.bitcast %slice3A : vector<2000x128xf32> -> vector<2000x128xi32>
    %and3A_23 = arith.constant -65536 : i32
    %and3A_24 = vector.broadcast %and3A_23 : i32 to vector<2000x128xi32>
    %and3A_25 = arith.andi %bitcast_convert_type3A_22, %and3A_24 : vector<2000x128xi32>
    %bitcast_convert_type3A_26 = tpu.bitcast %and3A_25 : vector<2000x128xi32> -> vector<2000x128xf32>
    %shift_left3A_27 = arith.constant 16 : i32
    %shift_left3A_28 = vector.broadcast %shift_left3A_27 : i32 to vector<2000x128xi32>
    %shift_left3A_29 = arith.shli %bitcast_convert_type3A_22, %shift_left3A_28 : vector<2000x128xi32>
    %bitcast_convert_type3A_30 = tpu.bitcast %shift_left3A_29 : vector<2000x128xi32> -> vector<2000x128xf32>
    %slice3A_31 = vector.extract_strided_slice %get3A_21 {offsets = [0, 128], sizes = [2000, 128], strides = [1, 1]} : vector<2000x256xf32> to vector<2000x128xf32>
    %bitcast_convert_type3A_32 = tpu.bitcast %slice3A_31 : vector<2000x128xf32> -> vector<2000x128xi32>
    %and3A_33 = arith.constant -65536 : i32
    %and3A_34 = vector.broadcast %and3A_33 : i32 to vector<2000x128xi32>
    %and3A_35 = arith.andi %bitcast_convert_type3A_32, %and3A_34 : vector<2000x128xi32>
    %bitcast_convert_type3A_36 = tpu.bitcast %and3A_35 : vector<2000x128xi32> -> vector<2000x128xf32>
    %shift_left3A_37 = arith.constant 16 : i32
    %shift_left3A_38 = vector.broadcast %shift_left3A_37 : i32 to vector<2000x128xi32>
    %shift_left3A_39 = arith.shli %bitcast_convert_type3A_32, %shift_left3A_38 : vector<2000x128xi32>
    %bitcast_convert_type3A_40 = tpu.bitcast %shift_left3A_39 : vector<2000x128xi32> -> vector<2000x128xf32>
    %get3A_41 = arith.constant 0 : index
    %get3A_42 = arith.constant 0 : index
    %get3A_43 = arith.constant 0 : index
    %get3A_44 = vector.load %arg5[%get3A_41, %get3A_42, %get3A_43] : memref<1x1x2000xi32, #tpu.memory_space<vmem>>, vector<1x1x2000xi32>
    %get3A_45 = vector.shape_cast %get3A_44 : vector<1x1x2000xi32> to vector<2000xi32>
    %and3A_46 = arith.constant 127 : i32
    %and3A_47 = vector.broadcast %and3A_46 : i32 to vector<2000xi32>
    %and3A_48 = arith.andi %get3A_45, %and3A_47 : vector<2000xi32>
    %shift_right_logical3A = arith.constant 7 : i32
    %shift_right_logical3A_49 = vector.broadcast %shift_right_logical3A : i32 to vector<2000xi32>
    %shift_right_logical3A_50 = arith.shrui %get3A_45, %shift_right_logical3A_49 : vector<2000xi32>
    %broadcast_in_dim3A_51 = vector.shape_cast %and3A_48 : vector<2000xi32> to vector<1x2000xi32>
    %iota3A_52 = tpu.iota {dimensions = array<i32: 0>} : vector<128x2000xi32>
    %eq3A_53 = vector.broadcast %broadcast_in_dim3A_51 : vector<1x2000xi32> to vector<128x2000xi32>
    %eq3A_54 = arith.cmpi eq, %eq3A_53, %iota3A_52 : vector<128x2000xi32>
    %convert_element_type3A_55 = arith.extui %eq3A_54 : vector<128x2000xi1> to vector<128x2000xi32>
    %convert_element_type3A_56 = arith.sitofp %convert_element_type3A_55 : vector<128x2000xi32> to vector<128x2000xf32>
    %convert_element_type3A_57 = arith.truncf %convert_element_type3A_56 : vector<128x2000xf32> to vector<128x2000xbf16>
    %broadcast_in_dim3A_58 = vector.shape_cast %shift_right_logical3A_50 : vector<2000xi32> to vector<2000x1xi32>
    %iota3A_59 = tpu.iota {dimensions = array<i32: 1>} : vector<2000x80xi32>
    %eq3A_60 = vector.broadcast %broadcast_in_dim3A_58 : vector<2000x1xi32> to vector<2000x80xi32>
    %eq3A_61 = arith.cmpi eq, %eq3A_60, %iota3A_59 : vector<2000x80xi32>
    %convert_element_type3A_62 = arith.extui %eq3A_61 : vector<2000x80xi1> to vector<2000x80xi32>
    %convert_element_type3A_63 = arith.sitofp %convert_element_type3A_62 : vector<2000x80xi32> to vector<2000x80xf32>
    %eq3A_64 = arith.constant 0 : i32
    %eq3A_65 = arith.cmpi eq, %arg0, %eq3A_64 : i32
    %convert_element_type3A_66 = arith.extui %eq3A_65 : i1 to i32
    %cond3A = arith.constant 0 : i32
    %cond3A_67 = arith.cmpi ne, %convert_element_type3A_66, %cond3A : i32
    scf.if %cond3A_67 {
      %broadcast_in_dim3A_204 = arith.constant 0.000000e+00 : f32
      %broadcast_in_dim3A_205 = vector.broadcast %broadcast_in_dim3A_204 : f32 to vector<128x320xf32>
      %swap3A_206 = arith.constant 0 : index
      %swap3A_207 = arith.constant 0 : index
      %swap3A_208 = vector.load %arg8[%swap3A_206, %swap3A_207] : memref<128x320xf32, #tpu.memory_space<vmem>>, vector<128x320xf32>
      tpu.vector_store %arg8[%swap3A_206, %swap3A_207], %broadcast_in_dim3A_205 {strides = array<i32>} : memref<128x320xf32, #tpu.memory_space<vmem>>, vector<128x320xf32>,
      %broadcast_in_dim3A_209 = arith.constant 0.000000e+00 : f32
      %broadcast_in_dim3A_210 = vector.broadcast %broadcast_in_dim3A_209 : f32 to vector<128x320xf32>
      %swap3A_211 = arith.constant 0 : index
      %swap3A_212 = arith.constant 0 : index
      %swap3A_213 = vector.load %arg9[%swap3A_211, %swap3A_212] : memref<128x320xf32, #tpu.memory_space<vmem>>, vector<128x320xf32>
      tpu.vector_store %arg9[%swap3A_211, %swap3A_212], %broadcast_in_dim3A_210 {strides = array<i32>} : memref<128x320xf32, #tpu.memory_space<vmem>>, vector<128x320xf32>,
    } else {
    }
    %slice3A_68 = vector.extract_strided_slice %dot_general3A_9 {offsets = [0, 0], sizes = [2000, 128], strides = [1, 1]} : vector<2000x256xf32> to vector<2000x128xf32>
    %add3A = arith.addf %bitcast_convert_type3A_26, %slice3A_68 : vector<2000x128xf32>
    %add3A_69 = arith.addf %bitcast_convert_type3A_36, %slice3A_68 : vector<2000x128xf32>
    %mul3A = arith.mulf %bitcast_convert_type3A_15, %add3A : vector<2000x128xf32>
    %slice3A_70 = vector.extract_strided_slice %mul3A {offsets = [0, 0], sizes = [2000, 32], strides = [1, 1]} : vector<2000x128xf32> to vector<2000x32xf32>
    %reduce_sum3A = arith.constant dense<0.000000e+00> : vector<2000xf32>
    %reduce_sum3A_71 = vector.multi_reduction <add>, %slice3A_70, %reduce_sum3A [1] : vector<2000x32xf32> to vector<2000xf32>
    %broadcast_in_dim3A_72 = vector.shape_cast %reduce_sum3A_71 : vector<2000xf32> to vector<2000x1xf32>
    %mul3A_73 = arith.constant 0.176776692 : f32
    %mul3A_74 = vector.broadcast %mul3A_73 : f32 to vector<2000x1xf32>
    %mul3A_75 = arith.mulf %broadcast_in_dim3A_72, %mul3A_74 : vector<2000x1xf32>
    %exp3A = math.exp %mul3A_75 : vector<2000x1xf32>
    %slice3A_76 = vector.extract_strided_slice %add3A_69 {offsets = [0, 0], sizes = [2000, 32], strides = [1, 1]} : vector<2000x128xf32> to vector<2000x32xf32>
    %mul3A_77 = vector.broadcast %exp3A : vector<2000x1xf32> to vector<2000x32xf32>
    %mul3A_78 = arith.mulf %mul3A_77, %slice3A_76 : vector<2000x32xf32>
    %mul3A_79 = vector.broadcast %exp3A : vector<2000x1xf32> to vector<2000x80xf32>
    %mul3A_80 = arith.mulf %mul3A_79, %convert_element_type3A_63 : vector<2000x80xf32>
    %slice3A_81 = vector.extract_strided_slice %mul3A {offsets = [0, 32], sizes = [2000, 32], strides = [1, 1]} : vector<2000x128xf32> to vector<2000x32xf32>
    %reduce_sum3A_82 = arith.constant dense<0.000000e+00> : vector<2000xf32>
    %reduce_sum3A_83 = vector.multi_reduction <add>, %slice3A_81, %reduce_sum3A_82 [1] : vector<2000x32xf32> to vector<2000xf32>
    %broadcast_in_dim3A_84 = vector.shape_cast %reduce_sum3A_83 : vector<2000xf32> to vector<2000x1xf32>
    %mul3A_85 = arith.constant 0.176776692 : f32
    %mul3A_86 = vector.broadcast %mul3A_85 : f32 to vector<2000x1xf32>
    %mul3A_87 = arith.mulf %broadcast_in_dim3A_84, %mul3A_86 : vector<2000x1xf32>
    %exp3A_88 = math.exp %mul3A_87 : vector<2000x1xf32>
    %slice3A_89 = vector.extract_strided_slice %add3A_69 {offsets = [0, 32], sizes = [2000, 32], strides = [1, 1]} : vector<2000x128xf32> to vector<2000x32xf32>
    %mul3A_90 = vector.broadcast %exp3A_88 : vector<2000x1xf32> to vector<2000x32xf32>
    %mul3A_91 = arith.mulf %mul3A_90, %slice3A_89 : vector<2000x32xf32>
    %mul3A_92 = vector.broadcast %exp3A_88 : vector<2000x1xf32> to vector<2000x80xf32>
    %mul3A_93 = arith.mulf %mul3A_92, %convert_element_type3A_63 : vector<2000x80xf32>
    %slice3A_94 = vector.extract_strided_slice %mul3A {offsets = [0, 64], sizes = [2000, 32], strides = [1, 1]} : vector<2000x128xf32> to vector<2000x32xf32>
    %reduce_sum3A_95 = arith.constant dense<0.000000e+00> : vector<2000xf32>
    %reduce_sum3A_96 = vector.multi_reduction <add>, %slice3A_94, %reduce_sum3A_95 [1] : vector<2000x32xf32> to vector<2000xf32>
    %broadcast_in_dim3A_97 = vector.shape_cast %reduce_sum3A_96 : vector<2000xf32> to vector<2000x1xf32>
    %mul3A_98 = arith.constant 0.176776692 : f32
    %mul3A_99 = vector.broadcast %mul3A_98 : f32 to vector<2000x1xf32>
    %mul3A_100 = arith.mulf %broadcast_in_dim3A_97, %mul3A_99 : vector<2000x1xf32>
    %exp3A_101 = math.exp %mul3A_100 : vector<2000x1xf32>
    %slice3A_102 = vector.extract_strided_slice %add3A_69 {offsets = [0, 64], sizes = [2000, 32], strides = [1, 1]} : vector<2000x128xf32> to vector<2000x32xf32>
    %mul3A_103 = vector.broadcast %exp3A_101 : vector<2000x1xf32> to vector<2000x32xf32>
    %mul3A_104 = arith.mulf %mul3A_103, %slice3A_102 : vector<2000x32xf32>
    %mul3A_105 = vector.broadcast %exp3A_101 : vector<2000x1xf32> to vector<2000x80xf32>
    %mul3A_106 = arith.mulf %mul3A_105, %convert_element_type3A_63 : vector<2000x80xf32>
    %slice3A_107 = vector.extract_strided_slice %mul3A {offsets = [0, 96], sizes = [2000, 32], strides = [1, 1]} : vector<2000x128xf32> to vector<2000x32xf32>
    %reduce_sum3A_108 = arith.constant dense<0.000000e+00> : vector<2000xf32>
    %reduce_sum3A_109 = vector.multi_reduction <add>, %slice3A_107, %reduce_sum3A_108 [1] : vector<2000x32xf32> to vector<2000xf32>
    %broadcast_in_dim3A_110 = vector.shape_cast %reduce_sum3A_109 : vector<2000xf32> to vector<2000x1xf32>
    %mul3A_111 = arith.constant 0.176776692 : f32
    %mul3A_112 = vector.broadcast %mul3A_111 : f32 to vector<2000x1xf32>
    %mul3A_113 = arith.mulf %broadcast_in_dim3A_110, %mul3A_112 : vector<2000x1xf32>
    %exp3A_114 = math.exp %mul3A_113 : vector<2000x1xf32>
    %slice3A_115 = vector.extract_strided_slice %add3A_69 {offsets = [0, 96], sizes = [2000, 32], strides = [1, 1]} : vector<2000x128xf32> to vector<2000x32xf32>
    %mul3A_116 = vector.broadcast %exp3A_114 : vector<2000x1xf32> to vector<2000x32xf32>
    %mul3A_117 = arith.mulf %mul3A_116, %slice3A_115 : vector<2000x32xf32>
    %mul3A_118 = vector.broadcast %exp3A_114 : vector<2000x1xf32> to vector<2000x80xf32>
    %mul3A_119 = arith.mulf %mul3A_118, %convert_element_type3A_63 : vector<2000x80xf32>
    %concatenate3A = tpu.concatenate %mul3A_78, %mul3A_91, %mul3A_104, %mul3A_117 in 1 : vector<2000x32xf32>, vector<2000x32xf32>, vector<2000x32xf32>, vector<2000x32xf32> -> vector<2000x128xf32>
    %swap3A = arith.constant 0 : index
    %swap3A_120 = arith.constant 0 : index
    %swap3A_121 = vector.load %arg6[%swap3A, %swap3A_120] : memref<2000x128xf32, #tpu.memory_space<vmem>>, vector<2000x128xf32>
    tpu.vector_store %arg6[%swap3A, %swap3A_120], %concatenate3A {strides = array<i32>} : memref<2000x128xf32, #tpu.memory_space<vmem>>, vector<2000x128xf32>,
    %concatenate3A_122 = tpu.concatenate %mul3A_80, %mul3A_93, %mul3A_106, %mul3A_119 in 1 : vector<2000x80xf32>, vector<2000x80xf32>, vector<2000x80xf32>, vector<2000x80xf32> -> vector<2000x320xf32>
    %convert_element_type3A_123 = arith.truncf %concatenate3A_122 : vector<2000x320xf32> to vector<2000x320xbf16>
    %get3A_124 = arith.constant 0 : index
    %get3A_125 = arith.constant 0 : index
    %get3A_126 = vector.load %arg8[%get3A_124, %get3A_125] : memref<128x320xf32, #tpu.memory_space<vmem>>, vector<128x320xf32>
    %dot_general3A_127 = arith.constant dense<0.000000e+00> : vector<128x320xf32>
    %dot_general3A_128 = tpu.matmul %convert_element_type3A_57, %convert_element_type3A_123, %dot_general3A_127 {dimension_numbers = #tpu.dot_dimension_numbers<[1], [0], [0], [1], [0, 0, 1, 1], [], []>, transpose_lhs_hint = false} : vector<128x2000xbf16>, vector<2000x320xbf16>, vector<128x320xf32> -> vector<128x320xf32>
    %add3A_129 = arith.addf %get3A_126, %dot_general3A_128 : vector<128x320xf32>
    %swap3A_130 = arith.constant 0 : index
    %swap3A_131 = arith.constant 0 : index
    %swap3A_132 = vector.load %arg8[%swap3A_130, %swap3A_131] : memref<128x320xf32, #tpu.memory_space<vmem>>, vector<128x320xf32>
    tpu.vector_store %arg8[%swap3A_130, %swap3A_131], %add3A_129 {strides = array<i32>} : memref<128x320xf32, #tpu.memory_space<vmem>>, vector<128x320xf32>,
    %slice3A_133 = vector.extract_strided_slice %dot_general3A_9 {offsets = [0, 128], sizes = [2000, 128], strides = [1, 1]} : vector<2000x256xf32> to vector<2000x128xf32>
    %add3A_134 = arith.addf %bitcast_convert_type3A_30, %slice3A_133 : vector<2000x128xf32>
    %add3A_135 = arith.addf %bitcast_convert_type3A_40, %slice3A_133 : vector<2000x128xf32>
    %mul3A_136 = arith.mulf %bitcast_convert_type3A_18, %add3A_134 : vector<2000x128xf32>
    %slice3A_137 = vector.extract_strided_slice %mul3A_136 {offsets = [0, 0], sizes = [2000, 32], strides = [1, 1]} : vector<2000x128xf32> to vector<2000x32xf32>
    %reduce_sum3A_138 = arith.constant dense<0.000000e+00> : vector<2000xf32>
    %reduce_sum3A_139 = vector.multi_reduction <add>, %slice3A_137, %reduce_sum3A_138 [1] : vector<2000x32xf32> to vector<2000xf32>
    %broadcast_in_dim3A_140 = vector.shape_cast %reduce_sum3A_139 : vector<2000xf32> to vector<2000x1xf32>
    %mul3A_141 = arith.constant 0.176776692 : f32
    %mul3A_142 = vector.broadcast %mul3A_141 : f32 to vector<2000x1xf32>
    %mul3A_143 = arith.mulf %broadcast_in_dim3A_140, %mul3A_142 : vector<2000x1xf32>
    %exp3A_144 = math.exp %mul3A_143 : vector<2000x1xf32>
    %slice3A_145 = vector.extract_strided_slice %add3A_135 {offsets = [0, 0], sizes = [2000, 32], strides = [1, 1]} : vector<2000x128xf32> to vector<2000x32xf32>
    %mul3A_146 = vector.broadcast %exp3A_144 : vector<2000x1xf32> to vector<2000x32xf32>
    %mul3A_147 = arith.mulf %mul3A_146, %slice3A_145 : vector<2000x32xf32>
    %mul3A_148 = vector.broadcast %exp3A_144 : vector<2000x1xf32> to vector<2000x80xf32>
    %mul3A_149 = arith.mulf %mul3A_148, %convert_element_type3A_63 : vector<2000x80xf32>
    %slice3A_150 = vector.extract_strided_slice %mul3A_136 {offsets = [0, 32], sizes = [2000, 32], strides = [1, 1]} : vector<2000x128xf32> to vector<2000x32xf32>
    %reduce_sum3A_151 = arith.constant dense<0.000000e+00> : vector<2000xf32>
    %reduce_sum3A_152 = vector.multi_reduction <add>, %slice3A_150, %reduce_sum3A_151 [1] : vector<2000x32xf32> to vector<2000xf32>
    %broadcast_in_dim3A_153 = vector.shape_cast %reduce_sum3A_152 : vector<2000xf32> to vector<2000x1xf32>
    %mul3A_154 = arith.constant 0.176776692 : f32
    %mul3A_155 = vector.broadcast %mul3A_154 : f32 to vector<2000x1xf32>
    %mul3A_156 = arith.mulf %broadcast_in_dim3A_153, %mul3A_155 : vector<2000x1xf32>
    %exp3A_157 = math.exp %mul3A_156 : vector<2000x1xf32>
    %slice3A_158 = vector.extract_strided_slice %add3A_135 {offsets = [0, 32], sizes = [2000, 32], strides = [1, 1]} : vector<2000x128xf32> to vector<2000x32xf32>
    %mul3A_159 = vector.broadcast %exp3A_157 : vector<2000x1xf32> to vector<2000x32xf32>
    %mul3A_160 = arith.mulf %mul3A_159, %slice3A_158 : vector<2000x32xf32>
    %mul3A_161 = vector.broadcast %exp3A_157 : vector<2000x1xf32> to vector<2000x80xf32>
    %mul3A_162 = arith.mulf %mul3A_161, %convert_element_type3A_63 : vector<2000x80xf32>
    %slice3A_163 = vector.extract_strided_slice %mul3A_136 {offsets = [0, 64], sizes = [2000, 32], strides = [1, 1]} : vector<2000x128xf32> to vector<2000x32xf32>
    %reduce_sum3A_164 = arith.constant dense<0.000000e+00> : vector<2000xf32>
    %reduce_sum3A_165 = vector.multi_reduction <add>, %slice3A_163, %reduce_sum3A_164 [1] : vector<2000x32xf32> to vector<2000xf32>
    %broadcast_in_dim3A_166 = vector.shape_cast %reduce_sum3A_165 : vector<2000xf32> to vector<2000x1xf32>
    %mul3A_167 = arith.constant 0.176776692 : f32
    %mul3A_168 = vector.broadcast %mul3A_167 : f32 to vector<2000x1xf32>
    %mul3A_169 = arith.mulf %broadcast_in_dim3A_166, %mul3A_168 : vector<2000x1xf32>
    %exp3A_170 = math.exp %mul3A_169 : vector<2000x1xf32>
    %slice3A_171 = vector.extract_strided_slice %add3A_135 {offsets = [0, 64], sizes = [2000, 32], strides = [1, 1]} : vector<2000x128xf32> to vector<2000x32xf32>
    %mul3A_172 = vector.broadcast %exp3A_170 : vector<2000x1xf32> to vector<2000x32xf32>
    %mul3A_173 = arith.mulf %mul3A_172, %slice3A_171 : vector<2000x32xf32>
    %mul3A_174 = vector.broadcast %exp3A_170 : vector<2000x1xf32> to vector<2000x80xf32>
    %mul3A_175 = arith.mulf %mul3A_174, %convert_element_type3A_63 : vector<2000x80xf32>
    %slice3A_176 = vector.extract_strided_slice %mul3A_136 {offsets = [0, 96], sizes = [2000, 32], strides = [1, 1]} : vector<2000x128xf32> to vector<2000x32xf32>
    %reduce_sum3A_177 = arith.constant dense<0.000000e+00> : vector<2000xf32>
    %reduce_sum3A_178 = vector.multi_reduction <add>, %slice3A_176, %reduce_sum3A_177 [1] : vector<2000x32xf32> to vector<2000xf32>
    %broadcast_in_dim3A_179 = vector.shape_cast %reduce_sum3A_178 : vector<2000xf32> to vector<2000x1xf32>
    %mul3A_180 = arith.constant 0.176776692 : f32
    %mul3A_181 = vector.broadcast %mul3A_180 : f32 to vector<2000x1xf32>
    %mul3A_182 = arith.mulf %broadcast_in_dim3A_179, %mul3A_181 : vector<2000x1xf32>
    %exp3A_183 = math.exp %mul3A_182 : vector<2000x1xf32>
    %slice3A_184 = vector.extract_strided_slice %add3A_135 {offsets = [0, 96], sizes = [2000, 32], strides = [1, 1]} : vector<2000x128xf32> to vector<2000x32xf32>
    %mul3A_185 = vector.broadcast %exp3A_183 : vector<2000x1xf32> to vector<2000x32xf32>
    %mul3A_186 = arith.mulf %mul3A_185, %slice3A_184 : vector<2000x32xf32>
    %mul3A_187 = vector.broadcast %exp3A_183 : vector<2000x1xf32> to vector<2000x80xf32>
    %mul3A_188 = arith.mulf %mul3A_187, %convert_element_type3A_63 : vector<2000x80xf32>
    %concatenate3A_189 = tpu.concatenate %mul3A_147, %mul3A_160, %mul3A_173, %mul3A_186 in 1 : vector<2000x32xf32>, vector<2000x32xf32>, vector<2000x32xf32>, vector<2000x32xf32> -> vector<2000x128xf32>
    %swap3A_190 = arith.constant 0 : index
    %swap3A_191 = arith.constant 0 : index
    %swap3A_192 = vector.load %arg7[%swap3A_190, %swap3A_191] : memref<2000x128xf32, #tpu.memory_space<vmem>>, vector<2000x128xf32>
    tpu.vector_store %arg7[%swap3A_190, %swap3A_191], %concatenate3A_189 {strides = array<i32>} : memref<2000x128xf32, #tpu.memory_space<vmem>>, vector<2000x128xf32>,
    %concatenate3A_193 = tpu.concatenate %mul3A_149, %mul3A_162, %mul3A_175, %mul3A_188 in 1 : vector<2000x80xf32>, vector<2000x80xf32>, vector<2000x80xf32>, vector<2000x80xf32> -> vector<2000x320xf32>
    %convert_element_type3A_194 = arith.truncf %concatenate3A_193 : vector<2000x320xf32> to vector<2000x320xbf16>
    %get3A_195 = arith.constant 0 : index
    %get3A_196 = arith.constant 0 : index
    %get3A_197 = vector.load %arg9[%get3A_195, %get3A_196] : memref<128x320xf32, #tpu.memory_space<vmem>>, vector<128x320xf32>
    %dot_general3A_198 = arith.constant dense<0.000000e+00> : vector<128x320xf32>
    %dot_general3A_199 = tpu.matmul %convert_element_type3A_57, %convert_element_type3A_194, %dot_general3A_198 {dimension_numbers = #tpu.dot_dimension_numbers<[1], [0], [0], [1], [0, 0, 1, 1], [], []>, transpose_lhs_hint = false} : vector<128x2000xbf16>, vector<2000x320xbf16>, vector<128x320xf32> -> vector<128x320xf32>
    %add3A_200 = arith.addf %get3A_197, %dot_general3A_199 : vector<128x320xf32>
    %swap3A_201 = arith.constant 0 : index
    %swap3A_202 = arith.constant 0 : index
    %swap3A_203 = vector.load %arg9[%swap3A_201, %swap3A_202] : memref<128x320xf32, #tpu.memory_space<vmem>>, vector<128x320xf32>
    tpu.vector_store %arg9[%swap3A_201, %swap3A_202], %add3A_200 {strides = array<i32>} : memref<128x320xf32, #tpu.memory_space<vmem>>, vector<128x320xf32>,
    return
  }
  func.func @transform_0(%arg0: i32) -> (i32, i32) {
    %c0_i32 = arith.constant 0 : i32
    %c0_i32_0 = arith.constant 0 : i32
    return %arg0, %c0_i32 : i32, i32
  }
  func.func @transform_1(%arg0: i32) -> (i32, i32) {
    %c0_i32 = arith.constant 0 : i32
    %c0_i32_0 = arith.constant 0 : i32
    return %arg0, %c0_i32 : i32, i32
  }
  func.func @transform_2(%arg0: i32) -> (i32, i32) {
    %c0_i32 = arith.constant 0 : i32
    %c0_i32_0 = arith.constant 0 : i32
    %c0_i32_1 = arith.constant 0 : i32
    return %c0_i32, %c0_i32_0 : i32, i32
  }
  func.func @transform_3(%arg0: i32) -> (i32, i32, i32) {
    %c0_i32 = arith.constant 0 : i32
    %c0_i32_0 = arith.constant 0 : i32
    %c0_i32_1 = arith.constant 0 : i32
    return %arg0, %c0_i32, %c0_i32_0 : i32, i32, i32
  }
  func.func @transform_4(%arg0: i32) -> (i32, i32, i32) {
    %c0_i32 = arith.constant 0 : i32
    %c0_i32_0 = arith.constant 0 : i32
    %c0_i32_1 = arith.constant 0 : i32
    return %arg0, %c0_i32, %c0_i32_0 : i32, i32, i32
  }
  func.func @transform_5(%arg0: i32) -> (i32, i32) {
    %c0_i32 = arith.constant 0 : i32
    %c0_i32_0 = arith.constant 0 : i32
    return %arg0, %c0_i32 : i32, i32
  }
  func.func @transform_6(%arg0: i32) -> (i32, i32) {
    %c0_i32 = arith.constant 0 : i32
    %c0_i32_0 = arith.constant 0 : i32
    return %arg0, %c0_i32 : i32, i32
  }
  func.func @transform_7(%arg0: i32) -> (i32, i32) {
    %c0_i32 = arith.constant 0 : i32
    %c0_i32_0 = arith.constant 0 : i32
    %c0_i32_1 = arith.constant 0 : i32
    return %c0_i32, %c0_i32_0 : i32, i32
  }
  func.func @transform_8(%arg0: i32) -> (i32, i32) {
    %c0_i32 = arith.constant 0 : i32
    %c0_i32_0 = arith.constant 0 : i32
    %c0_i32_1 = arith.constant 0 : i32
    return %c0_i32, %c0_i32_0 : i32, i32
  }
}

module attributes {stable_mosaic.version = 14 : i64} {
  func.func @_layer_body(%arg0: i32, %arg1: memref<1000x128xf32, #tpu.memory_space<vmem>>, %arg2: memref<1000x128xf32, #tpu.memory_space<vmem>>, %arg3: memref<1000x4xf32, #tpu.memory_space<vmem>>, %arg4: memref<1000x4xf32, #tpu.memory_space<vmem>>, %arg5: memref<1000x128xf32, #tpu.memory_space<vmem>>, %arg6: memref<1000x128xf32, #tpu.memory_space<vmem>>, %arg7: memref<128x128xf32, #tpu.memory_space<vmem>>, %arg8: memref<128x128xf32, #tpu.memory_space<vmem>>, %arg9: memref<128x128xf32, #tpu.memory_space<vmem>>, %arg10: memref<128x128xf32, #tpu.memory_space<vmem>>, %arg11: memref<128x128xf32, #tpu.memory_space<vmem>>, %arg12: memref<128x128xf32, #tpu.memory_space<vmem>>, %arg13: memref<128x128xf32, #tpu.memory_space<vmem>>, %arg14: memref<128x128xf32, #tpu.memory_space<vmem>>, %arg15: memref<16x128xf32, #tpu.memory_space<vmem>>, %arg16: memref<16x128xf32, #tpu.memory_space<vmem>>, %arg17: memref<16x16xf32, #tpu.memory_space<vmem>>, %arg18: memref<1000x128xf32, #tpu.memory_space<vmem>>, %arg19: memref<1000x128xf32, #tpu.memory_space<vmem>>, %arg20: memref<1000x128xf32, #tpu.memory_space<vmem>>, %arg21: memref<1000x256xf32, #tpu.memory_space<vmem>>, %arg22: memref<16x256xf32, #tpu.memory_space<vmem>>) attributes {dimension_semantics = [#tpu.dimension_semantics<arbitrary>], iteration_bounds = array<i64: 10>, scalar_prefetch = 0 : i64, scratch_operands = 0 : i64, tpu.core_type = #tpu.core_type<tc>, window_params = [{transform_indices = @transform_0, window_bounds = array<i64: 1000, 128>}, {transform_indices = @transform_1, window_bounds = array<i64: 1000, 128>}, {transform_indices = @transform_2, window_bounds = array<i64: 1000, 4>}, {transform_indices = @transform_3, window_bounds = array<i64: 1000, 4>}, {transform_indices = @transform_4, window_bounds = array<i64: 1000, 128>}, {transform_indices = @transform_5, window_bounds = array<i64: 1000, 128>}, {pipeline_mode = #tpu.pipeline_mode<synchronous>, transform_indices = @transform_6, window_bounds = array<i64: 128, 128>}, {pipeline_mode = #tpu.pipeline_mode<synchronous>, transform_indices = @transform_7, window_bounds = array<i64: 128, 128>}, {pipeline_mode = #tpu.pipeline_mode<synchronous>, transform_indices = @transform_8, window_bounds = array<i64: 128, 128>}, {pipeline_mode = #tpu.pipeline_mode<synchronous>, transform_indices = @transform_9, window_bounds = array<i64: 128, 128>}, {pipeline_mode = #tpu.pipeline_mode<synchronous>, transform_indices = @transform_10, window_bounds = array<i64: 128, 128>}, {pipeline_mode = #tpu.pipeline_mode<synchronous>, transform_indices = @transform_11, window_bounds = array<i64: 128, 128>}, {pipeline_mode = #tpu.pipeline_mode<synchronous>, transform_indices = @transform_12, window_bounds = array<i64: 128, 128>}, {pipeline_mode = #tpu.pipeline_mode<synchronous>, transform_indices = @transform_13, window_bounds = array<i64: 128, 128>}, {pipeline_mode = #tpu.pipeline_mode<synchronous>, transform_indices = @transform_14, window_bounds = array<i64: 16, 128>}, {pipeline_mode = #tpu.pipeline_mode<synchronous>, transform_indices = @transform_15, window_bounds = array<i64: 16, 128>}, {pipeline_mode = #tpu.pipeline_mode<synchronous>, transform_indices = @transform_16, window_bounds = array<i64: 16, 16>}, {transform_indices = @transform_17, window_bounds = array<i64: 1000, 128>}, {transform_indices = @transform_18, window_bounds = array<i64: 1000, 128>}, {transform_indices = @transform_19, window_bounds = array<i64: 1000, 128>}, {transform_indices = @transform_20, window_bounds = array<i64: 1000, 256>}, {pipeline_mode = #tpu.pipeline_mode<synchronous>, transform_indices = @transform_21, window_bounds = array<i64: 16, 256>}]} {
    %get3A = arith.constant 0 : index
    %get3A_0 = arith.constant 0 : index
    %get3A_1 = vector.load %arg1[%get3A, %get3A_0] : memref<1000x128xf32, #tpu.memory_space<vmem>>, vector<1000x128xf32>
    %get3A_2 = arith.constant 0 : index
    %get3A_3 = arith.constant 0 : index
    %get3A_4 = vector.load %arg3[%get3A_2, %get3A_3] : memref<1000x4xf32, #tpu.memory_space<vmem>>, vector<1000x4xf32>
    %get3A_5 = arith.constant 0 : index
    %get3A_6 = arith.constant 0 : index
    %get3A_7 = vector.load %arg5[%get3A_5, %get3A_6] : memref<1000x128xf32, #tpu.memory_space<vmem>>, vector<1000x128xf32>
    %get3A_8 = arith.constant 0 : index
    %get3A_9 = arith.constant 0 : index
    %get3A_10 = vector.load %arg7[%get3A_8, %get3A_9] : memref<128x128xf32, #tpu.memory_space<vmem>>, vector<128x128xf32>
    %slice3A = vector.extract_strided_slice %get3A_4 {offsets = [0, 0], sizes = [1000, 1], strides = [1, 1]} : vector<1000x4xf32> to vector<1000x1xf32>
    %slice3A_11 = vector.extract_strided_slice %get3A_1 {offsets = [0, 0], sizes = [1000, 32], strides = [1, 1]} : vector<1000x128xf32> to vector<1000x32xf32>
    %add3A = arith.constant 9.99999971E-10 : f32
    %add3A_12 = vector.broadcast %add3A : f32 to vector<1000x1xf32>
    %add3A_13 = arith.addf %slice3A, %add3A_12 : vector<1000x1xf32>
    %div3A = vector.broadcast %add3A_13 : vector<1000x1xf32> to vector<1000x32xf32>
    %div3A_14 = arith.divf %slice3A_11, %div3A : vector<1000x32xf32>
    %slice3A_15 = vector.extract_strided_slice %get3A_4 {offsets = [0, 1], sizes = [1000, 1], strides = [1, 1]} : vector<1000x4xf32> to vector<1000x1xf32>
    %slice3A_16 = vector.extract_strided_slice %get3A_1 {offsets = [0, 32], sizes = [1000, 32], strides = [1, 1]} : vector<1000x128xf32> to vector<1000x32xf32>
    %add3A_17 = arith.constant 9.99999971E-10 : f32
    %add3A_18 = vector.broadcast %add3A_17 : f32 to vector<1000x1xf32>
    %add3A_19 = arith.addf %slice3A_15, %add3A_18 : vector<1000x1xf32>
    %div3A_20 = vector.broadcast %add3A_19 : vector<1000x1xf32> to vector<1000x32xf32>
    %div3A_21 = arith.divf %slice3A_16, %div3A_20 : vector<1000x32xf32>
    %slice3A_22 = vector.extract_strided_slice %get3A_4 {offsets = [0, 2], sizes = [1000, 1], strides = [1, 1]} : vector<1000x4xf32> to vector<1000x1xf32>
    %slice3A_23 = vector.extract_strided_slice %get3A_1 {offsets = [0, 64], sizes = [1000, 32], strides = [1, 1]} : vector<1000x128xf32> to vector<1000x32xf32>
    %add3A_24 = arith.constant 9.99999971E-10 : f32
    %add3A_25 = vector.broadcast %add3A_24 : f32 to vector<1000x1xf32>
    %add3A_26 = arith.addf %slice3A_22, %add3A_25 : vector<1000x1xf32>
    %div3A_27 = vector.broadcast %add3A_26 : vector<1000x1xf32> to vector<1000x32xf32>
    %div3A_28 = arith.divf %slice3A_23, %div3A_27 : vector<1000x32xf32>
    %slice3A_29 = vector.extract_strided_slice %get3A_4 {offsets = [0, 3], sizes = [1000, 1], strides = [1, 1]} : vector<1000x4xf32> to vector<1000x1xf32>
    %slice3A_30 = vector.extract_strided_slice %get3A_1 {offsets = [0, 96], sizes = [1000, 32], strides = [1, 1]} : vector<1000x128xf32> to vector<1000x32xf32>
    %add3A_31 = arith.constant 9.99999971E-10 : f32
    %add3A_32 = vector.broadcast %add3A_31 : f32 to vector<1000x1xf32>
    %add3A_33 = arith.addf %slice3A_29, %add3A_32 : vector<1000x1xf32>
    %div3A_34 = vector.broadcast %add3A_33 : vector<1000x1xf32> to vector<1000x32xf32>
    %div3A_35 = arith.divf %slice3A_30, %div3A_34 : vector<1000x32xf32>
    %concatenate3A = tpu.concatenate %div3A_14, %div3A_21, %div3A_28, %div3A_35 in 1 : vector<1000x32xf32>, vector<1000x32xf32>, vector<1000x32xf32>, vector<1000x32xf32> -> vector<1000x128xf32>
    %dot_general3A = arith.constant dense<0.000000e+00> : vector<1000x128xf32>
    %dot_general3A_36 = tpu.matmul %concatenate3A, %get3A_10, %dot_general3A {dimension_numbers = #tpu.dot_dimension_numbers<[1], [0], [0], [1], [0, 0, 1, 1], [], []>, transpose_lhs_hint = false} : vector<1000x128xf32>, vector<128x128xf32>, vector<1000x128xf32> -> vector<1000x128xf32>
    %add3A_37 = arith.addf %dot_general3A_36, %get3A_7 : vector<1000x128xf32>
    %get3A_38 = arith.constant 0 : index
    %get3A_39 = arith.constant 0 : index
    %get3A_40 = vector.load %arg2[%get3A_38, %get3A_39] : memref<1000x128xf32, #tpu.memory_space<vmem>>, vector<1000x128xf32>
    %get3A_41 = arith.constant 0 : index
    %get3A_42 = arith.constant 0 : index
    %get3A_43 = vector.load %arg4[%get3A_41, %get3A_42] : memref<1000x4xf32, #tpu.memory_space<vmem>>, vector<1000x4xf32>
    %get3A_44 = arith.constant 0 : index
    %get3A_45 = arith.constant 0 : index
    %get3A_46 = vector.load %arg6[%get3A_44, %get3A_45] : memref<1000x128xf32, #tpu.memory_space<vmem>>, vector<1000x128xf32>
    %get3A_47 = arith.constant 0 : index
    %get3A_48 = arith.constant 0 : index
    %get3A_49 = vector.load %arg8[%get3A_47, %get3A_48] : memref<128x128xf32, #tpu.memory_space<vmem>>, vector<128x128xf32>
    %slice3A_50 = vector.extract_strided_slice %get3A_43 {offsets = [0, 0], sizes = [1000, 1], strides = [1, 1]} : vector<1000x4xf32> to vector<1000x1xf32>
    %slice3A_51 = vector.extract_strided_slice %get3A_40 {offsets = [0, 0], sizes = [1000, 32], strides = [1, 1]} : vector<1000x128xf32> to vector<1000x32xf32>
    %add3A_52 = arith.constant 9.99999971E-10 : f32
    %add3A_53 = vector.broadcast %add3A_52 : f32 to vector<1000x1xf32>
    %add3A_54 = arith.addf %slice3A_50, %add3A_53 : vector<1000x1xf32>
    %div3A_55 = vector.broadcast %add3A_54 : vector<1000x1xf32> to vector<1000x32xf32>
    %div3A_56 = arith.divf %slice3A_51, %div3A_55 : vector<1000x32xf32>
    %slice3A_57 = vector.extract_strided_slice %get3A_43 {offsets = [0, 1], sizes = [1000, 1], strides = [1, 1]} : vector<1000x4xf32> to vector<1000x1xf32>
    %slice3A_58 = vector.extract_strided_slice %get3A_40 {offsets = [0, 32], sizes = [1000, 32], strides = [1, 1]} : vector<1000x128xf32> to vector<1000x32xf32>
    %add3A_59 = arith.constant 9.99999971E-10 : f32
    %add3A_60 = vector.broadcast %add3A_59 : f32 to vector<1000x1xf32>
    %add3A_61 = arith.addf %slice3A_57, %add3A_60 : vector<1000x1xf32>
    %div3A_62 = vector.broadcast %add3A_61 : vector<1000x1xf32> to vector<1000x32xf32>
    %div3A_63 = arith.divf %slice3A_58, %div3A_62 : vector<1000x32xf32>
    %slice3A_64 = vector.extract_strided_slice %get3A_43 {offsets = [0, 2], sizes = [1000, 1], strides = [1, 1]} : vector<1000x4xf32> to vector<1000x1xf32>
    %slice3A_65 = vector.extract_strided_slice %get3A_40 {offsets = [0, 64], sizes = [1000, 32], strides = [1, 1]} : vector<1000x128xf32> to vector<1000x32xf32>
    %add3A_66 = arith.constant 9.99999971E-10 : f32
    %add3A_67 = vector.broadcast %add3A_66 : f32 to vector<1000x1xf32>
    %add3A_68 = arith.addf %slice3A_64, %add3A_67 : vector<1000x1xf32>
    %div3A_69 = vector.broadcast %add3A_68 : vector<1000x1xf32> to vector<1000x32xf32>
    %div3A_70 = arith.divf %slice3A_65, %div3A_69 : vector<1000x32xf32>
    %slice3A_71 = vector.extract_strided_slice %get3A_43 {offsets = [0, 3], sizes = [1000, 1], strides = [1, 1]} : vector<1000x4xf32> to vector<1000x1xf32>
    %slice3A_72 = vector.extract_strided_slice %get3A_40 {offsets = [0, 96], sizes = [1000, 32], strides = [1, 1]} : vector<1000x128xf32> to vector<1000x32xf32>
    %add3A_73 = arith.constant 9.99999971E-10 : f32
    %add3A_74 = vector.broadcast %add3A_73 : f32 to vector<1000x1xf32>
    %add3A_75 = arith.addf %slice3A_71, %add3A_74 : vector<1000x1xf32>
    %div3A_76 = vector.broadcast %add3A_75 : vector<1000x1xf32> to vector<1000x32xf32>
    %div3A_77 = arith.divf %slice3A_72, %div3A_76 : vector<1000x32xf32>
    %concatenate3A_78 = tpu.concatenate %div3A_56, %div3A_63, %div3A_70, %div3A_77 in 1 : vector<1000x32xf32>, vector<1000x32xf32>, vector<1000x32xf32>, vector<1000x32xf32> -> vector<1000x128xf32>
    %dot_general3A_79 = arith.constant dense<0.000000e+00> : vector<1000x128xf32>
    %dot_general3A_80 = tpu.matmul %concatenate3A_78, %get3A_49, %dot_general3A_79 {dimension_numbers = #tpu.dot_dimension_numbers<[1], [0], [0], [1], [0, 0, 1, 1], [], []>, transpose_lhs_hint = false} : vector<1000x128xf32>, vector<128x128xf32>, vector<1000x128xf32> -> vector<1000x128xf32>
    %add3A_81 = arith.addf %dot_general3A_80, %get3A_46 : vector<1000x128xf32>
    %swap3A = arith.constant 0 : index
    %swap3A_82 = arith.constant 0 : index
    %swap3A_83 = vector.load %arg18[%swap3A, %swap3A_82] : memref<1000x128xf32, #tpu.memory_space<vmem>>, vector<1000x128xf32>
    tpu.vector_store %arg18[%swap3A, %swap3A_82], %add3A_37 {strides = array<i32>} : memref<1000x128xf32, #tpu.memory_space<vmem>>, vector<1000x128xf32>,
    %swap3A_84 = arith.constant 0 : index
    %swap3A_85 = arith.constant 0 : index
    %swap3A_86 = vector.load %arg19[%swap3A_84, %swap3A_85] : memref<1000x128xf32, #tpu.memory_space<vmem>>, vector<1000x128xf32>
    tpu.vector_store %arg19[%swap3A_84, %swap3A_85], %add3A_81 {strides = array<i32>} : memref<1000x128xf32, #tpu.memory_space<vmem>>, vector<1000x128xf32>,
    %get3A_87 = arith.constant 0 : index
    %get3A_88 = arith.constant 0 : index
    %get3A_89 = vector.load %arg9[%get3A_87, %get3A_88] : memref<128x128xf32, #tpu.memory_space<vmem>>, vector<128x128xf32>
    %dot_general3A_90 = arith.constant dense<0.000000e+00> : vector<1000x128xf32>
    %dot_general3A_91 = tpu.matmul %add3A_37, %get3A_89, %dot_general3A_90 {dimension_numbers = #tpu.dot_dimension_numbers<[1], [0], [0], [1], [0, 0, 1, 1], [], []>, transpose_lhs_hint = false} : vector<1000x128xf32>, vector<128x128xf32>, vector<1000x128xf32> -> vector<1000x128xf32>
    %get3A_92 = arith.constant 0 : index
    %get3A_93 = arith.constant 0 : index
    %get3A_94 = vector.load %arg12[%get3A_92, %get3A_93] : memref<128x128xf32, #tpu.memory_space<vmem>>, vector<128x128xf32>
    %dot_general3A_95 = arith.constant dense<0.000000e+00> : vector<1000x128xf32>
    %dot_general3A_96 = tpu.matmul %add3A_81, %get3A_94, %dot_general3A_95 {dimension_numbers = #tpu.dot_dimension_numbers<[1], [0], [0], [1], [0, 0, 1, 1], [], []>, transpose_lhs_hint = false} : vector<1000x128xf32>, vector<128x128xf32>, vector<1000x128xf32> -> vector<1000x128xf32>
    %bitcast_convert_type3A = tpu.bitcast %dot_general3A_91 : vector<1000x128xf32> -> vector<1000x128xi32>
    %bitcast_convert_type3A_97 = tpu.bitcast %dot_general3A_96 : vector<1000x128xf32> -> vector<1000x128xi32>
    %add3A_98 = arith.constant 32768 : i32
    %add3A_99 = vector.broadcast %add3A_98 : i32 to vector<1000x128xi32>
    %add3A_100 = arith.addi %bitcast_convert_type3A, %add3A_99 : vector<1000x128xi32>
    %and3A = arith.constant -65536 : i32
    %and3A_101 = vector.broadcast %and3A : i32 to vector<1000x128xi32>
    %and3A_102 = arith.andi %add3A_100, %and3A_101 : vector<1000x128xi32>
    %add3A_103 = arith.constant 32768 : i32
    %add3A_104 = vector.broadcast %add3A_103 : i32 to vector<1000x128xi32>
    %add3A_105 = arith.addi %bitcast_convert_type3A_97, %add3A_104 : vector<1000x128xi32>
    %shift_right_logical3A = arith.constant 16 : i32
    %shift_right_logical3A_106 = vector.broadcast %shift_right_logical3A : i32 to vector<1000x128xi32>
    %shift_right_logical3A_107 = arith.shrui %add3A_105, %shift_right_logical3A_106 : vector<1000x128xi32>
    %or3A = arith.ori %and3A_102, %shift_right_logical3A_107 : vector<1000x128xi32>
    %bitcast_convert_type3A_108 = tpu.bitcast %or3A : vector<1000x128xi32> -> vector<1000x128xf32>
    %swap3A_109 = arith.constant 0 : index
    %swap3A_110 = arith.constant 0 : index
    %swap3A_111 = vector.load %arg20[%swap3A_109, %swap3A_110] : memref<1000x128xf32, #tpu.memory_space<vmem>>, vector<1000x128xf32>
    tpu.vector_store %arg20[%swap3A_109, %swap3A_110], %bitcast_convert_type3A_108 {strides = array<i32>} : memref<1000x128xf32, #tpu.memory_space<vmem>>, vector<1000x128xf32>,
    %get3A_112 = arith.constant 0 : index
    %get3A_113 = arith.constant 0 : index
    %get3A_114 = vector.load %arg10[%get3A_112, %get3A_113] : memref<128x128xf32, #tpu.memory_space<vmem>>, vector<128x128xf32>
    %dot_general3A_115 = arith.constant dense<0.000000e+00> : vector<1000x128xf32>
    %dot_general3A_116 = tpu.matmul %add3A_37, %get3A_114, %dot_general3A_115 {dimension_numbers = #tpu.dot_dimension_numbers<[1], [0], [0], [1], [0, 0, 1, 1], [], []>, transpose_lhs_hint = false} : vector<1000x128xf32>, vector<128x128xf32>, vector<1000x128xf32> -> vector<1000x128xf32>
    %get3A_117 = arith.constant 0 : index
    %get3A_118 = arith.constant 0 : index
    %get3A_119 = vector.load %arg13[%get3A_117, %get3A_118] : memref<128x128xf32, #tpu.memory_space<vmem>>, vector<128x128xf32>
    %dot_general3A_120 = arith.constant dense<0.000000e+00> : vector<1000x128xf32>
    %dot_general3A_121 = tpu.matmul %add3A_81, %get3A_119, %dot_general3A_120 {dimension_numbers = #tpu.dot_dimension_numbers<[1], [0], [0], [1], [0, 0, 1, 1], [], []>, transpose_lhs_hint = false} : vector<1000x128xf32>, vector<128x128xf32>, vector<1000x128xf32> -> vector<1000x128xf32>
    %bitcast_convert_type3A_122 = tpu.bitcast %dot_general3A_116 : vector<1000x128xf32> -> vector<1000x128xi32>
    %bitcast_convert_type3A_123 = tpu.bitcast %dot_general3A_121 : vector<1000x128xf32> -> vector<1000x128xi32>
    %add3A_124 = arith.constant 32768 : i32
    %add3A_125 = vector.broadcast %add3A_124 : i32 to vector<1000x128xi32>
    %add3A_126 = arith.addi %bitcast_convert_type3A_122, %add3A_125 : vector<1000x128xi32>
    %and3A_127 = arith.constant -65536 : i32
    %and3A_128 = vector.broadcast %and3A_127 : i32 to vector<1000x128xi32>
    %and3A_129 = arith.andi %add3A_126, %and3A_128 : vector<1000x128xi32>
    %add3A_130 = arith.constant 32768 : i32
    %add3A_131 = vector.broadcast %add3A_130 : i32 to vector<1000x128xi32>
    %add3A_132 = arith.addi %bitcast_convert_type3A_123, %add3A_131 : vector<1000x128xi32>
    %shift_right_logical3A_133 = arith.constant 16 : i32
    %shift_right_logical3A_134 = vector.broadcast %shift_right_logical3A_133 : i32 to vector<1000x128xi32>
    %shift_right_logical3A_135 = arith.shrui %add3A_132, %shift_right_logical3A_134 : vector<1000x128xi32>
    %or3A_136 = arith.ori %and3A_129, %shift_right_logical3A_135 : vector<1000x128xi32>
    %bitcast_convert_type3A_137 = tpu.bitcast %or3A_136 : vector<1000x128xi32> -> vector<1000x128xf32>
    %get3A_138 = arith.constant 0 : index
    %get3A_139 = arith.constant 0 : index
    %get3A_140 = vector.load %arg11[%get3A_138, %get3A_139] : memref<128x128xf32, #tpu.memory_space<vmem>>, vector<128x128xf32>
    %dot_general3A_141 = arith.constant dense<0.000000e+00> : vector<1000x128xf32>
    %dot_general3A_142 = tpu.matmul %add3A_37, %get3A_140, %dot_general3A_141 {dimension_numbers = #tpu.dot_dimension_numbers<[1], [0], [0], [1], [0, 0, 1, 1], [], []>, transpose_lhs_hint = false} : vector<1000x128xf32>, vector<128x128xf32>, vector<1000x128xf32> -> vector<1000x128xf32>
    %get3A_143 = arith.constant 0 : index
    %get3A_144 = arith.constant 0 : index
    %get3A_145 = vector.load %arg14[%get3A_143, %get3A_144] : memref<128x128xf32, #tpu.memory_space<vmem>>, vector<128x128xf32>
    %dot_general3A_146 = arith.constant dense<0.000000e+00> : vector<1000x128xf32>
    %dot_general3A_147 = tpu.matmul %add3A_81, %get3A_145, %dot_general3A_146 {dimension_numbers = #tpu.dot_dimension_numbers<[1], [0], [0], [1], [0, 0, 1, 1], [], []>, transpose_lhs_hint = false} : vector<1000x128xf32>, vector<128x128xf32>, vector<1000x128xf32> -> vector<1000x128xf32>
    %bitcast_convert_type3A_148 = tpu.bitcast %dot_general3A_142 : vector<1000x128xf32> -> vector<1000x128xi32>
    %bitcast_convert_type3A_149 = tpu.bitcast %dot_general3A_147 : vector<1000x128xf32> -> vector<1000x128xi32>
    %add3A_150 = arith.constant 32768 : i32
    %add3A_151 = vector.broadcast %add3A_150 : i32 to vector<1000x128xi32>
    %add3A_152 = arith.addi %bitcast_convert_type3A_148, %add3A_151 : vector<1000x128xi32>
    %and3A_153 = arith.constant -65536 : i32
    %and3A_154 = vector.broadcast %and3A_153 : i32 to vector<1000x128xi32>
    %and3A_155 = arith.andi %add3A_152, %and3A_154 : vector<1000x128xi32>
    %add3A_156 = arith.constant 32768 : i32
    %add3A_157 = vector.broadcast %add3A_156 : i32 to vector<1000x128xi32>
    %add3A_158 = arith.addi %bitcast_convert_type3A_149, %add3A_157 : vector<1000x128xi32>
    %shift_right_logical3A_159 = arith.constant 16 : i32
    %shift_right_logical3A_160 = vector.broadcast %shift_right_logical3A_159 : i32 to vector<1000x128xi32>
    %shift_right_logical3A_161 = arith.shrui %add3A_158, %shift_right_logical3A_160 : vector<1000x128xi32>
    %or3A_162 = arith.ori %and3A_155, %shift_right_logical3A_161 : vector<1000x128xi32>
    %bitcast_convert_type3A_163 = tpu.bitcast %or3A_162 : vector<1000x128xi32> -> vector<1000x128xf32>
    %concatenate3A_164 = tpu.concatenate %bitcast_convert_type3A_137, %bitcast_convert_type3A_163 in 1 : vector<1000x128xf32>, vector<1000x128xf32> -> vector<1000x256xf32>
    %swap3A_165 = arith.constant 0 : index
    %swap3A_166 = arith.constant 0 : index
    %swap3A_167 = vector.load %arg21[%swap3A_165, %swap3A_166] : memref<1000x256xf32, #tpu.memory_space<vmem>>, vector<1000x256xf32>
    tpu.vector_store %arg21[%swap3A_165, %swap3A_166], %concatenate3A_164 {strides = array<i32>} : memref<1000x256xf32, #tpu.memory_space<vmem>>, vector<1000x256xf32>,
    %get3A_168 = arith.constant 0 : index
    %get3A_169 = arith.constant 0 : index
    %get3A_170 = vector.load %arg17[%get3A_168, %get3A_169] : memref<16x16xf32, #tpu.memory_space<vmem>>, vector<16x16xf32>
    %get3A_171 = arith.constant 0 : index
    %get3A_172 = arith.constant 0 : index
    %get3A_173 = vector.load %arg15[%get3A_171, %get3A_172] : memref<16x128xf32, #tpu.memory_space<vmem>>, vector<16x128xf32>
    %dot_general3A_174 = arith.constant dense<0.000000e+00> : vector<16x128xf32>
    %dot_general3A_175 = tpu.matmul %get3A_170, %get3A_173, %dot_general3A_174 {dimension_numbers = #tpu.dot_dimension_numbers<[1], [0], [0], [1], [0, 0, 1, 1], [], []>, transpose_lhs_hint = false} : vector<16x16xf32>, vector<16x128xf32>, vector<16x128xf32> -> vector<16x128xf32>
    %get3A_176 = arith.constant 0 : index
    %get3A_177 = arith.constant 0 : index
    %get3A_178 = vector.load %arg17[%get3A_176, %get3A_177] : memref<16x16xf32, #tpu.memory_space<vmem>>, vector<16x16xf32>
    %get3A_179 = arith.constant 0 : index
    %get3A_180 = arith.constant 0 : index
    %get3A_181 = vector.load %arg16[%get3A_179, %get3A_180] : memref<16x128xf32, #tpu.memory_space<vmem>>, vector<16x128xf32>
    %dot_general3A_182 = arith.constant dense<0.000000e+00> : vector<16x128xf32>
    %dot_general3A_183 = tpu.matmul %get3A_178, %get3A_181, %dot_general3A_182 {dimension_numbers = #tpu.dot_dimension_numbers<[1], [0], [0], [1], [0, 0, 1, 1], [], []>, transpose_lhs_hint = false} : vector<16x16xf32>, vector<16x128xf32>, vector<16x128xf32> -> vector<16x128xf32>
    %concatenate3A_184 = tpu.concatenate %dot_general3A_175, %dot_general3A_183 in 1 : vector<16x128xf32>, vector<16x128xf32> -> vector<16x256xf32>
    %swap3A_185 = arith.constant 0 : index
    %swap3A_186 = arith.constant 0 : index
    %swap3A_187 = vector.load %arg22[%swap3A_185, %swap3A_186] : memref<16x256xf32, #tpu.memory_space<vmem>>, vector<16x256xf32>
    tpu.vector_store %arg22[%swap3A_185, %swap3A_186], %concatenate3A_184 {strides = array<i32>} : memref<16x256xf32, #tpu.memory_space<vmem>>, vector<16x256xf32>,
    return
  }
  func.func @transform_0(%arg0: i32) -> (i32, i32) {
    %c0_i32 = arith.constant 0 : i32
    %c0_i32_0 = arith.constant 0 : i32
    return %arg0, %c0_i32 : i32, i32
  }
  func.func @transform_1(%arg0: i32) -> (i32, i32) {
    %add3A = arith.constant 10 : i32
    %add3A_0 = arith.addi %arg0, %add3A : i32
    %c0_i32 = arith.constant 0 : i32
    %c0_i32_1 = arith.constant 0 : i32
    return %add3A_0, %c0_i32 : i32, i32
  }
  func.func @transform_2(%arg0: i32) -> (i32, i32) {
    %c0_i32 = arith.constant 0 : i32
    %c0_i32_0 = arith.constant 0 : i32
    return %arg0, %c0_i32 : i32, i32
  }
  func.func @transform_3(%arg0: i32) -> (i32, i32) {
    %c0_i32 = arith.constant 0 : i32
    %c0_i32_0 = arith.constant 0 : i32
    return %arg0, %c0_i32 : i32, i32
  }
  func.func @transform_4(%arg0: i32) -> (i32, i32) {
    %c0_i32 = arith.constant 0 : i32
    %c0_i32_0 = arith.constant 0 : i32
    return %arg0, %c0_i32 : i32, i32
  }
  func.func @transform_5(%arg0: i32) -> (i32, i32) {
    %c0_i32 = arith.constant 0 : i32
    %c0_i32_0 = arith.constant 0 : i32
    return %arg0, %c0_i32 : i32, i32
  }
  func.func @transform_6(%arg0: i32) -> (i32, i32) {
    %c0_i32 = arith.constant 0 : i32
    %c0_i32_0 = arith.constant 0 : i32
    %c0_i32_1 = arith.constant 0 : i32
    return %c0_i32, %c0_i32_0 : i32, i32
  }
  func.func @transform_7(%arg0: i32) -> (i32, i32) {
    %c0_i32 = arith.constant 0 : i32
    %c0_i32_0 = arith.constant 0 : i32
    %c0_i32_1 = arith.constant 0 : i32
    return %c0_i32, %c0_i32_0 : i32, i32
  }
  func.func @transform_8(%arg0: i32) -> (i32, i32) {
    %c0_i32 = arith.constant 0 : i32
    %c0_i32_0 = arith.constant 0 : i32
    %c0_i32_1 = arith.constant 0 : i32
    return %c0_i32, %c0_i32_0 : i32, i32
  }
  func.func @transform_9(%arg0: i32) -> (i32, i32) {
    %c0_i32 = arith.constant 0 : i32
    %c0_i32_0 = arith.constant 0 : i32
    %c0_i32_1 = arith.constant 0 : i32
    return %c0_i32, %c0_i32_0 : i32, i32
  }
  func.func @transform_10(%arg0: i32) -> (i32, i32) {
    %c0_i32 = arith.constant 0 : i32
    %c0_i32_0 = arith.constant 0 : i32
    %c0_i32_1 = arith.constant 0 : i32
    return %c0_i32, %c0_i32_0 : i32, i32
  }
  func.func @transform_11(%arg0: i32) -> (i32, i32) {
    %c0_i32 = arith.constant 0 : i32
    %c0_i32_0 = arith.constant 0 : i32
    %c0_i32_1 = arith.constant 0 : i32
    return %c0_i32, %c0_i32_0 : i32, i32
  }
  func.func @transform_12(%arg0: i32) -> (i32, i32) {
    %c0_i32 = arith.constant 0 : i32
    %c0_i32_0 = arith.constant 0 : i32
    %c0_i32_1 = arith.constant 0 : i32
    return %c0_i32, %c0_i32_0 : i32, i32
  }
  func.func @transform_13(%arg0: i32) -> (i32, i32) {
    %c0_i32 = arith.constant 0 : i32
    %c0_i32_0 = arith.constant 0 : i32
    %c0_i32_1 = arith.constant 0 : i32
    return %c0_i32, %c0_i32_0 : i32, i32
  }
  func.func @transform_14(%arg0: i32) -> (i32, i32) {
    %c0_i32 = arith.constant 0 : i32
    %c0_i32_0 = arith.constant 0 : i32
    %c0_i32_1 = arith.constant 0 : i32
    return %c0_i32, %c0_i32_0 : i32, i32
  }
  func.func @transform_15(%arg0: i32) -> (i32, i32) {
    %c0_i32 = arith.constant 0 : i32
    %c0_i32_0 = arith.constant 0 : i32
    %c0_i32_1 = arith.constant 0 : i32
    return %c0_i32, %c0_i32_0 : i32, i32
  }
  func.func @transform_16(%arg0: i32) -> (i32, i32) {
    %c0_i32 = arith.constant 0 : i32
    %c0_i32_0 = arith.constant 0 : i32
    %c0_i32_1 = arith.constant 0 : i32
    return %c0_i32, %c0_i32_0 : i32, i32
  }
  func.func @transform_17(%arg0: i32) -> (i32, i32) {
    %c0_i32 = arith.constant 0 : i32
    %c0_i32_0 = arith.constant 0 : i32
    return %arg0, %c0_i32 : i32, i32
  }
  func.func @transform_18(%arg0: i32) -> (i32, i32) {
    %c0_i32 = arith.constant 0 : i32
    %c0_i32_0 = arith.constant 0 : i32
    return %arg0, %c0_i32 : i32, i32
  }
  func.func @transform_19(%arg0: i32) -> (i32, i32) {
    %c0_i32 = arith.constant 0 : i32
    %c0_i32_0 = arith.constant 0 : i32
    return %arg0, %c0_i32 : i32, i32
  }
  func.func @transform_20(%arg0: i32) -> (i32, i32) {
    %c0_i32 = arith.constant 0 : i32
    %c0_i32_0 = arith.constant 0 : i32
    return %arg0, %c0_i32 : i32, i32
  }
  func.func @transform_21(%arg0: i32) -> (i32, i32) {
    %c0_i32 = arith.constant 0 : i32
    %c0_i32_0 = arith.constant 0 : i32
    %c0_i32_1 = arith.constant 0 : i32
    return %c0_i32, %c0_i32_0 : i32, i32
  }
}

module attributes {stable_mosaic.version = 14 : i64} {
  func.func @_tail_body(%arg0: i32, %arg1: memref<1000x128xf32, #tpu.memory_space<vmem>>, %arg2: memref<1000x128xf32, #tpu.memory_space<vmem>>, %arg3: memref<1000x4xf32, #tpu.memory_space<vmem>>, %arg4: memref<1000x4xf32, #tpu.memory_space<vmem>>, %arg5: memref<1000x128xf32, #tpu.memory_space<vmem>>, %arg6: memref<1000x128xf32, #tpu.memory_space<vmem>>, %arg7: memref<128x128xf32, #tpu.memory_space<vmem>>, %arg8: memref<128x128xf32, #tpu.memory_space<vmem>>, %arg9: memref<1000x1xf32, #tpu.memory_space<vmem>>, %arg10: memref<128x1xf32, #tpu.memory_space<vmem>>, %arg11: memref<3xf32, #tpu.memory_space<smem>>, %arg12: memref<1000x1xf32, #tpu.memory_space<vmem>>) attributes {dimension_semantics = [#tpu.dimension_semantics<arbitrary>], iteration_bounds = array<i64: 10>, scalar_prefetch = 0 : i64, scratch_operands = 0 : i64, tpu.core_type = #tpu.core_type<tc>, window_params = [{transform_indices = @transform_0, window_bounds = array<i64: 1000, 128>}, {transform_indices = @transform_1, window_bounds = array<i64: 1000, 128>}, {transform_indices = @transform_2, window_bounds = array<i64: 1000, 4>}, {transform_indices = @transform_3, window_bounds = array<i64: 1000, 4>}, {transform_indices = @transform_4, window_bounds = array<i64: 1000, 128>}, {transform_indices = @transform_5, window_bounds = array<i64: 1000, 128>}, {pipeline_mode = #tpu.pipeline_mode<synchronous>, transform_indices = @transform_6, window_bounds = array<i64: 128, 128>}, {pipeline_mode = #tpu.pipeline_mode<synchronous>, transform_indices = @transform_7, window_bounds = array<i64: 128, 128>}, {transform_indices = @transform_8, window_bounds = array<i64: 1000, 1>}, {pipeline_mode = #tpu.pipeline_mode<synchronous>, transform_indices = @transform_9, window_bounds = array<i64: 128, 1>}, {transform_indices = @transform_10, window_bounds = array<i64: 3>}, {transform_indices = @transform_11, window_bounds = array<i64: 1000, 1>}]} {
    %get3A = arith.constant 0 : index
    %get3A_0 = arith.constant 0 : index
    %get3A_1 = vector.load %arg1[%get3A, %get3A_0] : memref<1000x128xf32, #tpu.memory_space<vmem>>, vector<1000x128xf32>
    %get3A_2 = arith.constant 0 : index
    %get3A_3 = arith.constant 0 : index
    %get3A_4 = vector.load %arg3[%get3A_2, %get3A_3] : memref<1000x4xf32, #tpu.memory_space<vmem>>, vector<1000x4xf32>
    %get3A_5 = arith.constant 0 : index
    %get3A_6 = arith.constant 0 : index
    %get3A_7 = vector.load %arg5[%get3A_5, %get3A_6] : memref<1000x128xf32, #tpu.memory_space<vmem>>, vector<1000x128xf32>
    %get3A_8 = arith.constant 0 : index
    %get3A_9 = arith.constant 0 : index
    %get3A_10 = vector.load %arg7[%get3A_8, %get3A_9] : memref<128x128xf32, #tpu.memory_space<vmem>>, vector<128x128xf32>
    %slice3A = vector.extract_strided_slice %get3A_4 {offsets = [0, 0], sizes = [1000, 1], strides = [1, 1]} : vector<1000x4xf32> to vector<1000x1xf32>
    %slice3A_11 = vector.extract_strided_slice %get3A_1 {offsets = [0, 0], sizes = [1000, 32], strides = [1, 1]} : vector<1000x128xf32> to vector<1000x32xf32>
    %add3A = arith.constant 9.99999971E-10 : f32
    %add3A_12 = vector.broadcast %add3A : f32 to vector<1000x1xf32>
    %add3A_13 = arith.addf %slice3A, %add3A_12 : vector<1000x1xf32>
    %div3A = vector.broadcast %add3A_13 : vector<1000x1xf32> to vector<1000x32xf32>
    %div3A_14 = arith.divf %slice3A_11, %div3A : vector<1000x32xf32>
    %slice3A_15 = vector.extract_strided_slice %get3A_4 {offsets = [0, 1], sizes = [1000, 1], strides = [1, 1]} : vector<1000x4xf32> to vector<1000x1xf32>
    %slice3A_16 = vector.extract_strided_slice %get3A_1 {offsets = [0, 32], sizes = [1000, 32], strides = [1, 1]} : vector<1000x128xf32> to vector<1000x32xf32>
    %add3A_17 = arith.constant 9.99999971E-10 : f32
    %add3A_18 = vector.broadcast %add3A_17 : f32 to vector<1000x1xf32>
    %add3A_19 = arith.addf %slice3A_15, %add3A_18 : vector<1000x1xf32>
    %div3A_20 = vector.broadcast %add3A_19 : vector<1000x1xf32> to vector<1000x32xf32>
    %div3A_21 = arith.divf %slice3A_16, %div3A_20 : vector<1000x32xf32>
    %slice3A_22 = vector.extract_strided_slice %get3A_4 {offsets = [0, 2], sizes = [1000, 1], strides = [1, 1]} : vector<1000x4xf32> to vector<1000x1xf32>
    %slice3A_23 = vector.extract_strided_slice %get3A_1 {offsets = [0, 64], sizes = [1000, 32], strides = [1, 1]} : vector<1000x128xf32> to vector<1000x32xf32>
    %add3A_24 = arith.constant 9.99999971E-10 : f32
    %add3A_25 = vector.broadcast %add3A_24 : f32 to vector<1000x1xf32>
    %add3A_26 = arith.addf %slice3A_22, %add3A_25 : vector<1000x1xf32>
    %div3A_27 = vector.broadcast %add3A_26 : vector<1000x1xf32> to vector<1000x32xf32>
    %div3A_28 = arith.divf %slice3A_23, %div3A_27 : vector<1000x32xf32>
    %slice3A_29 = vector.extract_strided_slice %get3A_4 {offsets = [0, 3], sizes = [1000, 1], strides = [1, 1]} : vector<1000x4xf32> to vector<1000x1xf32>
    %slice3A_30 = vector.extract_strided_slice %get3A_1 {offsets = [0, 96], sizes = [1000, 32], strides = [1, 1]} : vector<1000x128xf32> to vector<1000x32xf32>
    %add3A_31 = arith.constant 9.99999971E-10 : f32
    %add3A_32 = vector.broadcast %add3A_31 : f32 to vector<1000x1xf32>
    %add3A_33 = arith.addf %slice3A_29, %add3A_32 : vector<1000x1xf32>
    %div3A_34 = vector.broadcast %add3A_33 : vector<1000x1xf32> to vector<1000x32xf32>
    %div3A_35 = arith.divf %slice3A_30, %div3A_34 : vector<1000x32xf32>
    %concatenate3A = tpu.concatenate %div3A_14, %div3A_21, %div3A_28, %div3A_35 in 1 : vector<1000x32xf32>, vector<1000x32xf32>, vector<1000x32xf32>, vector<1000x32xf32> -> vector<1000x128xf32>
    %dot_general3A = arith.constant dense<0.000000e+00> : vector<1000x128xf32>
    %dot_general3A_36 = tpu.matmul %concatenate3A, %get3A_10, %dot_general3A {dimension_numbers = #tpu.dot_dimension_numbers<[1], [0], [0], [1], [0, 0, 1, 1], [], []>, transpose_lhs_hint = false} : vector<1000x128xf32>, vector<128x128xf32>, vector<1000x128xf32> -> vector<1000x128xf32>
    %add3A_37 = arith.addf %dot_general3A_36, %get3A_7 : vector<1000x128xf32>
    %get3A_38 = arith.constant 0 : index
    %get3A_39 = arith.constant 0 : index
    %get3A_40 = vector.load %arg2[%get3A_38, %get3A_39] : memref<1000x128xf32, #tpu.memory_space<vmem>>, vector<1000x128xf32>
    %get3A_41 = arith.constant 0 : index
    %get3A_42 = arith.constant 0 : index
    %get3A_43 = vector.load %arg4[%get3A_41, %get3A_42] : memref<1000x4xf32, #tpu.memory_space<vmem>>, vector<1000x4xf32>
    %get3A_44 = arith.constant 0 : index
    %get3A_45 = arith.constant 0 : index
    %get3A_46 = vector.load %arg6[%get3A_44, %get3A_45] : memref<1000x128xf32, #tpu.memory_space<vmem>>, vector<1000x128xf32>
    %get3A_47 = arith.constant 0 : index
    %get3A_48 = arith.constant 0 : index
    %get3A_49 = vector.load %arg8[%get3A_47, %get3A_48] : memref<128x128xf32, #tpu.memory_space<vmem>>, vector<128x128xf32>
    %slice3A_50 = vector.extract_strided_slice %get3A_43 {offsets = [0, 0], sizes = [1000, 1], strides = [1, 1]} : vector<1000x4xf32> to vector<1000x1xf32>
    %slice3A_51 = vector.extract_strided_slice %get3A_40 {offsets = [0, 0], sizes = [1000, 32], strides = [1, 1]} : vector<1000x128xf32> to vector<1000x32xf32>
    %add3A_52 = arith.constant 9.99999971E-10 : f32
    %add3A_53 = vector.broadcast %add3A_52 : f32 to vector<1000x1xf32>
    %add3A_54 = arith.addf %slice3A_50, %add3A_53 : vector<1000x1xf32>
    %div3A_55 = vector.broadcast %add3A_54 : vector<1000x1xf32> to vector<1000x32xf32>
    %div3A_56 = arith.divf %slice3A_51, %div3A_55 : vector<1000x32xf32>
    %slice3A_57 = vector.extract_strided_slice %get3A_43 {offsets = [0, 1], sizes = [1000, 1], strides = [1, 1]} : vector<1000x4xf32> to vector<1000x1xf32>
    %slice3A_58 = vector.extract_strided_slice %get3A_40 {offsets = [0, 32], sizes = [1000, 32], strides = [1, 1]} : vector<1000x128xf32> to vector<1000x32xf32>
    %add3A_59 = arith.constant 9.99999971E-10 : f32
    %add3A_60 = vector.broadcast %add3A_59 : f32 to vector<1000x1xf32>
    %add3A_61 = arith.addf %slice3A_57, %add3A_60 : vector<1000x1xf32>
    %div3A_62 = vector.broadcast %add3A_61 : vector<1000x1xf32> to vector<1000x32xf32>
    %div3A_63 = arith.divf %slice3A_58, %div3A_62 : vector<1000x32xf32>
    %slice3A_64 = vector.extract_strided_slice %get3A_43 {offsets = [0, 2], sizes = [1000, 1], strides = [1, 1]} : vector<1000x4xf32> to vector<1000x1xf32>
    %slice3A_65 = vector.extract_strided_slice %get3A_40 {offsets = [0, 64], sizes = [1000, 32], strides = [1, 1]} : vector<1000x128xf32> to vector<1000x32xf32>
    %add3A_66 = arith.constant 9.99999971E-10 : f32
    %add3A_67 = vector.broadcast %add3A_66 : f32 to vector<1000x1xf32>
    %add3A_68 = arith.addf %slice3A_64, %add3A_67 : vector<1000x1xf32>
    %div3A_69 = vector.broadcast %add3A_68 : vector<1000x1xf32> to vector<1000x32xf32>
    %div3A_70 = arith.divf %slice3A_65, %div3A_69 : vector<1000x32xf32>
    %slice3A_71 = vector.extract_strided_slice %get3A_43 {offsets = [0, 3], sizes = [1000, 1], strides = [1, 1]} : vector<1000x4xf32> to vector<1000x1xf32>
    %slice3A_72 = vector.extract_strided_slice %get3A_40 {offsets = [0, 96], sizes = [1000, 32], strides = [1, 1]} : vector<1000x128xf32> to vector<1000x32xf32>
    %add3A_73 = arith.constant 9.99999971E-10 : f32
    %add3A_74 = vector.broadcast %add3A_73 : f32 to vector<1000x1xf32>
    %add3A_75 = arith.addf %slice3A_71, %add3A_74 : vector<1000x1xf32>
    %div3A_76 = vector.broadcast %add3A_75 : vector<1000x1xf32> to vector<1000x32xf32>
    %div3A_77 = arith.divf %slice3A_72, %div3A_76 : vector<1000x32xf32>
    %concatenate3A_78 = tpu.concatenate %div3A_56, %div3A_63, %div3A_70, %div3A_77 in 1 : vector<1000x32xf32>, vector<1000x32xf32>, vector<1000x32xf32>, vector<1000x32xf32> -> vector<1000x128xf32>
    %dot_general3A_79 = arith.constant dense<0.000000e+00> : vector<1000x128xf32>
    %dot_general3A_80 = tpu.matmul %concatenate3A_78, %get3A_49, %dot_general3A_79 {dimension_numbers = #tpu.dot_dimension_numbers<[1], [0], [0], [1], [0, 0, 1, 1], [], []>, transpose_lhs_hint = false} : vector<1000x128xf32>, vector<128x128xf32>, vector<1000x128xf32> -> vector<1000x128xf32>
    %add3A_81 = arith.addf %dot_general3A_80, %get3A_46 : vector<1000x128xf32>
    %get3A_82 = arith.constant 0 : index
    %get3A_83 = memref.load %arg11[%get3A_82] : memref<3xf32, #tpu.memory_space<smem>>
    %get3A_84 = arith.constant 1 : index
    %get3A_85 = memref.load %arg11[%get3A_84] : memref<3xf32, #tpu.memory_space<smem>>
    %get3A_86 = arith.constant 2 : index
    %get3A_87 = memref.load %arg11[%get3A_86] : memref<3xf32, #tpu.memory_space<smem>>
    %get3A_88 = arith.constant 0 : index
    %get3A_89 = arith.constant 0 : index
    %get3A_90 = vector.load %arg10[%get3A_88, %get3A_89] : memref<128x1xf32, #tpu.memory_space<vmem>>, vector<128x1xf32>
    %dot_general3A_91 = arith.constant dense<0.000000e+00> : vector<1000x1xf32>
    %dot_general3A_92 = tpu.matmul %add3A_37, %get3A_90, %dot_general3A_91 {dimension_numbers = #tpu.dot_dimension_numbers<[1], [0], [0], [1], [0, 0, 1, 1], [], []>, transpose_lhs_hint = false} : vector<1000x128xf32>, vector<128x1xf32>, vector<1000x1xf32> -> vector<1000x1xf32>
    %add3A_93 = vector.broadcast %get3A_83 : f32 to vector<1000x1xf32>
    %add3A_94 = arith.addf %dot_general3A_92, %add3A_93 : vector<1000x1xf32>
    %get3A_95 = arith.constant 0 : index
    %get3A_96 = arith.constant 0 : index
    %get3A_97 = vector.load %arg10[%get3A_95, %get3A_96] : memref<128x1xf32, #tpu.memory_space<vmem>>, vector<128x1xf32>
    %dot_general3A_98 = arith.constant dense<0.000000e+00> : vector<1000x1xf32>
    %dot_general3A_99 = tpu.matmul %add3A_81, %get3A_97, %dot_general3A_98 {dimension_numbers = #tpu.dot_dimension_numbers<[1], [0], [0], [1], [0, 0, 1, 1], [], []>, transpose_lhs_hint = false} : vector<1000x128xf32>, vector<128x1xf32>, vector<1000x1xf32> -> vector<1000x1xf32>
    %add3A_100 = vector.broadcast %get3A_83 : f32 to vector<1000x1xf32>
    %add3A_101 = arith.addf %dot_general3A_99, %add3A_100 : vector<1000x1xf32>
    %mul3A = arith.constant 5.000000e-01 : f32
    %mul3A_102 = vector.broadcast %mul3A : f32 to vector<1000x1xf32>
    %mul3A_103 = arith.mulf %mul3A_102, %add3A_94 : vector<1000x1xf32>
    %mul3A_104 = arith.constant 5.000000e-01 : f32
    %mul3A_105 = vector.broadcast %mul3A_104 : f32 to vector<1000x1xf32>
    %mul3A_106 = arith.mulf %mul3A_105, %add3A_101 : vector<1000x1xf32>
    %add3A_107 = arith.addf %mul3A_103, %mul3A_106 : vector<1000x1xf32>
    %get3A_108 = arith.constant 0 : index
    %get3A_109 = arith.constant 0 : index
    %get3A_110 = vector.load %arg9[%get3A_108, %get3A_109] : memref<1000x1xf32, #tpu.memory_space<vmem>>, vector<1000x1xf32>
    %mul3A_111 = vector.broadcast %get3A_85 : f32 to vector<1000x1xf32>
    %mul3A_112 = arith.mulf %get3A_110, %mul3A_111 : vector<1000x1xf32>
    %add3A_113 = vector.broadcast %get3A_87 : f32 to vector<1000x1xf32>
    %add3A_114 = arith.addf %mul3A_112, %add3A_113 : vector<1000x1xf32>
    %mul3A_115 = arith.mulf %add3A_114, %add3A_107 : vector<1000x1xf32>
    %max3A = arith.constant 0.000000e+00 : f32
    %max3A_116 = vector.broadcast %max3A : f32 to vector<1000x1xf32>
    %max3A_117 = arith.maximumf %mul3A_115, %max3A_116 : vector<1000x1xf32>
    %swap3A = arith.constant 0 : index
    %swap3A_118 = arith.constant 0 : index
    %swap3A_119 = vector.load %arg12[%swap3A, %swap3A_118] : memref<1000x1xf32, #tpu.memory_space<vmem>>, vector<1000x1xf32>
    tpu.vector_store %arg12[%swap3A, %swap3A_118], %max3A_117 {strides = array<i32>} : memref<1000x1xf32, #tpu.memory_space<vmem>>, vector<1000x1xf32>,
    return
  }
  func.func @transform_0(%arg0: i32) -> (i32, i32) {
    %c0_i32 = arith.constant 0 : i32
    %c0_i32_0 = arith.constant 0 : i32
    return %arg0, %c0_i32 : i32, i32
  }
  func.func @transform_1(%arg0: i32) -> (i32, i32) {
    %add3A = arith.constant 10 : i32
    %add3A_0 = arith.addi %arg0, %add3A : i32
    %c0_i32 = arith.constant 0 : i32
    %c0_i32_1 = arith.constant 0 : i32
    return %add3A_0, %c0_i32 : i32, i32
  }
  func.func @transform_2(%arg0: i32) -> (i32, i32) {
    %c0_i32 = arith.constant 0 : i32
    %c0_i32_0 = arith.constant 0 : i32
    return %arg0, %c0_i32 : i32, i32
  }
  func.func @transform_3(%arg0: i32) -> (i32, i32) {
    %c0_i32 = arith.constant 0 : i32
    %c0_i32_0 = arith.constant 0 : i32
    return %arg0, %c0_i32 : i32, i32
  }
  func.func @transform_4(%arg0: i32) -> (i32, i32) {
    %c0_i32 = arith.constant 0 : i32
    %c0_i32_0 = arith.constant 0 : i32
    return %arg0, %c0_i32 : i32, i32
  }
  func.func @transform_5(%arg0: i32) -> (i32, i32) {
    %c0_i32 = arith.constant 0 : i32
    %c0_i32_0 = arith.constant 0 : i32
    return %arg0, %c0_i32 : i32, i32
  }
  func.func @transform_6(%arg0: i32) -> (i32, i32) {
    %c0_i32 = arith.constant 0 : i32
    %c0_i32_0 = arith.constant 0 : i32
    %c0_i32_1 = arith.constant 0 : i32
    return %c0_i32, %c0_i32_0 : i32, i32
  }
  func.func @transform_7(%arg0: i32) -> (i32, i32) {
    %c0_i32 = arith.constant 0 : i32
    %c0_i32_0 = arith.constant 0 : i32
    %c0_i32_1 = arith.constant 0 : i32
    return %c0_i32, %c0_i32_0 : i32, i32
  }
  func.func @transform_8(%arg0: i32) -> (i32, i32) {
    %c0_i32 = arith.constant 0 : i32
    %c0_i32_0 = arith.constant 0 : i32
    return %arg0, %c0_i32 : i32, i32
  }
  func.func @transform_9(%arg0: i32) -> (i32, i32) {
    %c0_i32 = arith.constant 0 : i32
    %c0_i32_0 = arith.constant 0 : i32
    %c0_i32_1 = arith.constant 0 : i32
    return %c0_i32, %c0_i32_0 : i32, i32
  }
  func.func @transform_10(%arg0: i32) -> i32 {
    %c0_i32 = arith.constant 0 : i32
    %c0_i32_0 = arith.constant 0 : i32
    return %c0_i32 : i32
  }
  func.func @transform_11(%arg0: i32) -> (i32, i32) {
    %c0_i32 = arith.constant 0 : i32
    %c0_i32_0 = arith.constant 0 : i32
    return %arg0, %c0_i32 : i32, i32
  }
}

</mosaic_0001>

<sc_bundles>
// kernel: kernel.11.cloned.1.call-start
scs
__scs_entry_jumppad:
0x0: {  	(pc) =	sbr.rel $0x88, $3  }
0x1: {  	(tag) =	ssettag $0x0;
	lr =	simm.s32 $0x1  }
0x2: {  	[smem:$0x3F8D] =	sst lr;
	_ =	strace $0xD0000000  }
0x3: {  	_ = 	snop  }
0x4: {  	_ = 	snop  }
0x5: {  	_ = 	snop  }
0x6: {  	_ = 	snop  }
0x7: {  	_ = 	snop  }
__scs_overlays_trampoline_lowered:
0x8: {  	[smem:$0x3F9C] =	sst s0  }
0x9: {  	[smem:$0x3F9D] =	sst s1  }
0xa: {  	[smem:$0x3F9E] =	sst s2  }
0xb: {  	[smem:$0x3F9F] =	sst s3  }
0xc: {  	[smem:$0x3FA0] =	sst s4  }
0xd: {  	[smem:$0x3FA1] =	sst s5  }
0xe: {  	[smem:$0x3FA2] =	sst s6  }
0xf: {  	[smem:$0x3FA3] =	sst s7  }
0x10: {  	[smem:$0x3FA4] =	sst s8  }
0x11: {  	[smem:$0x3FA5] =	sst s9;
	s0 =	simm.s32 @!p0 $0x0  }
0x12: {  	s1 =	sld [smem:$0x3F8B];
	s0 =	simm.s32 @p0 $0x1  }
0x13: {  	[smem:$0x3FA6] =	sst s0;
	s0 =	simm.s32 @!p1 $0x0  }
0x14: {  	s2 =	sld [smem:$0x3F8A];
	s0 =	simm.s32 @p1 $0x1  }
0x15: {  	[smem:$0x3FA7] =	sst s0;
	s0 =	simm.s32 @!p2 $0x0  }
0x16: {  	s3 =	sld [smem:$0x3FDB];
	s0 =	simm.s32 @p2 $0x1  }
0x17: {  	s4 =	simm.s32 $0x1BF5;
	[smem:$0x3FA9] =	sst s0  }
0x18: {  	s0 =	sld [smem:$0x3F8C];
	_ =	swait.ge [sflag:s4], $0x0  }
0x19: {  	s7 =	sld [smem:$0x3F8D]  }
0x1a: {  	s8 =	sadd.s32 $0xFFFFE003, lr  }
0x1b: {  	s9 =	sadd.s32 $0xFFFFFEF7, lr;
	s5 =	simm.s32 $0xFFFFFFFF;
	p2 =	slt.u32 s8, $0xFFFFF086  }
0x1c: {  	p1 =	slt.u32 s9, $0xF7A;
	s5 =	simm.s32 @!p2 $0x0  }
0x1d: {  	s5 =	simm.s32 @p1 $0x1;
	p0 =	seq.s32 s7, s2  }
0x1e: {  	s7 =	smul.u32 @!p0 $0xF7A, s2;
	p2 =	seq.s32 @!p0 s5, $0x0  }
0x1f: {  	s9 =	smul.u32 $0xF7A, s1;
	s8 =	simm.s32 @!p0 $0x1BF5;
	p2 =	por !p2, p0  }
0x20: {  	[sflag:s8] =	ssyncset.s32 @!p0 $0xFFFFF086;
	s6 =	sadd.s32 @!p0 s3, s7;
	s7 =	simm.s32 @!p0 $0x108  }
0x21: {  	s3 =	sadd.s32 s3, s9;
	s6 =	sadd.s32 @!p0 $0x88, s6;
	s7 =	simm.s32 @p2 $0x1082  }
0x22: {  	[simem:s7], [sflag:s8] =	dma.local @!p0 [hbm:s6], $0xF7A  }
0x23: {  	s9 =	sor.u32 $0xD0000000, s2;
	s6 =	simm.s32 $0x108;
	_ =	swait.ge @!p0 [sflag:s8], $0x0  }
0x24: {  	s3 =	sadd.s32 $0x88, s3;
	s6 =	simm.s32 @!p1 $0x1082;
	[sflag:s4] =	ssyncset.s32 $0xFFFFF086  }
0x25: {  	[simem:s6], [sflag:s4] =	dma.local [hbm:s3], $0xF7A  }
0x26: {  	[smem:$0x3F8D] =	sst s1;
	(tag) =	ssettag s2;
	_ =	strace s9  }
0x27: {  	s1 =	sld [smem:$0x3F9D]  }
0x28: {  	s2 =	sld [smem:$0x3F9E]  }
0x29: {  	s4 =	sld [smem:$0x3FA0]  }
0x2a: {  	p0 =	seq.s32 s5, $0x0;
	s5 =	sld [smem:$0x3FA1]  }
0x2b: {  	s6 =	sld [smem:$0x3FA2]  }
0x2c: {  	s7 =	sld [smem:$0x3FA3]  }
0x2d: {  	s3 =	simm.s32 $0x108;
	s8 =	sld [smem:$0x3FA4]  }
0x2e: {  	s3 =	simm.s32 @!p0 $0x1082;
	s9 =	sld [smem:$0x3FA5]  }
0x2f: {  	lr =	sadd.s32 s0, s3;
	s0 =	sld [smem:$0x3F9C]  }
0x30: {  	s3 =	sld [smem:$0x3F9F]  }
0x31: {  	[smem:$0x3FA8] =	sst s10  }
0x32: {  	s10 =	sld [smem:$0x3FA6];
	_ =	sdelay $0x3  }
0x33: {  	p0 =	seq.s32 s10, $0x1;
	s10 =	sld [smem:$0x3FA8];
	_ =	sdelay $0x3  }
0x34: {  	[smem:$0x3FA8] =	sst s10  }
0x35: {  	s10 =	sld [smem:$0x3FA7];
	_ =	sdelay $0x3  }
0x36: {  	p1 =	seq.s32 s10, $0x1;
	s10 =	sld [smem:$0x3FA8];
	_ =	sdelay $0x3  }
0x37: {  	[smem:$0x3FA8] =	sst s10  }
0x38: {  	s10 =	sld [smem:$0x3FA9]  }
0x39: {  	_ = 	snop;
	(pc) =	sbr.ind lr, $3  }
0x3a: {  	_ = 	snop  }
0x3b: {  	_ = 	snop  }
0x3c: {  	p2 =	seq.s32 s10, $0x1;
	s10 =	sld [smem:$0x3FA8]  }
0x3d: {  	_ =	shalt  }
0x3e: {  	_ =	shalt  }
0x3f: {  	_ =	shalt  }
0x40: {  	_ =	shalt  }
0x41: {  	_ =	shalt  }
0x42: {  	_ =	shalt  }
0x43: {  	_ =	shalt  }
0x44: {  	_ =	shalt  }
0x45: {  	_ =	shalt  }
0x46: {  	_ =	shalt  }
0x47: {  	_ =	shalt  }
0x48: {  	_ =	shalt  }
0x49: {  	_ =	shalt  }
0x4a: {  	_ =	shalt  }
0x4b: {  	_ =	shalt  }
0x4c: {  	_ =	shalt  }
0x4d: {  	_ =	shalt  }
0x4e: {  	_ =	shalt  }
0x4f: {  	_ =	shalt  }
0x50: {  	_ =	shalt  }
0x51: {  	_ =	shalt  }
0x52: {  	_ =	shalt  }
0x53: {  	_ =	shalt  }
0x54: {  	_ =	shalt  }
0x55: {  	_ =	shalt  }
0x56: {  	_ =	shalt  }
0x57: {  	_ =	shalt  }
0x58: {  	_ =	shalt  }
0x59: {  	_ =	shalt  }
0x5a: {  	_ =	shalt  }
0x5b: {  	_ =	shalt  }
0x5c: {  	_ =	shalt  }
0x5d: {  	_ =	shalt  }
0x5e: {  	_ =	shalt  }
0x5f: {  	_ =	shalt  }
0x60: {  	_ =	shalt  }
0x61: {  	_ =	shalt  }
0x62: {  	_ =	shalt  }
0x63: {  	_ =	shalt  }
0x64: {  	_ =	shalt  }
0x65: {  	_ =	shalt  }
0x66: {  	_ =	shalt  }
0x67: {  	_ =	shalt  }
0x68: {  	_ =	shalt  }
0x69: {  	_ =	shalt  }
0x6a: {  	_ =	shalt  }
0x6b: {  	_ =	shalt  }
0x6c: {  	_ =	shalt  }
0x6d: {  	_ =	shalt  }
0x6e: {  	_ =	shalt  }
0x6f: {  	_ =	shalt  }
0x70: {  	_ =	shalt  }
0x71: {  	_ =	shalt  }
0x72: {  	_ =	shalt  }
0x73: {  	_ =	shalt  }
0x74: {  	_ =	shalt  }
0x75: {  	_ =	shalt  }
0x76: {  	_ =	shalt  }
0x77: {  	_ =	shalt  }
0x78: {  	_ =	shalt  }
0x79: {  	_ =	shalt  }
0x7a: {  	_ =	shalt  }
0x7b: {  	_ =	shalt  }
0x7c: {  	_ =	shalt  }
0x7d: {  	_ =	shalt  }
0x7e: {  	_ =	shalt  }
0x7f: {  	_ =	shalt  }
0x80: {  	_ =	shalt  }
0x81: {  	_ =	shalt  }
0x82: {  	_ =	shalt  }
0x83: {  	_ =	shalt  }
0x84: {  	_ =	shalt  }
0x85: {  	_ =	shalt  }
0x86: {  	_ =	shalt  }
0x87: {  	_ =	shalt  }
.Lfunc_end0:
.L_simem_size_0:
called_computation_lowered:
.L_overlay_start_0:
0x88: {  	s2 =	sld [smem:$0x3FD9]  }
0x89: {  	s3 =	sld [smem:$0x3FFE];
	_ =	sdelay $0x1  }
0x8a: {  	s1 =	srdreg.scid  }
0x8b: {  	s0 =	sand.u32 $0x1, s1  }
0x8c: {  	s16 =	sshll.u32 s0, $0xA;
	s2 =	sadd.s32 s3, s2  }
0x8d: {  	s2 =	sadd.s32 s2, s16  }
0x8e: {  	[smem:$0x3FB4] =	sst s2  }
0x8f: {  	_ = 	snop  }
0x90: {  	(tm) =	ssettm $0x1  }
0x91: {  	s17 =	sld [smem:$0x3FFB];
	_ =	sdelay $0x3  }
0x92: {  	_ =	strace s17  }
0x93: {  	s2 =	sld [smem:$0x3FFC];
	_ =	sdelay $0x3  }
0x94: {  	_ =	strace s2  }
0x95: {  	s2 =	sld [smem:$0x3FFD];
	_ =	sdelay $0x3  }
0x96: {  	_ =	strace s2  }
0x97: {  	_ =	strace $0x8FFFFFFF  }
0x98: {  	s18 =	sld [smem:$0x3FDB];
	_ =	sdelay $0x1  }
0x99: {  	s19 =	simm.s32 $_scs_section_size  }
0x9a: {  	s4 =	simm.s32 $_size__tile_overlayer_lowered;
	s5 =	simm.s32 $_tile_overlayer_lowered  }
0x9b: {  	s22 =	simm.s32 $0x1BFF;
	s21 =	sshll.u32 s5, $0x1;
	s2 =	sadd.s32 s19, s18  }
0x9c: {  	s6 =	simm.s32 $0x0;
	s20 =	sshll.u32 s4, $0x1;
	s4 =	sadd.s32 s21, s2  }
0x9d: {  	[timem:s6], [sflag:s22] =	dma.local [hbm:s4], s20  }
0x9e: {  	_ =	swait.ge [sflag:s22], s20  }
0x9f: {  	s3 =	ssub.s32 $0x0, s20;
	[sflag:s22] =	ssyncset.done $0x0  }
0xa0: {  	[sflag:s22] =	ssyncadd.s32 s3;
	_ =	sdelay $0x1  }
0xa1: {  	s23 =	simm.s32 $0x1B8B  }
0xa2: {  	_ =	swait.ge [sflag:s23], $0x1  }
0xa3: {  	[sflag:s23] =	ssyncset.done $0x0  }
0xa4: {  	s25 =	simm.s32 $0x1B8E;
	s24 =	sld [smem:$0x3FFE];
	[sflag:s23] =	ssyncadd.s32 $0xFFFFFFFF  }
0xa5: {  	s26 =	simm.s32 $execute0_lowered;
	[smem:$0x3FD2] =	sst s25  }
0xa6: {  	s4 =	sshll.u32 s26, $0x1;
	_ =	strace $0x80000046;
	[dreg:$0x1] =	wrdreg $0xFFFFFFFF  }
0xa7: {  	s28 =	simm.s32 $_size_execute0_lowered;
	s2 =	sadd.s32 s2, s4;
	[dreg:$0x0] =	wrdreg $0x0  }
0xa8: {  	s4 =	sshll.u32 s28, $0x1;
	[dreg:$0x2] =	wrdreg s2  }
0xa9: {  	[dreg:$0x3] =	wrdreg s4  }
0xaa: {  	[dreg:$0x4] =	wrdreg $0xC0  }
0xab: {  	_ =	task [dreg:s6], $0x5FFFF  }
0xac: {  	[dreg:$0x1] =	wrdreg $0xFFFFFFFF  }
0xad: {  	[dreg:$0x0] =	wrdreg $0x60  }
0xae: {  	[dreg:$0x2] =	wrdreg s24  }
0xaf: {  	[dreg:$0x3] =	wrdreg $0x9  }
0xb0: {  	_ =	task.clear_ibuf [dreg:s6], $0x4FFFF;
	_ =	strace $0x90000046  }
0xb1: {  	s29 =	simm.s32 $0x9;
	_ =	strace $0x80000048  }
0xb2: {  	_ =	swait.ge [sflag:s29], $0x1  }
0xb3: {  	[sflag:s29] =	ssyncadd.s32 $0xFFFFFFFF  }
0xb4: {  	_ =	strace $0x90000048  }
0xb5: {  	_ =	sfence  }
0xb6: {  	s30 =	sld [smem:$0x0];
	_ =	sdelay $0x2  }
0xb7: {  	s31 =	sshll.u32 s1, $0xD;
	s1 =	sshrl.u32 s1, $0x2  }
0xb8: {  	s3 =	sand.u32 $0x4000, s31;
	s1 =	sadd.s32 s1, s30  }
0xb9: {  	s0 =	sor.u32 s3, s0;
	s1 =	sshll.u32 s1, $0x11  }
0xba: {  	s0 =	sor.u32 s1, s0  }
0xbb: {  	s0 =	sadd.s32 $0x8F2B, s0  }
0xbc: {  	[sflag:s0] =	ssyncadd.remote.s32 $0x1  }
0xbd: {  	_ =	sfence.sel $0xFFFF  }
0xbe: {  	[dreg:$0x0] =	wrdreg $0xFFFFFFFF;
	(pc) =	sbr.abs _section_cstart, $3  }
0xbf: {  	[dreg:$0x1] =	wrdreg $0xFFFFFFFF  }
0xc0: {  	_ =	task.clear_ibuf [dreg:s6], $0x2FFFF;
	_ =	strace $0x9FFFFFFF  }
0xc1: {  	(tm) =	ssettm $0x7FFFFFFF  }
tec
execute0_lowered:
.L_overlay_start_1:
0x0: {  	(tag) =	ssettag $0x1  }
0x1: {  	s1 =	srdreg.scid;
	s0 =	stileid.u32  }
0x2: {  	s6 =	rddreg [dreg:$0x0];
	s2 =	simm.s32 $0x0;
	s13 =	simm.s32 $0x4F00  }
0x3: {  	s14 =	simm.s32 $0x7700;
	s15 =	simm.s32 $0x7F00;
	s16 =	simm.s32 $0x8700  }
0x4: {  	s17 =	simm.s32 $0x8F00;
	s18 =	simm.s32 $0x9700;
	s19 =	simm.s32 $0x9F00  }
0x5: {  	s20 =	simm.s32 $0xA700;
	s21 =	simm.s32 $0xAF00;
	s22 =	simm.s32 $0xB700  }
0x6: {  	s23 =	simm.s32 $0xBF00;
	s24 =	simm.s32 $0x1;
	s8 =	smul.u32 $0x4E200, s0  }
0x7: {  	s25 =	simm.s32 $0x0;
	s5 =	sand.u32 $0x1, s1;
	s9 =	smul.u32 $0x9C400, s0  }
0x8: {  	s30 =	sshll.u32 s0, $0x1;
	[smem:$0x7FF] =	sst s2;
	s11 =	smul.u32 $0x27100, s5  }
0x9: {  	s4 =	sadd.s32 $0x1EE00, s6;
	s1 =	sor.u32 s5, s30;
	s12 =	smul.u32 $0x4E200, s5  }
0xa: {  	s10 =	ssub.s32 $0x2, s5;
	s3 =	smul.u32 $0x2710, s1;
	s1 =	rddreg [dreg:$0x1]  }
0xb: {  	_ =	strace $0x80000047;
	s8 =	sadd.s32 s8, s6;
	s31 =	sshrl.u32 s10, $0x1  }
0xc: {  	s9 =	sadd.s32 s9, s6;
	s10 =	ssub.s32 s10, s31;
	s8 =	sadd.s32 s11, s8  }
0xd: {  	s9 =	sadd.s32 s12, s9;
	s11 =	simm.s32 $0x2780;
	s3 =	sshrl.u32 s3, $0x3  }
0xe: {  	v2 =	vlaneseq.u32;
	s12 =	simm.s32 $0x50;
	s8 =	sadd.s32 $0x94200, s8;
	s7 =	sadd.s32 s3, s6  }
0xf: {  	vm0 =	vmmov $0xffff;
	v1 =	vshrl.u32 v2, $0x3;
	s9 =	sadd.s32 $0x576200, s9;
	s3 =	sadd.s32 $0x6D000, s6;
	s5 =	sadd.s32 $0x11E00, s7  }
0x10: {  	v0 =	vand.u32 $0x7, v2;
	v2 =	vor.u32 $0x8, v2;
	v1 =	vmul.u32 $0x8, v1;
	s6 =	sadd.s32 $0x8000, s7;
	s7 =	smax.u32 s10, $0x1;
	s10 =	simm.s32 $0x2  }
.LBB2_1:
0x11: {  	[tilespmem:s2], [sflag:$0x2] =	stream.linear.gather [hbm4b:s5+s2], $0x2710, $0x38;
	[tilespmem:$0xC700] =	vst v63  }
0x12: {  	_ =	swait.ge [sflag:s10], $0x2710  }
0x13: {  	[sflag:s10] =	ssyncset.done $0x0  }
0x14: {  	[sflag:s10] =	ssyncadd.s32 $0xFFFFD8F0  }
0x15: {  	[tilespmem:s11], [sflag:$0x2] =	stream.linear.gather [hbm4b:s6+s2], $0x2710, $0x38;
	[tilespmem:$0xC700] =	vst v63  }
0x16: {  	_ =	swait.ge [sflag:s10], $0x2710  }
0x17: {  	s26 =	smov.u32 s9;
	[sflag:s10] =	ssyncset.done $0x0  }
0x18: {  	s28 =	smov.u32 s8;
	s29 =	simm.s32 $0x0;
	[sflag:s10] =	ssyncadd.s32 $0xFFFFD8F0  }
.LBB2_2:
0x19: {  	s30 =	sshra.s32 s29, $0x2  }
0x1a: {  	[tilespmem:s13], [sflag:$0x1] =	stream.indirect.gather [hbm4b:s3+s12], $0x80, s30, s12, $0xb8;
	[tilespmem:$0xC700] =	vst v63  }
0x1b: {  	v3 =	vld [tilespmem:s30+$0x2780];
	_ =	sdelay $0x4  }
0x1c: {  	v4 =	vshll.u32 v3, $0x1  }
0x1d: {  	v3 =	vand.u32 $0x7, v3;
	v4 =	vand.u32 $0xFFFFFFF0, v4  }
0x1e: {  	v3 =	vor.u32 v3, v4  }
0x1f: {  	v4 =	vperm.xlane v3, v0;
	_ =	sdelay $0x1  }
0x20: {  	v3 =	vperm.xlane v3, v2;
	v4 =	vadd.s32 v1, v4;
	_ =	sdelay $0x1  }
0x21: {  	v3 =	vadd.s32 v1, v3;
	_ =	sdelay $0x2  }
0x22: {  	[tilespmem:s14], [sflag:$0x1] =	stream.indirect_vreg.gather [hbm4b:s4+s2], $0x80, v4, vm0, $0xb8;
	[tilespmem:$0xC700] =	vst v63  }
0x23: {  	_ = 	snop  }
0x24: {  	[tilespmem:s15], [sflag:$0x1] =	stream.indirect_vreg.gather [hbm4b:s4+s2], $0x80, v3, vm0, $0xb8;
	[tilespmem:$0xC700] =	vst v63  }
0x25: {  	v3 =	vld [tilespmem:s30+$0x2790];
	_ =	sdelay $0x4  }
0x26: {  	v60 =	vshll.u32 v3, $0x1  }
0x27: {  	v3 =	vand.u32 $0x7, v3;
	v4 =	vand.u32 $0xFFFFFFF0, v60  }
0x28: {  	v3 =	vor.u32 v3, v4  }
0x29: {  	v4 =	vperm.xlane v3, v0;
	_ =	sdelay $0x1  }
0x2a: {  	v3 =	vperm.xlane v3, v2;
	v4 =	vadd.s32 v1, v4;
	_ =	sdelay $0x1  }
0x2b: {  	v3 =	vadd.s32 v1, v3;
	_ =	sdelay $0x2  }
0x2c: {  	[tilespmem:s16], [sflag:$0x1] =	stream.indirect_vreg.gather [hbm4b:s4+s2], $0x80, v4, vm0, $0xb8;
	[tilespmem:$0xC700] =	vst v63  }
0x2d: {  	_ = 	snop  }
0x2e: {  	[tilespmem:s17], [sflag:$0x1] =	stream.indirect_vreg.gather [hbm4b:s4+s2], $0x80, v3, vm0, $0xb8;
	[tilespmem:$0xC700] =	vst v63  }
0x2f: {  	v3 =	vld [tilespmem:s30+$0x27A0];
	_ =	sdelay $0x4  }
0x30: {  	v61 =	vshll.u32 v3, $0x1  }
0x31: {  	v3 =	vand.u32 $0x7, v3;
	v4 =	vand.u32 $0xFFFFFFF0, v61  }
0x32: {  	v3 =	vor.u32 v3, v4  }
0x33: {  	v4 =	vperm.xlane v3, v0;
	_ =	sdelay $0x1  }
0x34: {  	v3 =	vperm.xlane v3, v2;
	v4 =	vadd.s32 v1, v4;
	_ =	sdelay $0x1  }
0x35: {  	v3 =	vadd.s32 v1, v3;
	_ =	sdelay $0x2  }
0x36: {  	[tilespmem:s18], [sflag:$0x1] =	stream.indirect_vreg.gather [hbm4b:s4+s2], $0x80, v4, vm0, $0xb8;
	[tilespmem:$0xC700] =	vst v63  }
0x37: {  	_ = 	snop  }
0x38: {  	[tilespmem:s19], [sflag:$0x1] =	stream.indirect_vreg.gather [hbm4b:s4+s2], $0x80, v3, vm0, $0xb8;
	[tilespmem:$0xC700] =	vst v63  }
0x39: {  	v3 =	vld [tilespmem:s30+$0x27B0];
	_ =	sdelay $0x4  }
0x3a: {  	v62 =	vshll.u32 v3, $0x1  }
0x3b: {  	v3 =	vand.u32 $0x7, v3;
	v4 =	vand.u32 $0xFFFFFFF0, v62  }
0x3c: {  	v3 =	vor.u32 v3, v4  }
0x3d: {  	v4 =	vperm.xlane v3, v0;
	_ =	sdelay $0x1  }
0x3e: {  	v3 =	vperm.xlane v3, v2;
	v4 =	vadd.s32 v1, v4;
	_ =	sdelay $0x1  }
0x3f: {  	v3 =	vadd.s32 v1, v3;
	_ =	sdelay $0x2  }
0x40: {  	[tilespmem:s20], [sflag:$0x1] =	stream.indirect_vreg.gather [hbm4b:s4+s2], $0x80, v4, vm0, $0xb8;
	[tilespmem:$0xC700] =	vst v63  }
0x41: {  	_ = 	snop  }
0x42: {  	[tilespmem:s21], [sflag:$0x1] =	stream.indirect_vreg.gather [hbm4b:s4+s2], $0x80, v3, vm0, $0xb8;
	[tilespmem:$0xC700] =	vst v63  }
0x43: {  	v3 =	vld [tilespmem:s30+$0x27C0];
	_ =	sdelay $0x4  }
0x44: {  	v63 =	vshll.u32 v3, $0x1  }
0x45: {  	v3 =	vand.u32 $0x7, v3;
	v4 =	vand.u32 $0xFFFFFFF0, v63  }
0x46: {  	v3 =	vor.u32 v3, v4  }
0x47: {  	v4 =	vperm.xlane v3, v0;
	_ =	sdelay $0x1  }
0x48: {  	v3 =	vperm.xlane v3, v2;
	v4 =	vadd.s32 v1, v4;
	_ =	sdelay $0x1  }
0x49: {  	v3 =	vadd.s32 v1, v3;
	_ =	sdelay $0x2  }
0x4a: {  	[tilespmem:s22], [sflag:$0x1] =	stream.indirect_vreg.gather [hbm4b:s4+s2], $0x80, v4, vm0, $0xb8;
	[tilespmem:$0xC700] =	vst v63  }
0x4b: {  	_ = 	snop  }
0x4c: {  	[tilespmem:s23], [sflag:$0x1] =	stream.indirect_vreg.gather [hbm4b:s4+s2], $0x80, v3, vm0, $0xb8;
	[tilespmem:$0xC700] =	vst v63  }
0x4d: {  	_ =	swait.ge [sflag:s24], $0x2800  }
0x4e: {  	[sflag:s24] =	ssyncset.done $0x0  }
0x4f: {  	[sflag:s24] =	ssyncadd.s32 $0xFFFFD800  }
0x50: {  	_ =	swait.ge [sflag:s24], $0x5000  }
0x51: {  	[sflag:s24] =	ssyncset.done $0x0  }
0x52: {  	[sflag:s24] =	ssyncadd.s32 $0xFFFFB000  }
0x53: {  	[hbm4b:s28+s2] =	stream.linear.scatter [tilespmem:s13], [sflag:$0x2], $0x2800, $0x38;
	[tilespmem:$0xC700] =	vst v63  }
0x54: {  	_ =	swait.ge [sflag:s10], $0x2800  }
0x55: {  	p0 =	sne.s32 s29, $0x9B00;
	[sflag:s10] =	ssyncset.done $0x0  }
.Ltmp0:
0x56: {  	[sflag:s10] =	ssyncadd.s32 $0xFFFFD800;
	(pc) =	sbr.rel @p0 .LBB2_2-.Ltmp0, $4  }
0x57: {  	[hbm4b:s26+s2] =	stream.linear.scatter [tilespmem:s14], [sflag:$0x2], $0x5000, $0x38;
	[tilespmem:$0xC700] =	vst v63  }
0x58: {  	_ =	swait.ge [sflag:s10], $0x5000  }
0x59: {  	s29 =	sadd.s32 $0x140, s29;
	[sflag:s10] =	ssyncset.done $0x0  }
0x5a: {  	s28 =	sadd.s32 $0x500, s28;
	s26 =	sadd.s32 $0xA00, s26;
	[sflag:s10] =	ssyncadd.s32 $0xFFFFB000  }
0x5b: {  	s25 =	sadd.s32 $0x1, s25  }
0x5c: {  	p0 =	sne.s32 s25, s7  }
.Ltmp1:
0x5d: {  	_ = 	snop;
	(pc) =	sbr.rel @p0 .LBB2_1-.Ltmp1, $1  }
0x5e: {  	_ =	sdelay $0x3  }
0x5f: {  	_ =	sfence.sel $0x180000  }
0x60: {  	[bflag:$0x0] =	sbarrier.arrive $0xFFFF  }
0x61: {  	p0 =	sne.s32 s0, $0x0;
	_ =	strace $0x90000047  }
0x62: {  	s0 =	sadd.s32 @!p0 $0x100000, s1;
	[bflag:$0x2] =	sbarrier.arrive $0xFFFF  }
0x63: {  	[sflag:s0] =	ssyncadd.tile.s32 @!p0 $0x1;
	_ =	shalt  }
.Lfunc_end2:
_tile_overlayer_lowered:
.L_overlay_start_2:
0x64: {  	(tag) =	ssettag $0x2  }
0x65: {  	s0 =	rddreg [dreg:$0x0];
	s2 =	stileid.u32  }
0x66: {  	s1 =	rddreg [dreg:$0x1];
	p0 =	sne.s32 s2, $0x0  }
0x67: {  	s3 =	rddreg [dreg:$0x2];
	[bflag:$0x3] =	sbarrier.arrive $0xFFFF;
	s2 =	simm.s32 @!p0 $0x1C02  }
0x68: {  	[timem:s3], [sflag:s2] =	dma.local @!p0 [hbm:s0], s1  }
0x69: {  	s0 =	simm.s32 @!p0 $0x2  }
0x6a: {  	_ =	swait.ge @!p0 [sflag:s0], s1  }
0x6b: {  	s1 =	ssub.s32 @!p0 $0x0, s1;
	[sflag:s0] =	ssyncset.done @!p0 $0x0  }
0x6c: {  	[sflag:s0] =	ssyncadd.s32 @!p0 s1  }
0x6d: {  	[bflag:$0x3] =	sbarrier.arrive $0xFFFF  }
0x6e: {  	_ =	shalt  }

// kernel: kernel.14.cloned.1.call-start
scs
__scs_entry_jumppad:
0x0: {  	(pc) =	sbr.rel $0x88, $3  }
0x1: {  	(tag) =	ssettag $0x0;
	lr =	simm.s32 $0x1  }
0x2: {  	[smem:$0x3F8D] =	sst lr;
	_ =	strace $0xD0000000  }
0x3: {  	_ = 	snop  }
0x4: {  	_ = 	snop  }
0x5: {  	_ = 	snop  }
0x6: {  	_ = 	snop  }
0x7: {  	_ = 	snop  }
__scs_overlays_trampoline_lowered:
0x8: {  	[smem:$0x3F9C] =	sst s0  }
0x9: {  	[smem:$0x3F9D] =	sst s1  }
0xa: {  	[smem:$0x3F9E] =	sst s2  }
0xb: {  	[smem:$0x3F9F] =	sst s3  }
0xc: {  	[smem:$0x3FA0] =	sst s4  }
0xd: {  	[smem:$0x3FA1] =	sst s5  }
0xe: {  	[smem:$0x3FA2] =	sst s6  }
0xf: {  	[smem:$0x3FA3] =	sst s7  }
0x10: {  	[smem:$0x3FA4] =	sst s8  }
0x11: {  	[smem:$0x3FA5] =	sst s9;
	s0 =	simm.s32 @!p0 $0x0  }
0x12: {  	s1 =	sld [smem:$0x3F8B];
	s0 =	simm.s32 @p0 $0x1  }
0x13: {  	[smem:$0x3FA6] =	sst s0;
	s0 =	simm.s32 @!p1 $0x0  }
0x14: {  	s2 =	sld [smem:$0x3F8A];
	s0 =	simm.s32 @p1 $0x1  }
0x15: {  	[smem:$0x3FA7] =	sst s0;
	s0 =	simm.s32 @!p2 $0x0  }
0x16: {  	s3 =	sld [smem:$0x3FDB];
	s0 =	simm.s32 @p2 $0x1  }
0x17: {  	s4 =	simm.s32 $0x1BF5;
	[smem:$0x3FA9] =	sst s0  }
0x18: {  	s0 =	sld [smem:$0x3F8C];
	_ =	swait.ge [sflag:s4], $0x0  }
0x19: {  	s7 =	sld [smem:$0x3F8D]  }
0x1a: {  	s8 =	sadd.s32 $0xFFFFE003, lr  }
0x1b: {  	s9 =	sadd.s32 $0xFFFFFEF7, lr;
	s5 =	simm.s32 $0xFFFFFFFF;
	p2 =	slt.u32 s8, $0xFFFFF086  }
0x1c: {  	p1 =	slt.u32 s9, $0xF7A;
	s5 =	simm.s32 @!p2 $0x0  }
0x1d: {  	s5 =	simm.s32 @p1 $0x1;
	p0 =	seq.s32 s7, s2  }
0x1e: {  	s7 =	smul.u32 @!p0 $0xF7A, s2;
	p2 =	seq.s32 @!p0 s5, $0x0  }
0x1f: {  	s9 =	smul.u32 $0xF7A, s1;
	s8 =	simm.s32 @!p0 $0x1BF5;
	p2 =	por !p2, p0  }
0x20: {  	[sflag:s8] =	ssyncset.s32 @!p0 $0xFFFFF086;
	s6 =	sadd.s32 @!p0 s3, s7;
	s7 =	simm.s32 @!p0 $0x108  }
0x21: {  	s3 =	sadd.s32 s3, s9;
	s6 =	sadd.s32 @!p0 $0x88, s6;
	s7 =	simm.s32 @p2 $0x1082  }
0x22: {  	[simem:s7], [sflag:s8] =	dma.local @!p0 [hbm:s6], $0xF7A  }
0x23: {  	s9 =	sor.u32 $0xD0000000, s2;
	s6 =	simm.s32 $0x108;
	_ =	swait.ge @!p0 [sflag:s8], $0x0  }
0x24: {  	s3 =	sadd.s32 $0x88, s3;
	s6 =	simm.s32 @!p1 $0x1082;
	[sflag:s4] =	ssyncset.s32 $0xFFFFF086  }
0x25: {  	[simem:s6], [sflag:s4] =	dma.local [hbm:s3], $0xF7A  }
0x26: {  	[smem:$0x3F8D] =	sst s1;
	(tag) =	ssettag s2;
	_ =	strace s9  }
0x27: {  	s1 =	sld [smem:$0x3F9D]  }
0x28: {  	s2 =	sld [smem:$0x3F9E]  }
0x29: {  	s4 =	sld [smem:$0x3FA0]  }
0x2a: {  	p0 =	seq.s32 s5, $0x0;
	s5 =	sld [smem:$0x3FA1]  }
0x2b: {  	s6 =	sld [smem:$0x3FA2]  }
0x2c: {  	s7 =	sld [smem:$0x3FA3]  }
0x2d: {  	s3 =	simm.s32 $0x108;
	s8 =	sld [smem:$0x3FA4]  }
0x2e: {  	s3 =	simm.s32 @!p0 $0x1082;
	s9 =	sld [smem:$0x3FA5]  }
0x2f: {  	lr =	sadd.s32 s0, s3;
	s0 =	sld [smem:$0x3F9C]  }
0x30: {  	s3 =	sld [smem:$0x3F9F]  }
0x31: {  	[smem:$0x3FA8] =	sst s10  }
0x32: {  	s10 =	sld [smem:$0x3FA6];
	_ =	sdelay $0x3  }
0x33: {  	p0 =	seq.s32 s10, $0x1;
	s10 =	sld [smem:$0x3FA8];
	_ =	sdelay $0x3  }
0x34: {  	[smem:$0x3FA8] =	sst s10  }
0x35: {  	s10 =	sld [smem:$0x3FA7];
	_ =	sdelay $0x3  }
0x36: {  	p1 =	seq.s32 s10, $0x1;
	s10 =	sld [smem:$0x3FA8];
	_ =	sdelay $0x3  }
0x37: {  	[smem:$0x3FA8] =	sst s10  }
0x38: {  	s10 =	sld [smem:$0x3FA9]  }
0x39: {  	_ = 	snop;
	(pc) =	sbr.ind lr, $3  }
0x3a: {  	_ = 	snop  }
0x3b: {  	_ = 	snop  }
0x3c: {  	p2 =	seq.s32 s10, $0x1;
	s10 =	sld [smem:$0x3FA8]  }
0x3d: {  	_ =	shalt  }
0x3e: {  	_ =	shalt  }
0x3f: {  	_ =	shalt  }
0x40: {  	_ =	shalt  }
0x41: {  	_ =	shalt  }
0x42: {  	_ =	shalt  }
0x43: {  	_ =	shalt  }
0x44: {  	_ =	shalt  }
0x45: {  	_ =	shalt  }
0x46: {  	_ =	shalt  }
0x47: {  	_ =	shalt  }
0x48: {  	_ =	shalt  }
0x49: {  	_ =	shalt  }
0x4a: {  	_ =	shalt  }
0x4b: {  	_ =	shalt  }
0x4c: {  	_ =	shalt  }
0x4d: {  	_ =	shalt  }
0x4e: {  	_ =	shalt  }
0x4f: {  	_ =	shalt  }
0x50: {  	_ =	shalt  }
0x51: {  	_ =	shalt  }
0x52: {  	_ =	shalt  }
0x53: {  	_ =	shalt  }
0x54: {  	_ =	shalt  }
0x55: {  	_ =	shalt  }
0x56: {  	_ =	shalt  }
0x57: {  	_ =	shalt  }
0x58: {  	_ =	shalt  }
0x59: {  	_ =	shalt  }
0x5a: {  	_ =	shalt  }
0x5b: {  	_ =	shalt  }
0x5c: {  	_ =	shalt  }
0x5d: {  	_ =	shalt  }
0x5e: {  	_ =	shalt  }
0x5f: {  	_ =	shalt  }
0x60: {  	_ =	shalt  }
0x61: {  	_ =	shalt  }
0x62: {  	_ =	shalt  }
0x63: {  	_ =	shalt  }
0x64: {  	_ =	shalt  }
0x65: {  	_ =	shalt  }
0x66: {  	_ =	shalt  }
0x67: {  	_ =	shalt  }
0x68: {  	_ =	shalt  }
0x69: {  	_ =	shalt  }
0x6a: {  	_ =	shalt  }
0x6b: {  	_ =	shalt  }
0x6c: {  	_ =	shalt  }
0x6d: {  	_ =	shalt  }
0x6e: {  	_ =	shalt  }
0x6f: {  	_ =	shalt  }
0x70: {  	_ =	shalt  }
0x71: {  	_ =	shalt  }
0x72: {  	_ =	shalt  }
0x73: {  	_ =	shalt  }
0x74: {  	_ =	shalt  }
0x75: {  	_ =	shalt  }
0x76: {  	_ =	shalt  }
0x77: {  	_ =	shalt  }
0x78: {  	_ =	shalt  }
0x79: {  	_ =	shalt  }
0x7a: {  	_ =	shalt  }
0x7b: {  	_ =	shalt  }
0x7c: {  	_ =	shalt  }
0x7d: {  	_ =	shalt  }
0x7e: {  	_ =	shalt  }
0x7f: {  	_ =	shalt  }
0x80: {  	_ =	shalt  }
0x81: {  	_ =	shalt  }
0x82: {  	_ =	shalt  }
0x83: {  	_ =	shalt  }
0x84: {  	_ =	shalt  }
0x85: {  	_ =	shalt  }
0x86: {  	_ =	shalt  }
0x87: {  	_ =	shalt  }
.Lfunc_end0:
.L_simem_size_0:
called_computation.1_lowered:
.L_overlay_start_0:
0x88: {  	s2 =	sld [smem:$0x3FD9]  }
0x89: {  	s3 =	sld [smem:$0x3FFE];
	_ =	sdelay $0x1  }
0x8a: {  	s1 =	srdreg.scid  }
0x8b: {  	s0 =	sand.u32 $0x1, s1  }
0x8c: {  	s16 =	sshll.u32 s0, $0xA;
	s2 =	sadd.s32 s3, s2  }
0x8d: {  	s2 =	sadd.s32 s2, s16  }
0x8e: {  	[smem:$0x3FB4] =	sst s2  }
0x8f: {  	_ = 	snop  }
0x90: {  	(tm) =	ssettm $0x1  }
0x91: {  	s17 =	sld [smem:$0x3FFB];
	_ =	sdelay $0x3  }
0x92: {  	_ =	strace s17  }
0x93: {  	s2 =	sld [smem:$0x3FFC];
	_ =	sdelay $0x3  }
0x94: {  	_ =	strace s2  }
0x95: {  	s2 =	sld [smem:$0x3FFD];
	_ =	sdelay $0x3  }
0x96: {  	_ =	strace s2  }
0x97: {  	_ =	strace $0x8FFFFFFF  }
0x98: {  	s18 =	sld [smem:$0x3FDB];
	_ =	sdelay $0x1  }
0x99: {  	s19 =	simm.s32 $_scs_section_size  }
0x9a: {  	s4 =	simm.s32 $_size__tile_overlayer_lowered;
	s5 =	simm.s32 $_tile_overlayer_lowered  }
0x9b: {  	s22 =	simm.s32 $0x1BFF;
	s21 =	sshll.u32 s5, $0x1;
	s2 =	sadd.s32 s19, s18  }
0x9c: {  	s6 =	simm.s32 $0x0;
	s20 =	sshll.u32 s4, $0x1;
	s4 =	sadd.s32 s21, s2  }
0x9d: {  	[timem:s6], [sflag:s22] =	dma.local [hbm:s4], s20  }
0x9e: {  	_ =	swait.ge [sflag:s22], s20  }
0x9f: {  	s3 =	ssub.s32 $0x0, s20;
	[sflag:s22] =	ssyncset.done $0x0  }
0xa0: {  	[sflag:s22] =	ssyncadd.s32 s3;
	_ =	sdelay $0x1  }
0xa1: {  	s23 =	simm.s32 $0x1B8B  }
0xa2: {  	_ =	swait.ge [sflag:s23], $0x1  }
0xa3: {  	[sflag:s23] =	ssyncset.done $0x0  }
0xa4: {  	s25 =	simm.s32 $0x1B8E;
	s24 =	sld [smem:$0x3FFE];
	[sflag:s23] =	ssyncadd.s32 $0xFFFFFFFF  }
0xa5: {  	s26 =	simm.s32 $execute0_lowered;
	[smem:$0x3FD2] =	sst s25  }
0xa6: {  	s4 =	sshll.u32 s26, $0x1;
	_ =	strace $0x80000049;
	[dreg:$0x1] =	wrdreg $0xFFFFFFFF  }
0xa7: {  	s28 =	simm.s32 $_size_execute0_lowered;
	s2 =	sadd.s32 s2, s4;
	[dreg:$0x0] =	wrdreg $0x0  }
0xa8: {  	s4 =	sshll.u32 s28, $0x1;
	[dreg:$0x2] =	wrdreg s2  }
0xa9: {  	[dreg:$0x3] =	wrdreg s4  }
0xaa: {  	[dreg:$0x4] =	wrdreg $0xC0  }
0xab: {  	_ =	task [dreg:s6], $0x5FFFF  }
0xac: {  	[dreg:$0x1] =	wrdreg $0xFFFFFFFF  }
0xad: {  	[dreg:$0x0] =	wrdreg $0x60  }
0xae: {  	[dreg:$0x2] =	wrdreg s24  }
0xaf: {  	[dreg:$0x3] =	wrdreg $0xA8000  }
0xb0: {  	[dreg:$0x4] =	wrdreg $0x9  }
0xb1: {  	_ =	task.clear_ibuf [dreg:s6], $0x5FFFF;
	_ =	strace $0x90000049  }
0xb2: {  	s29 =	simm.s32 $0x9;
	_ =	strace $0x8000004B  }
0xb3: {  	_ =	swait.ge [sflag:s29], $0x1  }
0xb4: {  	[sflag:s29] =	ssyncadd.s32 $0xFFFFFFFF  }
0xb5: {  	_ =	strace $0x9000004B  }
0xb6: {  	_ =	sfence  }
0xb7: {  	s30 =	sld [smem:$0x0];
	_ =	sdelay $0x2  }
0xb8: {  	s31 =	sshll.u32 s1, $0xD;
	s1 =	sshrl.u32 s1, $0x2  }
0xb9: {  	s3 =	sand.u32 $0x4000, s31;
	s1 =	sadd.s32 s1, s30  }
0xba: {  	s0 =	sor.u32 s3, s0;
	s1 =	sshll.u32 s1, $0x11  }
0xbb: {  	s0 =	sor.u32 s1, s0  }
0xbc: {  	s0 =	sadd.s32 $0x8F2B, s0  }
0xbd: {  	[sflag:s0] =	ssyncadd.remote.s32 $0x1  }
0xbe: {  	_ =	sfence.sel $0xFFFF  }
0xbf: {  	[dreg:$0x0] =	wrdreg $0xFFFFFFFF;
	(pc) =	sbr.abs _section_cstart, $3  }
0xc0: {  	[dreg:$0x1] =	wrdreg $0xFFFFFFFF  }
0xc1: {  	_ =	task.clear_ibuf [dreg:s6], $0x2FFFF;
	_ =	strace $0x9FFFFFFF  }
0xc2: {  	(tm) =	ssettm $0x7FFFFFFF  }
0xc3: {  	_ =	shalt  }
tec
execute0_lowered:
.L_overlay_start_1:
0x0: {  	(tag) =	ssettag $0x1  }
0x1: {  	s4 =	rddreg [dreg:$0x0]  }
0x2: {  	s1 =	rddreg [dreg:$0x1]  }
0x3: {  	s0 =	rddreg [dreg:$0x2];
	s2 =	simm.s32 $0x0;
	s9 =	stileid.u32  }
0x4: {  	s3 =	srdreg.scid;
	s13 =	simm.s32 $0x50;
	s14 =	simm.s32 $0x0  }
0x5: {  	[smem:$0x7FF] =	sst s2;
	s5 =	sshll.u32 s9, $0xC;
	s6 =	smul.u32 $0x50000, s9  }
0x6: {  	s7 =	sand.u32 $0x1, s3;
	s3 =	sadd.s32 $0x21E00, s4;
	s11 =	sshll.u32 s9, $0x8  }
0x7: {  	p0 =	sne.s32 s9, $0x0;
	_ =	strace $0x8000004A;
	s5 =	sadd.s32 s5, s4  }
0x8: {  	s8 =	smul.u32 $0x27100, s7;
	s29 =	ssub.s32 $0x2, s7;
	s31 =	sxor.u32 $0xFA0, s11  }
.Ltmp0:
0x9: {  	p1 =	seq.s32 s7, $0x1;
	s11 =	simm.s32 $0x1;
	(pc) =	sbr.rel .LBB2_1-.Ltmp0, $4  }
0xa: {  	s10 =	sadd.s32 s6, s4;
	s30 =	sshrl.u32 s29, $0x1;
	s8 =	sadd.s32 s8, s4  }
0xb: {  	s12 =	ssub.s32 s29, s30;
	s4 =	sadd.s32 $0xF4E200, s5;
	s5 =	smin.u32 s31, $0x100  }
0xc: {  	s9 =	sadd.s32 $0x1440200, s10;
	s6 =	sadd.s32 $0x49000, s8;
	s7 =	smax.u32 s12, $0x1  }
0xd: {  	s8 =	sadd.s32 $0xF5E200, s10;
	s10 =	sshrl.u32 @!p0 s1, $0x3;
	s12 =	simm.s32 $0x8000  }
.LBB2_4:
0xe: {  	[sflag:s11] =	ssyncadd.s32 $0xFFFFD800  }
.LBB2_8:
0xf: {  	[bflag:$0x0] =	sbarrier.arrive $0xFFFF;
	s15 =	simm.s32 @!p0 $0x1C01;
	s14 =	sadd.s32 $0x1, s14  }
0x10: {  	[hbm:s6], [sflag:s15] =	dma.local @!p0 [spmem:s10], $0x27100  }
0x11: {  	p2 =	sne.s32 s14, s7  }
.Ltmp1:
0x12: {  	_ = 	snop;
	(pc) =	sbr.rel @!p2 .LBB2_9-.Ltmp1, $4  }
0x13: {  	s15 =	simm.s32 @!p0 $0x1  }
0x14: {  	_ =	swait.ge @!p0 [sflag:s15], $0x27100  }
0x15: {  	[sflag:s15] =	ssyncset.done @!p0 $0x0  }
0x16: {  	[sflag:s15] =	ssyncadd.s32 @!p0 $0xFFFD8F00  }
.LBB2_1:
0x17: {  	s15 =	simm.s32 @!p0 $0x1C01  }
0x18: {  	[spmem:s10], [sflag:s15] =	dma.local @!p0 [hbm:s3], $0x27100  }
0x19: {  	s15 =	simm.s32 @!p0 $0x1  }
0x1a: {  	_ =	swait.ge @!p0 [sflag:s15], $0x27100  }
0x1b: {  	[sflag:s15] =	ssyncset.done @!p0 $0x0  }
0x1c: {  	[sflag:s15] =	ssyncadd.s32 @!p0 $0xFFFD8F00  }
.Ltmp2:
0x1d: {  	[bflag:$0x0] =	sbarrier.arrive $0xFFFF;
	(pc) =	sbr.rel @!p1 .LBB2_2-.Ltmp2, $4  }
0x1e: {  	[tilespmem:s2], [sflag:$0x1] =	stream.linear.gather [hbm4b:s4+s2], $0x8000, $0x38;
	[tilespmem:$0x1E080] =	vst v63  }
0x1f: {  	_ =	swait.ge [sflag:s11], $0x8000  }
0x20: {  	[sflag:s11] =	ssyncset.done $0x0  }
0x21: {  	[sflag:s11] =	ssyncadd.s32 $0xFFFF8000  }
0x22: {  	[tilespmem:s12], [sflag:$0x1] =	stream.linear.gather [hbm4b:s9+s2], $0x2800, $0x38;
	[tilespmem:$0x1E080] =	vst v63  }
0x23: {  	p2 =	sne.s32 s5, $0x1;
	_ =	swait.ge [sflag:s11], $0x2800  }
.Ltmp3:
0x24: {  	[sflag:s11] =	ssyncset.done $0x0;
	(pc) =	sbr.rel @!p2 .LBB2_7-.Ltmp3, $4  }
0x25: {  	[sflag:s11] =	ssyncadd.s32 $0xFFFFD800  }
0x26: {  	[spmem:s1] =	stream.indirect.scatter.add.f32 [tilespmem:s12], [sflag:$0x1], $0x80, s2, s13, $0xb8;
	[tilespmem:$0x1E080] =	vst v63  }
0x27: {  	s15 =	sadd.s32 $0xFFFFFFFF, s5;
	_ =	swait.ge [sflag:s11], $0x2800  }
0x28: {  	s16 =	simm.s32 $0x0;
	s17 =	smov.u32 s9;
	[sflag:s11] =	ssyncset.done $0x0  }
.LBB2_6:
0x29: {  	[sflag:s11] =	ssyncadd.s32 $0xFFFFD800;
	s16 =	sadd.s32 $0x80, s16;
	s17 =	sadd.s32 $0x500, s17  }
0x2a: {  	[tilespmem:s12], [sflag:$0x1] =	stream.linear.gather [hbm4b:s17+s2], $0x2800, $0x38;
	[tilespmem:$0x1E080] =	vst v63  }
0x2b: {  	p2 =	sne.s32 s15, $0x1;
	s15 =	sadd.s32 $0xFFFFFFFF, s15;
	_ =	swait.ge [sflag:s11], $0x2800  }
.Ltmp4:
0x2c: {  	[sflag:s11] =	ssyncset.done $0x0;
	(pc) =	sbr.rel @p2 .LBB2_6-.Ltmp4, $4  }
0x2d: {  	[sflag:s11] =	ssyncadd.s32 $0xFFFFD800  }
0x2e: {  	[spmem:s1] =	stream.indirect.scatter.add.f32 [tilespmem:s12], [sflag:$0x1], $0x80, s16, s13, $0xb8;
	[tilespmem:$0x1E080] =	vst v63  }
0x2f: {  	_ =	swait.ge [sflag:s11], $0x2800  }
0x30: {  	[sflag:s11] =	ssyncset.done $0x0  }
.LBB2_7:
.Ltmp5:
0x31: {  	(pc) =	sbr.rel .LBB2_8-.Ltmp5, $2  }
0x32: {  	_ =	sdelay $0x2  }
0x33: {  	[sflag:s11] =	ssyncadd.s32 $0xFFFFD800  }
.LBB2_2:
0x34: {  	[tilespmem:s12], [sflag:$0x1] =	stream.linear.gather [hbm4b:s8+s2], $0x2800, $0x38;
	[tilespmem:$0x1E080] =	vst v63  }
0x35: {  	p2 =	seq.s32 s5, $0x1;
	_ =	swait.ge [sflag:s11], $0x2800  }
.Ltmp6:
0x36: {  	[sflag:s11] =	ssyncset.done $0x0;
	(pc) =	sbr.rel @p2 .LBB2_4-.Ltmp6, $4  }
0x37: {  	[sflag:s11] =	ssyncadd.s32 $0xFFFFD800  }
0x38: {  	[spmem:s1] =	stream.indirect.scatter.add.f32 [tilespmem:s12], [sflag:$0x1], $0x80, s2, s13, $0xb8;
	[tilespmem:$0x1E080] =	vst v63  }
0x39: {  	s15 =	sadd.s32 $0xFFFFFFFF, s5;
	_ =	swait.ge [sflag:s11], $0x2800  }
0x3a: {  	s16 =	simm.s32 $0x0;
	s17 =	smov.u32 s8;
	[sflag:s11] =	ssyncset.done $0x0  }
.LBB2_3:
0x3b: {  	[sflag:s11] =	ssyncadd.s32 $0xFFFFD800;
	s16 =	sadd.s32 $0x80, s16;
	s17 =	sadd.s32 $0x500, s17  }
0x3c: {  	[tilespmem:s12], [sflag:$0x1] =	stream.linear.gather [hbm4b:s17+s2], $0x2800, $0x38;
	[tilespmem:$0x1E080] =	vst v63  }
0x3d: {  	p2 =	seq.s32 s15, $0x1;
	s15 =	sadd.s32 $0xFFFFFFFF, s15;
	_ =	swait.ge [sflag:s11], $0x2800  }
.Ltmp7:
0x3e: {  	[sflag:s11] =	ssyncset.done $0x0;
	(pc) =	sbr.rel @!p2 .LBB2_3-.Ltmp7, $4  }
0x3f: {  	[sflag:s11] =	ssyncadd.s32 $0xFFFFD800  }
0x40: {  	[spmem:s1] =	stream.indirect.scatter.add.f32 [tilespmem:s12], [sflag:$0x1], $0x80, s16, s13, $0xb8;
	[tilespmem:$0x1E080] =	vst v63  }
0x41: {  	_ =	swait.ge [sflag:s11], $0x2800  }
0x42: {  	[sflag:s11] =	ssyncset.done $0x0  }
.Ltmp8:
0x43: {  	_ = 	snop;
	(pc) =	sbr.rel .LBB2_4-.Ltmp8, $1  }
0x44: {  	_ =	sdelay $0x3  }
.LBB2_9:
0x45: {  	_ =	sfence.sel $0x180000  }
0x46: {  	[bflag:$0x0] =	sbarrier.arrive $0xFFFF  }
0x47: {  	_ =	strace $0x9000004A  }
0x48: {  	s0 =	sadd.s32 @!p0 $0x100000, s0;
	[bflag:$0x2] =	sbarrier.arrive $0xFFFF  }
0x49: {  	[sflag:s0] =	ssyncadd.tile.s32 @!p0 $0x1;
	_ =	shalt  }
.Lfunc_end2:
_tile_overlayer_lowered:
.L_overlay_start_2:
0x4a: {  	(tag) =	ssettag $0x2  }
0x4b: {  	s0 =	rddreg [dreg:$0x0];
	s2 =	stileid.u32  }
0x4c: {  	s1 =	rddreg [dreg:$0x1];
	p0 =	sne.s32 s2, $0x0  }
0x4d: {  	s3 =	rddreg [dreg:$0x2];
	[bflag:$0x3] =	sbarrier.arrive $0xFFFF;
	s2 =	simm.s32 @!p0 $0x1C01  }
0x4e: {  	[timem:s3], [sflag:s2] =	dma.local @!p0 [hbm:s0], s1  }
0x4f: {  	s0 =	simm.s32 @!p0 $0x1  }
0x50: {  	_ =	swait.ge @!p0 [sflag:s0], s1  }
0x51: {  	s1 =	ssub.s32 @!p0 $0x0, s1;
	[sflag:s0] =	ssyncset.done @!p0 $0x0  }
0x52: {  	[sflag:s0] =	ssyncadd.s32 @!p0 s1  }
0x53: {  	[bflag:$0x3] =	sbarrier.arrive $0xFFFF  }
0x54: {  	_ =	shalt  }

// kernel: kernel.17.cloned.1.call-start
scs
__scs_entry_jumppad:
0x0: {  	(pc) =	sbr.rel $0x88, $3  }
0x1: {  	(tag) =	ssettag $0x0;
	lr =	simm.s32 $0x1  }
0x2: {  	[smem:$0x3F8D] =	sst lr;
	_ =	strace $0xD0000000  }
0x3: {  	_ = 	snop  }
0x4: {  	_ = 	snop  }
0x5: {  	_ = 	snop  }
0x6: {  	_ = 	snop  }
0x7: {  	_ = 	snop  }
__scs_overlays_trampoline_lowered:
0x8: {  	[smem:$0x3F9C] =	sst s0  }
0x9: {  	[smem:$0x3F9D] =	sst s1  }
0xa: {  	[smem:$0x3F9E] =	sst s2  }
0xb: {  	[smem:$0x3F9F] =	sst s3  }
0xc: {  	[smem:$0x3FA0] =	sst s4  }
0xd: {  	[smem:$0x3FA1] =	sst s5  }
0xe: {  	[smem:$0x3FA2] =	sst s6  }
0xf: {  	[smem:$0x3FA3] =	sst s7  }
0x10: {  	[smem:$0x3FA4] =	sst s8  }
0x11: {  	[smem:$0x3FA5] =	sst s9;
	s0 =	simm.s32 @!p0 $0x0  }
0x12: {  	s1 =	sld [smem:$0x3F8B];
	s0 =	simm.s32 @p0 $0x1  }
0x13: {  	[smem:$0x3FA6] =	sst s0;
	s0 =	simm.s32 @!p1 $0x0  }
0x14: {  	s2 =	sld [smem:$0x3F8A];
	s0 =	simm.s32 @p1 $0x1  }
0x15: {  	[smem:$0x3FA7] =	sst s0;
	s0 =	simm.s32 @!p2 $0x0  }
0x16: {  	s3 =	sld [smem:$0x3FDB];
	s0 =	simm.s32 @p2 $0x1  }
0x17: {  	s4 =	simm.s32 $0x1BF5;
	[smem:$0x3FA9] =	sst s0  }
0x18: {  	s0 =	sld [smem:$0x3F8C];
	_ =	swait.ge [sflag:s4], $0x0  }
0x19: {  	s7 =	sld [smem:$0x3F8D]  }
0x1a: {  	s8 =	sadd.s32 $0xFFFFE003, lr  }
0x1b: {  	s9 =	sadd.s32 $0xFFFFFEF7, lr;
	s5 =	simm.s32 $0xFFFFFFFF;
	p2 =	slt.u32 s8, $0xFFFFF086  }
0x1c: {  	p1 =	slt.u32 s9, $0xF7A;
	s5 =	simm.s32 @!p2 $0x0  }
0x1d: {  	s5 =	simm.s32 @p1 $0x1;
	p0 =	seq.s32 s7, s2  }
0x1e: {  	s7 =	smul.u32 @!p0 $0xF7A, s2;
	p2 =	seq.s32 @!p0 s5, $0x0  }
0x1f: {  	s9 =	smul.u32 $0xF7A, s1;
	s8 =	simm.s32 @!p0 $0x1BF5;
	p2 =	por !p2, p0  }
0x20: {  	[sflag:s8] =	ssyncset.s32 @!p0 $0xFFFFF086;
	s6 =	sadd.s32 @!p0 s3, s7;
	s7 =	simm.s32 @!p0 $0x108  }
0x21: {  	s3 =	sadd.s32 s3, s9;
	s6 =	sadd.s32 @!p0 $0x88, s6;
	s7 =	simm.s32 @p2 $0x1082  }
0x22: {  	[simem:s7], [sflag:s8] =	dma.local @!p0 [hbm:s6], $0xF7A  }
0x23: {  	s9 =	sor.u32 $0xD0000000, s2;
	s6 =	simm.s32 $0x108;
	_ =	swait.ge @!p0 [sflag:s8], $0x0  }
0x24: {  	s3 =	sadd.s32 $0x88, s3;
	s6 =	simm.s32 @!p1 $0x1082;
	[sflag:s4] =	ssyncset.s32 $0xFFFFF086  }
0x25: {  	[simem:s6], [sflag:s4] =	dma.local [hbm:s3], $0xF7A  }
0x26: {  	[smem:$0x3F8D] =	sst s1;
	(tag) =	ssettag s2;
	_ =	strace s9  }
0x27: {  	s1 =	sld [smem:$0x3F9D]  }
0x28: {  	s2 =	sld [smem:$0x3F9E]  }
0x29: {  	s4 =	sld [smem:$0x3FA0]  }
0x2a: {  	p0 =	seq.s32 s5, $0x0;
	s5 =	sld [smem:$0x3FA1]  }
0x2b: {  	s6 =	sld [smem:$0x3FA2]  }
0x2c: {  	s7 =	sld [smem:$0x3FA3]  }
0x2d: {  	s3 =	simm.s32 $0x108;
	s8 =	sld [smem:$0x3FA4]  }
0x2e: {  	s3 =	simm.s32 @!p0 $0x1082;
	s9 =	sld [smem:$0x3FA5]  }
0x2f: {  	lr =	sadd.s32 s0, s3;
	s0 =	sld [smem:$0x3F9C]  }
0x30: {  	s3 =	sld [smem:$0x3F9F]  }
0x31: {  	[smem:$0x3FA8] =	sst s10  }
0x32: {  	s10 =	sld [smem:$0x3FA6];
	_ =	sdelay $0x3  }
0x33: {  	p0 =	seq.s32 s10, $0x1;
	s10 =	sld [smem:$0x3FA8];
	_ =	sdelay $0x3  }
0x34: {  	[smem:$0x3FA8] =	sst s10  }
0x35: {  	s10 =	sld [smem:$0x3FA7];
	_ =	sdelay $0x3  }
0x36: {  	p1 =	seq.s32 s10, $0x1;
	s10 =	sld [smem:$0x3FA8];
	_ =	sdelay $0x3  }
0x37: {  	[smem:$0x3FA8] =	sst s10  }
0x38: {  	s10 =	sld [smem:$0x3FA9]  }
0x39: {  	_ = 	snop;
	(pc) =	sbr.ind lr, $3  }
0x3a: {  	_ = 	snop  }
0x3b: {  	_ = 	snop  }
0x3c: {  	p2 =	seq.s32 s10, $0x1;
	s10 =	sld [smem:$0x3FA8]  }
0x3d: {  	_ =	shalt  }
0x3e: {  	_ =	shalt  }
0x3f: {  	_ =	shalt  }
0x40: {  	_ =	shalt  }
0x41: {  	_ =	shalt  }
0x42: {  	_ =	shalt  }
0x43: {  	_ =	shalt  }
0x44: {  	_ =	shalt  }
0x45: {  	_ =	shalt  }
0x46: {  	_ =	shalt  }
0x47: {  	_ =	shalt  }
0x48: {  	_ =	shalt  }
0x49: {  	_ =	shalt  }
0x4a: {  	_ =	shalt  }
0x4b: {  	_ =	shalt  }
0x4c: {  	_ =	shalt  }
0x4d: {  	_ =	shalt  }
0x4e: {  	_ =	shalt  }
0x4f: {  	_ =	shalt  }
0x50: {  	_ =	shalt  }
0x51: {  	_ =	shalt  }
0x52: {  	_ =	shalt  }
0x53: {  	_ =	shalt  }
0x54: {  	_ =	shalt  }
0x55: {  	_ =	shalt  }
0x56: {  	_ =	shalt  }
0x57: {  	_ =	shalt  }
0x58: {  	_ =	shalt  }
0x59: {  	_ =	shalt  }
0x5a: {  	_ =	shalt  }
0x5b: {  	_ =	shalt  }
0x5c: {  	_ =	shalt  }
0x5d: {  	_ =	shalt  }
0x5e: {  	_ =	shalt  }
0x5f: {  	_ =	shalt  }
0x60: {  	_ =	shalt  }
0x61: {  	_ =	shalt  }
0x62: {  	_ =	shalt  }
0x63: {  	_ =	shalt  }
0x64: {  	_ =	shalt  }
0x65: {  	_ =	shalt  }
0x66: {  	_ =	shalt  }
0x67: {  	_ =	shalt  }
0x68: {  	_ =	shalt  }
0x69: {  	_ =	shalt  }
0x6a: {  	_ =	shalt  }
0x6b: {  	_ =	shalt  }
0x6c: {  	_ =	shalt  }
0x6d: {  	_ =	shalt  }
0x6e: {  	_ =	shalt  }
0x6f: {  	_ =	shalt  }
0x70: {  	_ =	shalt  }
0x71: {  	_ =	shalt  }
0x72: {  	_ =	shalt  }
0x73: {  	_ =	shalt  }
0x74: {  	_ =	shalt  }
0x75: {  	_ =	shalt  }
0x76: {  	_ =	shalt  }
0x77: {  	_ =	shalt  }
0x78: {  	_ =	shalt  }
0x79: {  	_ =	shalt  }
0x7a: {  	_ =	shalt  }
0x7b: {  	_ =	shalt  }
0x7c: {  	_ =	shalt  }
0x7d: {  	_ =	shalt  }
0x7e: {  	_ =	shalt  }
0x7f: {  	_ =	shalt  }
0x80: {  	_ =	shalt  }
0x81: {  	_ =	shalt  }
0x82: {  	_ =	shalt  }
0x83: {  	_ =	shalt  }
0x84: {  	_ =	shalt  }
0x85: {  	_ =	shalt  }
0x86: {  	_ =	shalt  }
0x87: {  	_ =	shalt  }
.Lfunc_end0:
.L_simem_size_0:
called_computation.2_lowered:
.L_overlay_start_0:
0x88: {  	s2 =	sld [smem:$0x3FD9]  }
0x89: {  	s3 =	sld [smem:$0x3FFE];
	_ =	sdelay $0x1  }
0x8a: {  	s1 =	srdreg.scid  }
0x8b: {  	s0 =	sand.u32 $0x1, s1  }
0x8c: {  	s16 =	sshll.u32 s0, $0xA;
	s2 =	sadd.s32 s3, s2  }
0x8d: {  	s2 =	sadd.s32 s2, s16  }
0x8e: {  	[smem:$0x3FB4] =	sst s2  }
0x8f: {  	_ = 	snop  }
0x90: {  	(tm) =	ssettm $0x1  }
0x91: {  	s17 =	sld [smem:$0x3FFB];
	_ =	sdelay $0x3  }
0x92: {  	_ =	strace s17  }
0x93: {  	s2 =	sld [smem:$0x3FFC];
	_ =	sdelay $0x3  }
0x94: {  	_ =	strace s2  }
0x95: {  	s2 =	sld [smem:$0x3FFD];
	_ =	sdelay $0x3  }
0x96: {  	_ =	strace s2  }
0x97: {  	_ =	strace $0x8FFFFFFF  }
0x98: {  	s18 =	sld [smem:$0x3FDB];
	_ =	sdelay $0x1  }
0x99: {  	s19 =	simm.s32 $_scs_section_size  }
0x9a: {  	s4 =	simm.s32 $_size__tile_overlayer_lowered;
	s5 =	simm.s32 $_tile_overlayer_lowered  }
0x9b: {  	s22 =	simm.s32 $0x1BFF;
	s21 =	sshll.u32 s5, $0x1;
	s2 =	sadd.s32 s19, s18  }
0x9c: {  	s6 =	simm.s32 $0x0;
	s20 =	sshll.u32 s4, $0x1;
	s4 =	sadd.s32 s21, s2  }
0x9d: {  	[timem:s6], [sflag:s22] =	dma.local [hbm:s4], s20  }
0x9e: {  	_ =	swait.ge [sflag:s22], s20  }
0x9f: {  	s3 =	ssub.s32 $0x0, s20;
	[sflag:s22] =	ssyncset.done $0x0  }
0xa0: {  	[sflag:s22] =	ssyncadd.s32 s3;
	_ =	sdelay $0x1  }
0xa1: {  	s23 =	simm.s32 $0x1B8B  }
0xa2: {  	_ =	swait.ge [sflag:s23], $0x1  }
0xa3: {  	[sflag:s23] =	ssyncset.done $0x0  }
0xa4: {  	s25 =	simm.s32 $0x1B8E;
	s24 =	sld [smem:$0x3FFE];
	[sflag:s23] =	ssyncadd.s32 $0xFFFFFFFF  }
0xa5: {  	s26 =	simm.s32 $execute0_lowered;
	[smem:$0x3FD2] =	sst s25  }
0xa6: {  	s4 =	sshll.u32 s26, $0x1;
	_ =	strace $0x8000004C;
	[dreg:$0x1] =	wrdreg $0xFFFFFFFF  }
0xa7: {  	s28 =	simm.s32 $_size_execute0_lowered;
	s2 =	sadd.s32 s2, s4;
	[dreg:$0x0] =	wrdreg $0x0  }
0xa8: {  	s4 =	sshll.u32 s28, $0x1;
	[dreg:$0x2] =	wrdreg s2  }
0xa9: {  	[dreg:$0x3] =	wrdreg s4  }
0xaa: {  	[dreg:$0x4] =	wrdreg $0xC0  }
0xab: {  	_ =	task [dreg:s6], $0x5FFFF  }
0xac: {  	[dreg:$0x1] =	wrdreg $0xFFFFFFFF  }
0xad: {  	[dreg:$0x0] =	wrdreg $0x60  }
0xae: {  	[dreg:$0x2] =	wrdreg s24  }
0xaf: {  	[dreg:$0x3] =	wrdreg $0x9  }
0xb0: {  	_ =	task.clear_ibuf [dreg:s6], $0x4FFFF;
	_ =	strace $0x9000004C  }
0xb1: {  	s29 =	simm.s32 $0x9;
	_ =	strace $0x8000004E  }
0xb2: {  	_ =	swait.ge [sflag:s29], $0x1  }
0xb3: {  	[sflag:s29] =	ssyncadd.s32 $0xFFFFFFFF  }
0xb4: {  	_ =	strace $0x9000004E  }
0xb5: {  	_ =	sfence  }
0xb6: {  	s30 =	sld [smem:$0x0];
	_ =	sdelay $0x2  }
0xb7: {  	s31 =	sshll.u32 s1, $0xD;
	s1 =	sshrl.u32 s1, $0x2  }
0xb8: {  	s3 =	sand.u32 $0x4000, s31;
	s1 =	sadd.s32 s1, s30  }
0xb9: {  	s0 =	sor.u32 s3, s0;
	s1 =	sshll.u32 s1, $0x11  }
0xba: {  	s0 =	sor.u32 s1, s0  }
0xbb: {  	s0 =	sadd.s32 $0x8F2B, s0  }
0xbc: {  	[sflag:s0] =	ssyncadd.remote.s32 $0x1  }
0xbd: {  	_ =	sfence.sel $0xFFFF  }
0xbe: {  	[dreg:$0x0] =	wrdreg $0xFFFFFFFF;
	(pc) =	sbr.abs _section_cstart, $3  }
0xbf: {  	[dreg:$0x1] =	wrdreg $0xFFFFFFFF  }
0xc0: {  	_ =	task.clear_ibuf [dreg:s6], $0x2FFFF;
	_ =	strace $0x9FFFFFFF  }
0xc1: {  	(tm) =	ssettm $0x7FFFFFFF  }
tec
execute0_lowered:
.L_overlay_start_1:
0x0: {  	(tag) =	ssettag $0x1  }
0x1: {  	s1 =	srdreg.scid;
	s0 =	stileid.u32  }
0x2: {  	s6 =	rddreg [dreg:$0x0];
	s2 =	simm.s32 $0x0;
	s13 =	simm.s32 $0x4F00  }
0x3: {  	s14 =	simm.s32 $0x7700;
	s15 =	simm.s32 $0x7F00;
	s16 =	simm.s32 $0x8700  }
0x4: {  	s17 =	simm.s32 $0x8F00;
	s18 =	simm.s32 $0x9700;
	s19 =	simm.s32 $0x9F00  }
0x5: {  	s20 =	simm.s32 $0xA700;
	s21 =	simm.s32 $0xAF00;
	s22 =	simm.s32 $0xB700  }
0x6: {  	s23 =	simm.s32 $0xBF00;
	s24 =	simm.s32 $0x1;
	s8 =	smul.u32 $0x4E200, s0  }
0x7: {  	s25 =	simm.s32 $0x0;
	s5 =	sand.u32 $0x1, s1;
	s9 =	smul.u32 $0x9C400, s0  }
0x8: {  	s30 =	sshll.u32 s0, $0x1;
	[smem:$0x7FF] =	sst s2;
	s11 =	smul.u32 $0x27100, s5  }
0x9: {  	s4 =	sadd.s32 $0xBF400, s6;
	s1 =	sor.u32 s5, s30;
	s12 =	smul.u32 $0x4E200, s5  }
0xa: {  	s10 =	ssub.s32 $0x2, s5;
	s3 =	smul.u32 $0x2710, s1;
	s1 =	rddreg [dreg:$0x1]  }
0xb: {  	_ =	strace $0x8000004D;
	s8 =	sadd.s32 s8, s6;
	s31 =	sshrl.u32 s10, $0x1  }
0xc: {  	s9 =	sadd.s32 s9, s6;
	s10 =	ssub.s32 s10, s31;
	s8 =	sadd.s32 s11, s8  }
0xd: {  	s9 =	sadd.s32 s12, s9;
	s11 =	simm.s32 $0x2780;
	s3 =	sshrl.u32 s3, $0x3  }
0xe: {  	v2 =	vlaneseq.u32;
	s12 =	simm.s32 $0x50;
	s8 =	sadd.s32 $0x134800, s8;
	s7 =	sadd.s32 s3, s6  }
0xf: {  	vm0 =	vmmov $0xffff;
	v1 =	vshrl.u32 v2, $0x3;
	s9 =	sadd.s32 $0xF5E200, s9;
	s3 =	sadd.s32 $0x98200, s6;
	s5 =	sadd.s32 $0x11E00, s7  }
0x10: {  	v0 =	vand.u32 $0x7, v2;
	v2 =	vor.u32 $0x8, v2;
	v1 =	vmul.u32 $0x8, v1;
	s6 =	sadd.s32 $0x8000, s7;
	s7 =	smax.u32 s10, $0x1;
	s10 =	simm.s32 $0x2  }
.LBB2_1:
0x11: {  	[tilespmem:s2], [sflag:$0x2] =	stream.linear.gather [hbm4b:s5+s2], $0x2710, $0x38;
	[tilespmem:$0xC700] =	vst v63  }
0x12: {  	_ =	swait.ge [sflag:s10], $0x2710  }
0x13: {  	[sflag:s10] =	ssyncset.done $0x0  }
0x14: {  	[sflag:s10] =	ssyncadd.s32 $0xFFFFD8F0  }
0x15: {  	[tilespmem:s11], [sflag:$0x2] =	stream.linear.gather [hbm4b:s6+s2], $0x2710, $0x38;
	[tilespmem:$0xC700] =	vst v63  }
0x16: {  	_ =	swait.ge [sflag:s10], $0x2710  }
0x17: {  	s26 =	smov.u32 s9;
	[sflag:s10] =	ssyncset.done $0x0  }
0x18: {  	s28 =	smov.u32 s8;
	s29 =	simm.s32 $0x0;
	[sflag:s10] =	ssyncadd.s32 $0xFFFFD8F0  }
.LBB2_2:
0x19: {  	s30 =	sshra.s32 s29, $0x2  }
0x1a: {  	[tilespmem:s13], [sflag:$0x1] =	stream.indirect.gather [hbm4b:s3+s12], $0x80, s30, s12, $0xb8;
	[tilespmem:$0xC700] =	vst v63  }
0x1b: {  	v3 =	vld [tilespmem:s30+$0x2780];
	_ =	sdelay $0x4  }
0x1c: {  	v4 =	vshll.u32 v3, $0x1  }
0x1d: {  	v3 =	vand.u32 $0x7, v3;
	v4 =	vand.u32 $0xFFFFFFF0, v4  }
0x1e: {  	v3 =	vor.u32 v3, v4  }
0x1f: {  	v4 =	vperm.xlane v3, v0;
	_ =	sdelay $0x1  }
0x20: {  	v3 =	vperm.xlane v3, v2;
	v4 =	vadd.s32 v1, v4;
	_ =	sdelay $0x1  }
0x21: {  	v3 =	vadd.s32 v1, v3;
	_ =	sdelay $0x2  }
0x22: {  	[tilespmem:s14], [sflag:$0x1] =	stream.indirect_vreg.gather [hbm4b:s4+s2], $0x80, v4, vm0, $0xb8;
	[tilespmem:$0xC700] =	vst v63  }
0x23: {  	_ = 	snop  }
0x24: {  	[tilespmem:s15], [sflag:$0x1] =	stream.indirect_vreg.gather [hbm4b:s4+s2], $0x80, v3, vm0, $0xb8;
	[tilespmem:$0xC700] =	vst v63  }
0x25: {  	v3 =	vld [tilespmem:s30+$0x2790];
	_ =	sdelay $0x4  }
0x26: {  	v60 =	vshll.u32 v3, $0x1  }
0x27: {  	v3 =	vand.u32 $0x7, v3;
	v4 =	vand.u32 $0xFFFFFFF0, v60  }
0x28: {  	v3 =	vor.u32 v3, v4  }
0x29: {  	v4 =	vperm.xlane v3, v0;
	_ =	sdelay $0x1  }
0x2a: {  	v3 =	vperm.xlane v3, v2;
	v4 =	vadd.s32 v1, v4;
	_ =	sdelay $0x1  }
0x2b: {  	v3 =	vadd.s32 v1, v3;
	_ =	sdelay $0x2  }
0x2c: {  	[tilespmem:s16], [sflag:$0x1] =	stream.indirect_vreg.gather [hbm4b:s4+s2], $0x80, v4, vm0, $0xb8;
	[tilespmem:$0xC700] =	vst v63  }
0x2d: {  	_ = 	snop  }
0x2e: {  	[tilespmem:s17], [sflag:$0x1] =	stream.indirect_vreg.gather [hbm4b:s4+s2], $0x80, v3, vm0, $0xb8;
	[tilespmem:$0xC700] =	vst v63  }
0x2f: {  	v3 =	vld [tilespmem:s30+$0x27A0];
	_ =	sdelay $0x4  }
0x30: {  	v61 =	vshll.u32 v3, $0x1  }
0x31: {  	v3 =	vand.u32 $0x7, v3;
	v4 =	vand.u32 $0xFFFFFFF0, v61  }
0x32: {  	v3 =	vor.u32 v3, v4  }
0x33: {  	v4 =	vperm.xlane v3, v0;
	_ =	sdelay $0x1  }
0x34: {  	v3 =	vperm.xlane v3, v2;
	v4 =	vadd.s32 v1, v4;
	_ =	sdelay $0x1  }
0x35: {  	v3 =	vadd.s32 v1, v3;
	_ =	sdelay $0x2  }
0x36: {  	[tilespmem:s18], [sflag:$0x1] =	stream.indirect_vreg.gather [hbm4b:s4+s2], $0x80, v4, vm0, $0xb8;
	[tilespmem:$0xC700] =	vst v63  }
0x37: {  	_ = 	snop  }
0x38: {  	[tilespmem:s19], [sflag:$0x1] =	stream.indirect_vreg.gather [hbm4b:s4+s2], $0x80, v3, vm0, $0xb8;
	[tilespmem:$0xC700] =	vst v63  }
0x39: {  	v3 =	vld [tilespmem:s30+$0x27B0];
	_ =	sdelay $0x4  }
0x3a: {  	v62 =	vshll.u32 v3, $0x1  }
0x3b: {  	v3 =	vand.u32 $0x7, v3;
	v4 =	vand.u32 $0xFFFFFFF0, v62  }
0x3c: {  	v3 =	vor.u32 v3, v4  }
0x3d: {  	v4 =	vperm.xlane v3, v0;
	_ =	sdelay $0x1  }
0x3e: {  	v3 =	vperm.xlane v3, v2;
	v4 =	vadd.s32 v1, v4;
	_ =	sdelay $0x1  }
0x3f: {  	v3 =	vadd.s32 v1, v3;
	_ =	sdelay $0x2  }
0x40: {  	[tilespmem:s20], [sflag:$0x1] =	stream.indirect_vreg.gather [hbm4b:s4+s2], $0x80, v4, vm0, $0xb8;
	[tilespmem:$0xC700] =	vst v63  }
0x41: {  	_ = 	snop  }
0x42: {  	[tilespmem:s21], [sflag:$0x1] =	stream.indirect_vreg.gather [hbm4b:s4+s2], $0x80, v3, vm0, $0xb8;
	[tilespmem:$0xC700] =	vst v63  }
0x43: {  	v3 =	vld [tilespmem:s30+$0x27C0];
	_ =	sdelay $0x4  }
0x44: {  	v63 =	vshll.u32 v3, $0x1  }
0x45: {  	v3 =	vand.u32 $0x7, v3;
	v4 =	vand.u32 $0xFFFFFFF0, v63  }
0x46: {  	v3 =	vor.u32 v3, v4  }
0x47: {  	v4 =	vperm.xlane v3, v0;
	_ =	sdelay $0x1  }
0x48: {  	v3 =	vperm.xlane v3, v2;
	v4 =	vadd.s32 v1, v4;
	_ =	sdelay $0x1  }
0x49: {  	v3 =	vadd.s32 v1, v3;
	_ =	sdelay $0x2  }
0x4a: {  	[tilespmem:s22], [sflag:$0x1] =	stream.indirect_vreg.gather [hbm4b:s4+s2], $0x80, v4, vm0, $0xb8;
	[tilespmem:$0xC700] =	vst v63  }
0x4b: {  	_ = 	snop  }
0x4c: {  	[tilespmem:s23], [sflag:$0x1] =	stream.indirect_vreg.gather [hbm4b:s4+s2], $0x80, v3, vm0, $0xb8;
	[tilespmem:$0xC700] =	vst v63  }
0x4d: {  	_ =	swait.ge [sflag:s24], $0x2800  }
0x4e: {  	[sflag:s24] =	ssyncset.done $0x0  }
0x4f: {  	[sflag:s24] =	ssyncadd.s32 $0xFFFFD800  }
0x50: {  	_ =	swait.ge [sflag:s24], $0x5000  }
0x51: {  	[sflag:s24] =	ssyncset.done $0x0  }
0x52: {  	[sflag:s24] =	ssyncadd.s32 $0xFFFFB000  }
0x53: {  	[hbm4b:s28+s2] =	stream.linear.scatter [tilespmem:s13], [sflag:$0x2], $0x2800, $0x38;
	[tilespmem:$0xC700] =	vst v63  }
0x54: {  	_ =	swait.ge [sflag:s10], $0x2800  }
0x55: {  	p0 =	sne.s32 s29, $0x9B00;
	[sflag:s10] =	ssyncset.done $0x0  }
.Ltmp0:
0x56: {  	[sflag:s10] =	ssyncadd.s32 $0xFFFFD800;
	(pc) =	sbr.rel @p0 .LBB2_2-.Ltmp0, $4  }
0x57: {  	[hbm4b:s26+s2] =	stream.linear.scatter [tilespmem:s14], [sflag:$0x2], $0x5000, $0x38;
	[tilespmem:$0xC700] =	vst v63  }
0x58: {  	_ =	swait.ge [sflag:s10], $0x5000  }
0x59: {  	s29 =	sadd.s32 $0x140, s29;
	[sflag:s10] =	ssyncset.done $0x0  }
0x5a: {  	s28 =	sadd.s32 $0x500, s28;
	s26 =	sadd.s32 $0xA00, s26;
	[sflag:s10] =	ssyncadd.s32 $0xFFFFB000  }
0x5b: {  	s25 =	sadd.s32 $0x1, s25  }
0x5c: {  	p0 =	sne.s32 s25, s7  }
.Ltmp1:
0x5d: {  	_ = 	snop;
	(pc) =	sbr.rel @p0 .LBB2_1-.Ltmp1, $1  }
0x5e: {  	_ =	sdelay $0x3  }
0x5f: {  	_ =	sfence.sel $0x180000  }
0x60: {  	[bflag:$0x0] =	sbarrier.arrive $0xFFFF  }
0x61: {  	p0 =	sne.s32 s0, $0x0;
	_ =	strace $0x9000004D  }
0x62: {  	s0 =	sadd.s32 @!p0 $0x100000, s1;
	[bflag:$0x2] =	sbarrier.arrive $0xFFFF  }
0x63: {  	[sflag:s0] =	ssyncadd.tile.s32 @!p0 $0x1;
	_ =	shalt  }
.Lfunc_end2:
_tile_overlayer_lowered:
.L_overlay_start_2:
0x64: {  	(tag) =	ssettag $0x2  }
0x65: {  	s0 =	rddreg [dreg:$0x0];
	s2 =	stileid.u32  }
0x66: {  	s1 =	rddreg [dreg:$0x1];
	p0 =	sne.s32 s2, $0x0  }
0x67: {  	s3 =	rddreg [dreg:$0x2];
	[bflag:$0x3] =	sbarrier.arrive $0xFFFF;
	s2 =	simm.s32 @!p0 $0x1C02  }
0x68: {  	[timem:s3], [sflag:s2] =	dma.local @!p0 [hbm:s0], s1  }
0x69: {  	s0 =	simm.s32 @!p0 $0x2  }
0x6a: {  	_ =	swait.ge @!p0 [sflag:s0], s1  }
0x6b: {  	s1 =	ssub.s32 @!p0 $0x0, s1;
	[sflag:s0] =	ssyncset.done @!p0 $0x0  }
0x6c: {  	[sflag:s0] =	ssyncadd.s32 @!p0 s1  }
0x6d: {  	[bflag:$0x3] =	sbarrier.arrive $0xFFFF  }
0x6e: {  	_ =	shalt  }

// kernel: kernel.20.cloned.1.call-start
scs
__scs_entry_jumppad:
0x0: {  	(pc) =	sbr.rel $0x88, $3  }
0x1: {  	(tag) =	ssettag $0x0;
	lr =	simm.s32 $0x1  }
0x2: {  	[smem:$0x3F8D] =	sst lr;
	_ =	strace $0xD0000000  }
0x3: {  	_ = 	snop  }
0x4: {  	_ = 	snop  }
0x5: {  	_ = 	snop  }
0x6: {  	_ = 	snop  }
0x7: {  	_ = 	snop  }
__scs_overlays_trampoline_lowered:
0x8: {  	[smem:$0x3F9C] =	sst s0  }
0x9: {  	[smem:$0x3F9D] =	sst s1  }
0xa: {  	[smem:$0x3F9E] =	sst s2  }
0xb: {  	[smem:$0x3F9F] =	sst s3  }
0xc: {  	[smem:$0x3FA0] =	sst s4  }
0xd: {  	[smem:$0x3FA1] =	sst s5  }
0xe: {  	[smem:$0x3FA2] =	sst s6  }
0xf: {  	[smem:$0x3FA3] =	sst s7  }
0x10: {  	[smem:$0x3FA4] =	sst s8  }
0x11: {  	[smem:$0x3FA5] =	sst s9;
	s0 =	simm.s32 @!p0 $0x0  }
0x12: {  	s1 =	sld [smem:$0x3F8B];
	s0 =	simm.s32 @p0 $0x1  }
0x13: {  	[smem:$0x3FA6] =	sst s0;
	s0 =	simm.s32 @!p1 $0x0  }
0x14: {  	s2 =	sld [smem:$0x3F8A];
	s0 =	simm.s32 @p1 $0x1  }
0x15: {  	[smem:$0x3FA7] =	sst s0;
	s0 =	simm.s32 @!p2 $0x0  }
0x16: {  	s3 =	sld [smem:$0x3FDB];
	s0 =	simm.s32 @p2 $0x1  }
0x17: {  	s4 =	simm.s32 $0x1BF5;
	[smem:$0x3FA9] =	sst s0  }
0x18: {  	s0 =	sld [smem:$0x3F8C];
	_ =	swait.ge [sflag:s4], $0x0  }
0x19: {  	s7 =	sld [smem:$0x3F8D]  }
0x1a: {  	s8 =	sadd.s32 $0xFFFFE003, lr  }
0x1b: {  	s9 =	sadd.s32 $0xFFFFFEF7, lr;
	s5 =	simm.s32 $0xFFFFFFFF;
	p2 =	slt.u32 s8, $0xFFFFF086  }
0x1c: {  	p1 =	slt.u32 s9, $0xF7A;
	s5 =	simm.s32 @!p2 $0x0  }
0x1d: {  	s5 =	simm.s32 @p1 $0x1;
	p0 =	seq.s32 s7, s2  }
0x1e: {  	s7 =	smul.u32 @!p0 $0xF7A, s2;
	p2 =	seq.s32 @!p0 s5, $0x0  }
0x1f: {  	s9 =	smul.u32 $0xF7A, s1;
	s8 =	simm.s32 @!p0 $0x1BF5;
	p2 =	por !p2, p0  }
0x20: {  	[sflag:s8] =	ssyncset.s32 @!p0 $0xFFFFF086;
	s6 =	sadd.s32 @!p0 s3, s7;
	s7 =	simm.s32 @!p0 $0x108  }
0x21: {  	s3 =	sadd.s32 s3, s9;
	s6 =	sadd.s32 @!p0 $0x88, s6;
	s7 =	simm.s32 @p2 $0x1082  }
0x22: {  	[simem:s7], [sflag:s8] =	dma.local @!p0 [hbm:s6], $0xF7A  }
0x23: {  	s9 =	sor.u32 $0xD0000000, s2;
	s6 =	simm.s32 $0x108;
	_ =	swait.ge @!p0 [sflag:s8], $0x0  }
0x24: {  	s3 =	sadd.s32 $0x88, s3;
	s6 =	simm.s32 @!p1 $0x1082;
	[sflag:s4] =	ssyncset.s32 $0xFFFFF086  }
0x25: {  	[simem:s6], [sflag:s4] =	dma.local [hbm:s3], $0xF7A  }
0x26: {  	[smem:$0x3F8D] =	sst s1;
	(tag) =	ssettag s2;
	_ =	strace s9  }
0x27: {  	s1 =	sld [smem:$0x3F9D]  }
0x28: {  	s2 =	sld [smem:$0x3F9E]  }
0x29: {  	s4 =	sld [smem:$0x3FA0]  }
0x2a: {  	p0 =	seq.s32 s5, $0x0;
	s5 =	sld [smem:$0x3FA1]  }
0x2b: {  	s6 =	sld [smem:$0x3FA2]  }
0x2c: {  	s7 =	sld [smem:$0x3FA3]  }
0x2d: {  	s3 =	simm.s32 $0x108;
	s8 =	sld [smem:$0x3FA4]  }
0x2e: {  	s3 =	simm.s32 @!p0 $0x1082;
	s9 =	sld [smem:$0x3FA5]  }
0x2f: {  	lr =	sadd.s32 s0, s3;
	s0 =	sld [smem:$0x3F9C]  }
0x30: {  	s3 =	sld [smem:$0x3F9F]  }
0x31: {  	[smem:$0x3FA8] =	sst s10  }
0x32: {  	s10 =	sld [smem:$0x3FA6];
	_ =	sdelay $0x3  }
0x33: {  	p0 =	seq.s32 s10, $0x1;
	s10 =	sld [smem:$0x3FA8];
	_ =	sdelay $0x3  }
0x34: {  	[smem:$0x3FA8] =	sst s10  }
0x35: {  	s10 =	sld [smem:$0x3FA7];
	_ =	sdelay $0x3  }
0x36: {  	p1 =	seq.s32 s10, $0x1;
	s10 =	sld [smem:$0x3FA8];
	_ =	sdelay $0x3  }
0x37: {  	[smem:$0x3FA8] =	sst s10  }
0x38: {  	s10 =	sld [smem:$0x3FA9]  }
0x39: {  	_ = 	snop;
	(pc) =	sbr.ind lr, $3  }
0x3a: {  	_ = 	snop  }
0x3b: {  	_ = 	snop  }
0x3c: {  	p2 =	seq.s32 s10, $0x1;
	s10 =	sld [smem:$0x3FA8]  }
0x3d: {  	_ =	shalt  }
0x3e: {  	_ =	shalt  }
0x3f: {  	_ =	shalt  }
0x40: {  	_ =	shalt  }
0x41: {  	_ =	shalt  }
0x42: {  	_ =	shalt  }
0x43: {  	_ =	shalt  }
0x44: {  	_ =	shalt  }
0x45: {  	_ =	shalt  }
0x46: {  	_ =	shalt  }
0x47: {  	_ =	shalt  }
0x48: {  	_ =	shalt  }
0x49: {  	_ =	shalt  }
0x4a: {  	_ =	shalt  }
0x4b: {  	_ =	shalt  }
0x4c: {  	_ =	shalt  }
0x4d: {  	_ =	shalt  }
0x4e: {  	_ =	shalt  }
0x4f: {  	_ =	shalt  }
0x50: {  	_ =	shalt  }
0x51: {  	_ =	shalt  }
0x52: {  	_ =	shalt  }
0x53: {  	_ =	shalt  }
0x54: {  	_ =	shalt  }
0x55: {  	_ =	shalt  }
0x56: {  	_ =	shalt  }
0x57: {  	_ =	shalt  }
0x58: {  	_ =	shalt  }
0x59: {  	_ =	shalt  }
0x5a: {  	_ =	shalt  }
0x5b: {  	_ =	shalt  }
0x5c: {  	_ =	shalt  }
0x5d: {  	_ =	shalt  }
0x5e: {  	_ =	shalt  }
0x5f: {  	_ =	shalt  }
0x60: {  	_ =	shalt  }
0x61: {  	_ =	shalt  }
0x62: {  	_ =	shalt  }
0x63: {  	_ =	shalt  }
0x64: {  	_ =	shalt  }
0x65: {  	_ =	shalt  }
0x66: {  	_ =	shalt  }
0x67: {  	_ =	shalt  }
0x68: {  	_ =	shalt  }
0x69: {  	_ =	shalt  }
0x6a: {  	_ =	shalt  }
0x6b: {  	_ =	shalt  }
0x6c: {  	_ =	shalt  }
0x6d: {  	_ =	shalt  }
0x6e: {  	_ =	shalt  }
0x6f: {  	_ =	shalt  }
0x70: {  	_ =	shalt  }
0x71: {  	_ =	shalt  }
0x72: {  	_ =	shalt  }
0x73: {  	_ =	shalt  }
0x74: {  	_ =	shalt  }
0x75: {  	_ =	shalt  }
0x76: {  	_ =	shalt  }
0x77: {  	_ =	shalt  }
0x78: {  	_ =	shalt  }
0x79: {  	_ =	shalt  }
0x7a: {  	_ =	shalt  }
0x7b: {  	_ =	shalt  }
0x7c: {  	_ =	shalt  }
0x7d: {  	_ =	shalt  }
0x7e: {  	_ =	shalt  }
0x7f: {  	_ =	shalt  }
0x80: {  	_ =	shalt  }
0x81: {  	_ =	shalt  }
0x82: {  	_ =	shalt  }
0x83: {  	_ =	shalt  }
0x84: {  	_ =	shalt  }
0x85: {  	_ =	shalt  }
0x86: {  	_ =	shalt  }
0x87: {  	_ =	shalt  }
.Lfunc_end0:
.L_simem_size_0:
called_computation.3_lowered:
.L_overlay_start_0:
0x88: {  	s2 =	sld [smem:$0x3FD9]  }
0x89: {  	s3 =	sld [smem:$0x3FFE];
	_ =	sdelay $0x1  }
0x8a: {  	s1 =	srdreg.scid  }
0x8b: {  	s0 =	sand.u32 $0x1, s1  }
0x8c: {  	s16 =	sshll.u32 s0, $0xA;
	s2 =	sadd.s32 s3, s2  }
0x8d: {  	s2 =	sadd.s32 s2, s16  }
0x8e: {  	[smem:$0x3FB4] =	sst s2  }
0x8f: {  	_ = 	snop  }
0x90: {  	(tm) =	ssettm $0x1  }
0x91: {  	s17 =	sld [smem:$0x3FFB];
	_ =	sdelay $0x3  }
0x92: {  	_ =	strace s17  }
0x93: {  	s2 =	sld [smem:$0x3FFC];
	_ =	sdelay $0x3  }
0x94: {  	_ =	strace s2  }
0x95: {  	s2 =	sld [smem:$0x3FFD];
	_ =	sdelay $0x3  }
0x96: {  	_ =	strace s2  }
0x97: {  	_ =	strace $0x8FFFFFFF  }
0x98: {  	s18 =	sld [smem:$0x3FDB];
	_ =	sdelay $0x1  }
0x99: {  	s19 =	simm.s32 $_scs_section_size  }
0x9a: {  	s4 =	simm.s32 $_size__tile_overlayer_lowered;
	s5 =	simm.s32 $_tile_overlayer_lowered  }
0x9b: {  	s22 =	simm.s32 $0x1BFF;
	s21 =	sshll.u32 s5, $0x1;
	s2 =	sadd.s32 s19, s18  }
0x9c: {  	s6 =	simm.s32 $0x0;
	s20 =	sshll.u32 s4, $0x1;
	s4 =	sadd.s32 s21, s2  }
0x9d: {  	[timem:s6], [sflag:s22] =	dma.local [hbm:s4], s20  }
0x9e: {  	_ =	swait.ge [sflag:s22], s20  }
0x9f: {  	s3 =	ssub.s32 $0x0, s20;
	[sflag:s22] =	ssyncset.done $0x0  }
0xa0: {  	[sflag:s22] =	ssyncadd.s32 s3;
	_ =	sdelay $0x1  }
0xa1: {  	s23 =	simm.s32 $0x1B8B  }
0xa2: {  	_ =	swait.ge [sflag:s23], $0x1  }
0xa3: {  	[sflag:s23] =	ssyncset.done $0x0  }
0xa4: {  	s25 =	simm.s32 $0x1B8E;
	s24 =	sld [smem:$0x3FFE];
	[sflag:s23] =	ssyncadd.s32 $0xFFFFFFFF  }
0xa5: {  	s26 =	simm.s32 $execute0_lowered;
	[smem:$0x3FD2] =	sst s25  }
0xa6: {  	s4 =	sshll.u32 s26, $0x1;
	_ =	strace $0x8000004F;
	[dreg:$0x1] =	wrdreg $0xFFFFFFFF  }
0xa7: {  	s28 =	simm.s32 $_size_execute0_lowered;
	s2 =	sadd.s32 s2, s4;
	[dreg:$0x0] =	wrdreg $0x0  }
0xa8: {  	s4 =	sshll.u32 s28, $0x1;
	[dreg:$0x2] =	wrdreg s2  }
0xa9: {  	[dreg:$0x3] =	wrdreg s4  }
0xaa: {  	[dreg:$0x4] =	wrdreg $0xC0  }
0xab: {  	_ =	task [dreg:s6], $0x5FFFF  }
0xac: {  	[dreg:$0x1] =	wrdreg $0xFFFFFFFF  }
0xad: {  	[dreg:$0x0] =	wrdreg $0x60  }
0xae: {  	[dreg:$0x2] =	wrdreg s24  }
0xaf: {  	[dreg:$0x3] =	wrdreg $0xA8000  }
0xb0: {  	[dreg:$0x4] =	wrdreg $0x9  }
0xb1: {  	_ =	task.clear_ibuf [dreg:s6], $0x5FFFF;
	_ =	strace $0x9000004F  }
0xb2: {  	s29 =	simm.s32 $0x9;
	_ =	strace $0x80000051  }
0xb3: {  	_ =	swait.ge [sflag:s29], $0x1  }
0xb4: {  	[sflag:s29] =	ssyncadd.s32 $0xFFFFFFFF  }
0xb5: {  	_ =	strace $0x90000051  }
0xb6: {  	_ =	sfence  }
0xb7: {  	s30 =	sld [smem:$0x0];
	_ =	sdelay $0x2  }
0xb8: {  	s31 =	sshll.u32 s1, $0xD;
	s1 =	sshrl.u32 s1, $0x2  }
0xb9: {  	s3 =	sand.u32 $0x4000, s31;
	s1 =	sadd.s32 s1, s30  }
0xba: {  	s0 =	sor.u32 s3, s0;
	s1 =	sshll.u32 s1, $0x11  }
0xbb: {  	s0 =	sor.u32 s1, s0  }
0xbc: {  	s0 =	sadd.s32 $0x8F2B, s0  }
0xbd: {  	[sflag:s0] =	ssyncadd.remote.s32 $0x1  }
0xbe: {  	_ =	sfence.sel $0xFFFF  }
0xbf: {  	[dreg:$0x0] =	wrdreg $0xFFFFFFFF;
	(pc) =	sbr.abs _section_cstart, $3  }
0xc0: {  	[dreg:$0x1] =	wrdreg $0xFFFFFFFF  }
0xc1: {  	_ =	task.clear_ibuf [dreg:s6], $0x2FFFF;
	_ =	strace $0x9FFFFFFF  }
0xc2: {  	(tm) =	ssettm $0x7FFFFFFF  }
0xc3: {  	_ =	shalt  }
tec
execute0_lowered:
.L_overlay_start_1:
0x0: {  	(tag) =	ssettag $0x1  }
0x1: {  	s4 =	rddreg [dreg:$0x0]  }
0x2: {  	s1 =	rddreg [dreg:$0x1]  }
0x3: {  	s0 =	rddreg [dreg:$0x2];
	s2 =	simm.s32 $0x0;
	s9 =	stileid.u32  }
0x4: {  	s3 =	srdreg.scid;
	s13 =	simm.s32 $0x50;
	s14 =	simm.s32 $0x0  }
0x5: {  	[smem:$0x7FF] =	sst s2;
	s5 =	sshll.u32 s9, $0xC;
	s6 =	smul.u32 $0x50000, s9  }
0x6: {  	s7 =	sand.u32 $0x1, s3;
	s3 =	sadd.s32 $0x21E00, s4;
	s11 =	sshll.u32 s9, $0x8  }
0x7: {  	p0 =	sne.s32 s9, $0x0;
	_ =	strace $0x80000050;
	s5 =	sadd.s32 s5, s4  }
0x8: {  	s8 =	smul.u32 $0x27100, s7;
	s29 =	ssub.s32 $0x2, s7;
	s31 =	sxor.u32 $0xFA0, s11  }
.Ltmp0:
0x9: {  	p1 =	seq.s32 s7, $0x1;
	s11 =	simm.s32 $0x1;
	(pc) =	sbr.rel .LBB2_1-.Ltmp0, $4  }
0xa: {  	s10 =	sadd.s32 s6, s4;
	s30 =	sshrl.u32 s29, $0x1;
	s8 =	sadd.s32 s8, s4  }
0xb: {  	s12 =	ssub.s32 s29, s30;
	s4 =	sadd.s32 $0xF4E200, s5;
	s5 =	smin.u32 s31, $0x100  }
0xc: {  	s9 =	sadd.s32 $0x1922200, s10;
	s6 =	sadd.s32 $0x98200, s8;
	s7 =	smax.u32 s12, $0x1  }
0xd: {  	s8 =	sadd.s32 $0x616800, s10;
	s10 =	sshrl.u32 @!p0 s1, $0x3;
	s12 =	simm.s32 $0x8000  }
.LBB2_4:
0xe: {  	[sflag:s11] =	ssyncadd.s32 $0xFFFFD800  }
.LBB2_8:
0xf: {  	[bflag:$0x0] =	sbarrier.arrive $0xFFFF;
	s15 =	simm.s32 @!p0 $0x1C01;
	s14 =	sadd.s32 $0x1, s14  }
0x10: {  	[hbm:s6], [sflag:s15] =	dma.local @!p0 [spmem:s10], $0x27100  }
0x11: {  	p2 =	sne.s32 s14, s7  }
.Ltmp1:
0x12: {  	_ = 	snop;
	(pc) =	sbr.rel @!p2 .LBB2_9-.Ltmp1, $4  }
0x13: {  	s15 =	simm.s32 @!p0 $0x1  }
0x14: {  	_ =	swait.ge @!p0 [sflag:s15], $0x27100  }
0x15: {  	[sflag:s15] =	ssyncset.done @!p0 $0x0  }
0x16: {  	[sflag:s15] =	ssyncadd.s32 @!p0 $0xFFFD8F00  }
.LBB2_1:
0x17: {  	s15 =	simm.s32 @!p0 $0x1C01  }
0x18: {  	[spmem:s10], [sflag:s15] =	dma.local @!p0 [hbm:s3], $0x27100  }
0x19: {  	s15 =	simm.s32 @!p0 $0x1  }
0x1a: {  	_ =	swait.ge @!p0 [sflag:s15], $0x27100  }
0x1b: {  	[sflag:s15] =	ssyncset.done @!p0 $0x0  }
0x1c: {  	[sflag:s15] =	ssyncadd.s32 @!p0 $0xFFFD8F00  }
.Ltmp2:
0x1d: {  	[bflag:$0x0] =	sbarrier.arrive $0xFFFF;
	(pc) =	sbr.rel @!p1 .LBB2_2-.Ltmp2, $4  }
0x1e: {  	[tilespmem:s2], [sflag:$0x1] =	stream.linear.gather [hbm4b:s4+s2], $0x8000, $0x38;
	[tilespmem:$0x1E080] =	vst v63  }
0x1f: {  	_ =	swait.ge [sflag:s11], $0x8000  }
0x20: {  	[sflag:s11] =	ssyncset.done $0x0  }
0x21: {  	[sflag:s11] =	ssyncadd.s32 $0xFFFF8000  }
0x22: {  	[tilespmem:s12], [sflag:$0x1] =	stream.linear.gather [hbm4b:s9+s2], $0x2800, $0x38;
	[tilespmem:$0x1E080] =	vst v63  }
0x23: {  	p2 =	sne.s32 s5, $0x1;
	_ =	swait.ge [sflag:s11], $0x2800  }
.Ltmp3:
0x24: {  	[sflag:s11] =	ssyncset.done $0x0;
	(pc) =	sbr.rel @!p2 .LBB2_7-.Ltmp3, $4  }
0x25: {  	[sflag:s11] =	ssyncadd.s32 $0xFFFFD800  }
0x26: {  	[spmem:s1] =	stream.indirect.scatter.add.f32 [tilespmem:s12], [sflag:$0x1], $0x80, s2, s13, $0xb8;
	[tilespmem:$0x1E080] =	vst v63  }
0x27: {  	s15 =	sadd.s32 $0xFFFFFFFF, s5;
	_ =	swait.ge [sflag:s11], $0x2800  }
0x28: {  	s16 =	simm.s32 $0x0;
	s17 =	smov.u32 s9;
	[sflag:s11] =	ssyncset.done $0x0  }
.LBB2_6:
0x29: {  	[sflag:s11] =	ssyncadd.s32 $0xFFFFD800;
	s16 =	sadd.s32 $0x80, s16;
	s17 =	sadd.s32 $0x500, s17  }
0x2a: {  	[tilespmem:s12], [sflag:$0x1] =	stream.linear.gather [hbm4b:s17+s2], $0x2800, $0x38;
	[tilespmem:$0x1E080] =	vst v63  }
0x2b: {  	p2 =	sne.s32 s15, $0x1;
	s15 =	sadd.s32 $0xFFFFFFFF, s15;
	_ =	swait.ge [sflag:s11], $0x2800  }
.Ltmp4:
0x2c: {  	[sflag:s11] =	ssyncset.done $0x0;
	(pc) =	sbr.rel @p2 .LBB2_6-.Ltmp4, $4  }
0x2d: {  	[sflag:s11] =	ssyncadd.s32 $0xFFFFD800  }
0x2e: {  	[spmem:s1] =	stream.indirect.scatter.add.f32 [tilespmem:s12], [sflag:$0x1], $0x80, s16, s13, $0xb8;
	[tilespmem:$0x1E080] =	vst v63  }
0x2f: {  	_ =	swait.ge [sflag:s11], $0x2800  }
0x30: {  	[sflag:s11] =	ssyncset.done $0x0  }
.LBB2_7:
.Ltmp5:
0x31: {  	(pc) =	sbr.rel .LBB2_8-.Ltmp5, $2  }
0x32: {  	_ =	sdelay $0x2  }
0x33: {  	[sflag:s11] =	ssyncadd.s32 $0xFFFFD800  }
.LBB2_2:
0x34: {  	[tilespmem:s12], [sflag:$0x1] =	stream.linear.gather [hbm4b:s8+s2], $0x2800, $0x38;
	[tilespmem:$0x1E080] =	vst v63  }
0x35: {  	p2 =	seq.s32 s5, $0x1;
	_ =	swait.ge [sflag:s11], $0x2800  }
.Ltmp6:
0x36: {  	[sflag:s11] =	ssyncset.done $0x0;
	(pc) =	sbr.rel @p2 .LBB2_4-.Ltmp6, $4  }
0x37: {  	[sflag:s11] =	ssyncadd.s32 $0xFFFFD800  }
0x38: {  	[spmem:s1] =	stream.indirect.scatter.add.f32 [tilespmem:s12], [sflag:$0x1], $0x80, s2, s13, $0xb8;
	[tilespmem:$0x1E080] =	vst v63  }
0x39: {  	s15 =	sadd.s32 $0xFFFFFFFF, s5;
	_ =	swait.ge [sflag:s11], $0x2800  }
0x3a: {  	s16 =	simm.s32 $0x0;
	s17 =	smov.u32 s8;
	[sflag:s11] =	ssyncset.done $0x0  }
.LBB2_3:
0x3b: {  	[sflag:s11] =	ssyncadd.s32 $0xFFFFD800;
	s16 =	sadd.s32 $0x80, s16;
	s17 =	sadd.s32 $0x500, s17  }
0x3c: {  	[tilespmem:s12], [sflag:$0x1] =	stream.linear.gather [hbm4b:s17+s2], $0x2800, $0x38;
	[tilespmem:$0x1E080] =	vst v63  }
0x3d: {  	p2 =	seq.s32 s15, $0x1;
	s15 =	sadd.s32 $0xFFFFFFFF, s15;
	_ =	swait.ge [sflag:s11], $0x2800  }
.Ltmp7:
0x3e: {  	[sflag:s11] =	ssyncset.done $0x0;
	(pc) =	sbr.rel @!p2 .LBB2_3-.Ltmp7, $4  }
0x3f: {  	[sflag:s11] =	ssyncadd.s32 $0xFFFFD800  }
0x40: {  	[spmem:s1] =	stream.indirect.scatter.add.f32 [tilespmem:s12], [sflag:$0x1], $0x80, s16, s13, $0xb8;
	[tilespmem:$0x1E080] =	vst v63  }
0x41: {  	_ =	swait.ge [sflag:s11], $0x2800  }
0x42: {  	[sflag:s11] =	ssyncset.done $0x0  }
.Ltmp8:
0x43: {  	_ = 	snop;
	(pc) =	sbr.rel .LBB2_4-.Ltmp8, $1  }
0x44: {  	_ =	sdelay $0x3  }
.LBB2_9:
0x45: {  	_ =	sfence.sel $0x180000  }
0x46: {  	[bflag:$0x0] =	sbarrier.arrive $0xFFFF  }
0x47: {  	_ =	strace $0x90000050  }
0x48: {  	s0 =	sadd.s32 @!p0 $0x100000, s0;
	[bflag:$0x2] =	sbarrier.arrive $0xFFFF  }
0x49: {  	[sflag:s0] =	ssyncadd.tile.s32 @!p0 $0x1;
	_ =	shalt  }
.Lfunc_end2:
_tile_overlayer_lowered:
.L_overlay_start_2:
0x4a: {  	(tag) =	ssettag $0x2  }
0x4b: {  	s0 =	rddreg [dreg:$0x0];
	s2 =	stileid.u32  }
0x4c: {  	s1 =	rddreg [dreg:$0x1];
	p0 =	sne.s32 s2, $0x0  }
0x4d: {  	s3 =	rddreg [dreg:$0x2];
	[bflag:$0x3] =	sbarrier.arrive $0xFFFF;
	s2 =	simm.s32 @!p0 $0x1C01  }
0x4e: {  	[timem:s3], [sflag:s2] =	dma.local @!p0 [hbm:s0], s1  }
0x4f: {  	s0 =	simm.s32 @!p0 $0x1  }
0x50: {  	_ =	swait.ge @!p0 [sflag:s0], s1  }
0x51: {  	s1 =	ssub.s32 @!p0 $0x0, s1;
	[sflag:s0] =	ssyncset.done @!p0 $0x0  }
0x52: {  	[sflag:s0] =	ssyncadd.s32 @!p0 s1  }
0x53: {  	[bflag:$0x3] =	sbarrier.arrive $0xFFFF  }
0x54: {  	_ =	shalt  }

</sc_bundles>
